<compile_context>
chip_gen: v7x
topology: tpu7x:2x2x1
jax: 0.10.2.dev20260603
libtpu: 0.0.44.dev20260713+nightly
codegen_flags: <defaults>
</compile_context>

<pallas_src>
import functools

import jax
import jax.numpy as jnp
import numpy as np
from jax import lax
from jax.experimental import pallas as pl
from jax.experimental.pallas import tpu as pltpu
from jax.experimental.pallas import tpu_sc as plsc

R0 = 5.0
DIM_A = 128
DIM_V = 64
DV3 = 3 * DIM_V
N_NODES = 10000
N_EDGES = 320000
LEAK = 0.1

NC = 2
NS = 16
NW = NC * NS

CH = 128

EPW_G = N_EDGES // NW
NCH_G = EPW_G // CH
TAIL_G = EPW_G - NCH_G * CH

CH_S = 32
EPT_S = N_EDGES // NS
NCH_S = EPT_S // CH_S

NODE0 = 5008
ACC_ROWS = NODE0 + 8
DUMP = NODE0
NPT = 312
ZREM = ACC_ROWS - NS * NPT

_CC = (0.9999994437335172, -19.739034402900092, 64.93061469583039,
       -85.29598973511935, 58.912659471953766, -21.283218653850707)
_RND = 12582912.0


def _gather_body(dst_hbm, emb_hbm, out_hbm, idx0, idx1, idx_t,
                 rows0, rows1, rows_t, ji0, ji1, js0, js1):
    c = lax.axis_index("c")
    s = lax.axis_index("s")
    wid = s * NC + c
    base = wid * EPW_G
    idx = (idx0, idx1)
    rows = (rows0, rows1)
    ji = (ji0, ji1)
    js = (js0, js1)

    def prologue(ci, b):
        off = base + ci * CH
        pltpu.sync_copy(dst_hbm.at[pl.ds(off, CH)], idx[b])
        pltpu.sync_copy(emb_hbm.at[idx[b]], rows[b])
        pltpu.async_copy(rows[b], out_hbm.at[pl.ds(off, CH)], js[b])
        pltpu.async_copy(dst_hbm.at[pl.ds(off + 2 * CH, CH)], idx[b], ji[b])

    prologue(0, 0)
    prologue(1, 1)

    def step(ci, b):
        off = base + ci * CH
        pltpu.make_async_copy(dst_hbm.at[pl.ds(off, CH)],
                              idx[b], ji[b]).wait()
        pltpu.make_async_copy(rows[b],
                              out_hbm.at[pl.ds(off, CH)], js[b]).wait()
        pltpu.sync_copy(emb_hbm.at[idx[b]], rows[b])
        pltpu.async_copy(rows[b], out_hbm.at[pl.ds(off, CH)], js[b])

        @pl.when(ci + 2 < NCH_G)
        def _():
            pltpu.async_copy(dst_hbm.at[pl.ds(off + 2 * CH, CH)],
                             idx[b], ji[b])

    def chunk(i, carry):
        ci = 2 * i + 2
        step(ci, 0)
        step(ci + 1, 1)
        return carry

    lax.fori_loop(0, (NCH_G - 2) // 2, chunk, 0)
    for b in (0, 1):
        off = base + (NCH_G - 2 + b) * CH
        pltpu.make_async_copy(rows[b],
                              out_hbm.at[pl.ds(off, CH)], js[b]).wait()
    off = base + NCH_G * CH
    pltpu.sync_copy(dst_hbm.at[pl.ds(off, TAIL_G)], idx_t)
    pltpu.sync_copy(emb_hbm.at[idx_t], rows_t)
    pltpu.sync_copy(rows_t, out_hbm.at[pl.ds(off, TAIL_G)])


BE = 4000


def _tc_body(rij_ref, emb_ref, w1, b1r, w2, b2r, w3, wvt,
             phi_ref, gxy_ref, gz_ref):
    r = rij_ref[...]
    emb = emb_ref[...]
    rx = r[:, 0:1]
    ry = r[:, 1:2]
    rz = r[:, 2:3]
    sc = 7.0 / R0
    d2 = rx * rx + ry * ry + rz * rz
    irt = lax.rsqrt(jnp.concatenate(
        [jnp.maximum(d2, 1e-30), 1.0 + (sc * sc) * d2], axis=1))
    d = d2 * irt[:, 0:1]
    inv = sc * irt[:, 1:2]

    k = lax.broadcasted_iota(jnp.int32, (1, DIM_A), 1)
    j = k % (DIM_A // 2)
    m = (1 + j // 2).astype(jnp.float32)
    ct = m * (1.0 / (2.0 * R0))
    st = jnp.where(k < DIM_A // 2, 0.0, 0.25).astype(jnp.float32)
    y = d * ct - st
    f = y - jnp.floor(y + 0.5)
    u = f * f
    p = jnp.float32(_CC[5])
    for cc in (_CC[4], _CC[3], _CC[2], _CC[1], _CC[0]):
        p = p * u + cc
    enc = p + emb

    h = jnp.dot(enc, w1[...], preferred_element_type=jnp.float32) + b1r[...]
    h = jnp.where(h >= 0, h, LEAK * h)
    h = jnp.dot(h, w2[...], preferred_element_type=jnp.float32) + b2r[...]
    h = jnp.where(h >= 0, h, LEAK * h)
    rad = jnp.dot(h, w3[...], preferred_element_type=jnp.float32)
    g = jnp.dot(rad, wvt[...], preferred_element_type=jnp.float32)

    phi_ref[...] = rad
    gxy_ref[...] = jnp.concatenate([g * (rx * inv), g * (ry * inv)], axis=1)
    gz_ref[...] = jnp.concatenate(
        [g * (rz * inv), jnp.zeros((BE, DIM_V), jnp.float32)], axis=1)


_tc_call = pl.pallas_call(
    _tc_body,
    grid=(N_EDGES // BE,),
    in_specs=[
        pl.BlockSpec((BE, 3), lambda i: (i, 0)),
        pl.BlockSpec((BE, DIM_A), lambda i: (i, 0)),
        pl.BlockSpec((DIM_A, DIM_A), lambda i: (0, 0)),
        pl.BlockSpec((1, DIM_A), lambda i: (0, 0)),
        pl.BlockSpec((DIM_A, DIM_A), lambda i: (0, 0)),
        pl.BlockSpec((1, DIM_A), lambda i: (0, 0)),
        pl.BlockSpec((DIM_A, DIM_A), lambda i: (0, 0)),
        pl.BlockSpec((DIM_A, DIM_V), lambda i: (0, 0)),
    ],
    out_specs=[
        pl.BlockSpec((BE, DIM_A), lambda i: (i, 0)),
        pl.BlockSpec((BE, DIM_A), lambda i: (i, 0)),
        pl.BlockSpec((BE, DIM_A), lambda i: (i, 0)),
    ],
    out_shape=[
        jax.ShapeDtypeStruct((N_EDGES, DIM_A), jnp.float32),
        jax.ShapeDtypeStruct((N_EDGES, DIM_A), jnp.float32),
        jax.ShapeDtypeStruct((N_EDGES, DIM_A), jnp.float32),
    ],
)


def _zero_buf(buf, rows, lanes):
    def zrow(i, carry):
        for j in range(lanes // 16):
            buf[i, pl.ds(j * 16, 16)] = jnp.zeros((16,), jnp.float32)
        return carry

    lax.fori_loop(0, rows, zrow, 0)


def _scatter_body(src_hbm, phi_hbm, gxy_hbm, gz_hbm, outa, outv,
                  sidx0, sidx1, sx0, sx1, bufp0, bufp1, bufv0, bufv1,
                  acc_a, acc_v,
                  li0, li1, lp0, lp1, lv0, lv1, lz0, lz1):
    c = lax.axis_index("c")
    s = lax.axis_index("s")
    base = c * NODE0
    limit = NODE0 - 16 * c

    sidx = (sidx0, sidx1)
    sx = (sx0, sx1)
    bufp = (bufp0, bufp1)
    bufv = (bufv0, bufv1)
    li = (li0, li1)
    lp = (lp0, lp1)
    lv = (lv0, lv1)
    lz = (lz0, lz1)

    _zero_buf(bufp0, CH_S, DIM_A)
    _zero_buf(bufv0, CH_S, DV3)
    r0 = s * NPT
    for o in range(0, NPT, CH_S):
        n = min(CH_S, NPT - o)
        pltpu.sync_copy(bufp0.at[pl.ds(0, n)], acc_a.at[pl.ds(r0 + o, n)])
        pltpu.sync_copy(bufv0.at[pl.ds(0, n)], acc_v.at[pl.ds(r0 + o, n)])

    @pl.when(s == 0)
    def _():
        pltpu.sync_copy(bufp0.at[pl.ds(0, ZREM)],
                        acc_a.at[pl.ds(NS * NPT, ZREM)])
        pltpu.sync_copy(bufv0.at[pl.ds(0, ZREM)],
                        acc_v.at[pl.ds(NS * NPT, ZREM)])

    plsc.subcore_barrier()

    ebase = s * EPT_S

    def fire_loads(ci, b):
        off = ebase + ci * CH_S
        pltpu.async_copy(src_hbm.at[s, pl.ds(ci * CH_S, CH_S)], sidx[b], li[b])
        pltpu.async_copy(phi_hbm.at[pl.ds(off, CH_S)], bufp[b], lp[b])
        pltpu.async_copy(gxy_hbm.at[pl.ds(off, CH_S)],
                         bufv[b].at[:, pl.ds(0, DIM_A)], lv[b])
        pltpu.async_copy(gz_hbm.at[pl.ds(off, CH_S), pl.ds(0, DIM_V)],
                         bufv[b].at[:, pl.ds(DIM_A, DIM_V)], lz[b])

    def process(ci, b):
        off = ebase + ci * CH_S
        pltpu.make_async_copy(src_hbm.at[s, pl.ds(ci * CH_S, CH_S)],
                              sidx[b], li[b]).wait()
        for v in range(CH_S // 16):
            x = sidx[b][pl.ds(v * 16, 16)]
            yy = x - base
            valid = (yy >= 0) & (yy < limit)
            sx[b][pl.ds(v * 16, 16)] = jnp.where(valid, yy, DUMP)
        pltpu.make_async_copy(phi_hbm.at[pl.ds(off, CH_S)],
                              bufp[b], lp[b]).wait()
        pltpu.sync_copy(bufp[b], acc_a.at[sx[b]], add=True)
        pltpu.make_async_copy(gxy_hbm.at[pl.ds(off, CH_S)],
                              bufv[b].at[:, pl.ds(0, DIM_A)], lv[b]).wait()
        pltpu.make_async_copy(gz_hbm.at[pl.ds(off, CH_S), pl.ds(0, DIM_V)],
                              bufv[b].at[:, pl.ds(DIM_A, DIM_V)], lz[b]).wait()
        pltpu.sync_copy(bufv[b], acc_v.at[sx[b]], add=True)

        @pl.when(ci + 2 < NCH_S)
        def _():
            fire_loads(ci + 2, b)

    fire_loads(0, 0)
    fire_loads(1, 1)

    def pair(i2, carry):
        process(2 * i2, 0)
        process(2 * i2 + 1, 1)
        return carry

    lax.fori_loop(0, NCH_S // 2, pair, 0)
    process(NCH_S - 1, 0)

    plsc.subcore_barrier()

    pltpu.sync_copy(acc_a.at[pl.ds(r0, NPT)], outa.at[pl.ds(base + r0, NPT)])
    pltpu.sync_copy(acc_v.at[pl.ds(r0, NPT)], outv.at[pl.ds(base + r0, NPT)])

    @pl.when((s == 0) & (c == 0))
    def _():
        pltpu.sync_copy(acc_a.at[pl.ds(NS * NPT, 16)],
                        outa.at[pl.ds(NS * NPT, 16)])
        pltpu.sync_copy(acc_v.at[pl.ds(NS * NPT, 16)],
                        outv.at[pl.ds(NS * NPT, 16)])


@functools.lru_cache(maxsize=None)
def _sc_kernels():
    mesh = plsc.VectorSubcoreMesh(core_axis_name="c", subcore_axis_name="s",
                                  num_cores=NC, num_subcores=NS)
    gather_k = pl.kernel(
        _gather_body,
        out_type=jax.ShapeDtypeStruct((N_EDGES, DIM_A), jnp.float32),
        mesh=mesh,
        scratch_types=[
            pltpu.VMEM((CH,), jnp.int32),
            pltpu.VMEM((CH,), jnp.int32),
            pltpu.VMEM((TAIL_G,), jnp.int32),
            pltpu.VMEM((CH, DIM_A), jnp.float32),
            pltpu.VMEM((CH, DIM_A), jnp.float32),
            pltpu.VMEM((TAIL_G, DIM_A), jnp.float32),
        ] + [pltpu.SemaphoreType.DMA] * 4,
    )
    scatter_k = pl.kernel(
        _scatter_body,
        compiler_params=pltpu.CompilerParams(use_tc_tiling_on_sc=False),
        out_type=[
            jax.ShapeDtypeStruct((N_NODES, DIM_A), jnp.float32),
            jax.ShapeDtypeStruct((N_NODES, DV3), jnp.float32),
        ],
        mesh=mesh,
        scratch_types=[
            pltpu.VMEM((CH_S,), jnp.int32),
            pltpu.VMEM((CH_S,), jnp.int32),
            pltpu.VMEM((CH_S,), jnp.int32),
            pltpu.VMEM((CH_S,), jnp.int32),
            pltpu.VMEM((CH_S, DIM_A), jnp.float32),
            pltpu.VMEM((CH_S, DIM_A), jnp.float32),
            pltpu.VMEM((CH_S, DV3), jnp.float32),
            pltpu.VMEM((CH_S, DV3), jnp.float32),
            pltpu.VMEM_SHARED((ACC_ROWS, DIM_A), jnp.float32),
            pltpu.VMEM_SHARED((ACC_ROWS, DV3), jnp.float32),
        ] + [pltpu.SemaphoreType.DMA] * 8,
    )
    return gather_k, scatter_k


def kernel(graph, r_ij, res_emb, W1, b1, W2, b2, W3, Wv):
    _gather_k, _scatter_k = _sc_kernels()
    src = graph[0]
    dst = graph[1]
    emb_j = _gather_k(dst, res_emb)
    phi, gxy, gz = _tc_call(r_ij, emb_j, W1.T, b1[None, :], W2.T, b2[None, :],
                            W3.T, Wv.T)
    a_acc, v_acc = _scatter_k(src.reshape(NS, EPT_S), phi, gxy, gz)
    out_v = v_acc.reshape(N_NODES, 3, DIM_V).transpose(0, 2, 1)
    return (a_acc, out_v)

# --- scband reference (transcript-rebuilt; emitter-appended) ---
"""Pipeline reference for scband-displacement-tensors-27127013442038 (READ-ONLY COPY).

The authoritative reference and input builder live on the scoring server;
editing this copy changes nothing except your own understanding.
"""

import jax, jax.numpy as jnp
import numpy as np

R0 = 5.0
DIM_A = 128
DIM_V = 64
N_NODES = 10000
N_EDGES = 320000
LEAK = 0.1


def radial_encode(r, n, rmax):
    # r: (..., 3) -> (..., n)
    hn = (n + 1) // 2
    coeffs = jnp.pi / rmax * (1 + jnp.arange(0, hn) // 2)
    dist = jnp.linalg.norm(r, axis=-1)[..., None]
    phase = coeffs * dist
    return jnp.concatenate([jnp.cos(phase), jnp.sin(phase[..., : n - hn])], axis=-1)


def tens_sigmoid_rank1(x):
    # equivariant saturating nonlinearity for rank-1 tensors: x / sqrt(1 + |x|^2)
    n2 = jnp.sum(x * x, axis=-1, keepdims=True)
    return x / jnp.sqrt(1.0 + n2)


def leaky(x):
    return jnp.where(x >= 0, x, LEAK * x)


def setup_inputs(seed: int = 0):
    key = jax.random.key(seed)
    ks = jax.random.split(key, 10)
    graph = jax.random.randint(ks[0], (2, N_EDGES), 0, N_NODES, dtype=jnp.int32)
    r_ij = jax.random.normal(ks[1], (N_EDGES, 3), dtype=jnp.float32) * 2.0
    res_emb = jax.random.normal(ks[2], (N_NODES, DIM_A), dtype=jnp.float32)
    s = 1.0 / np.sqrt(DIM_A)
    W1 = jax.random.normal(ks[3], (DIM_A, DIM_A), dtype=jnp.float32) * s
    b1 = jnp.zeros((DIM_A,), dtype=jnp.float32)
    W2 = jax.random.normal(ks[4], (DIM_A, DIM_A), dtype=jnp.float32) * s
    b2 = jnp.zeros((DIM_A,), dtype=jnp.float32)
    W3 = jax.random.normal(ks[5], (DIM_A, DIM_A), dtype=jnp.float32) * s
    Wv = jax.random.normal(ks[6], (DIM_V, DIM_A), dtype=jnp.float32) * s
    return {"graph": graph, "r_ij": r_ij, "res_emb": res_emb,
            "W1": W1, "b1": b1, "W2": W2, "b2": b2, "W3": W3, "Wv": Wv}


def reference(graph, r_ij, res_emb, W1, b1, W2, b2, W3, Wv):
    src = graph[0]
    dst = graph[1]
    # edges_read_dst: gather node features at destination node of each edge
    res_emb_j = jnp.take(res_emb, dst, axis=0)                      # (E, dim_a)
    enc = radial_encode(r_ij, DIM_A, R0) + res_emb_j                # (E, dim_a)
    # mlp_radial: Linear -> LeakyReLU -> Linear -> LeakyReLU -> Linear(no bias)
    h = leaky(enc @ W1.T + b1)
    h = leaky(h @ W2.T + b2)
    rad_enc_ij = h @ W3.T                                           # (E, dim_a)
    r_s = tens_sigmoid_rank1(r_ij * (7.0 / R0))                     # (E, 3)
    phi_a_ij = rad_enc_ij                                           # (E, dim_a)
    phi_v_ij = rad_enc_ij[..., None] * r_s[..., None, :]            # (E, dim_a, 3)
    # edges_reduce_src: scatter-add edge features onto source nodes
    A_a_i = jax.ops.segment_sum(phi_a_ij, src, num_segments=N_NODES)   # (N, dim_a)
    A_v_i = jax.ops.segment_sum(phi_v_ij, src, num_segments=N_NODES)   # (N, dim_a, 3)
    # TensLinear(rank=1): channel-mixing linear over dim_a, no bias (equivariant)
    out_v = jnp.einsum("nac,va->nvc", A_v_i, Wv)                    # (N, dim_v, 3)
    return (A_a_i, out_v)

if __name__ == "__main__":
    import jax
    _d = setup_inputs()
    print(jax.jit(kernel)(*tuple(_d.values())))

</pallas_src>

<mosaic_0001>
#map = affine_map<(d0, d1) -> (0, 0)>
module attributes {stable_mosaic.version = 14 : i64} {
  func.func @_scatter_body(%arg0: i32, %arg1: i32, %arg2: memref<16x20000xi32, #tpu.memory_space<hbm>>, %arg3: memref<320000x128xf32, #tpu.memory_space<hbm>>, %arg4: memref<320000x128xf32, #tpu.memory_space<hbm>>, %arg5: memref<320000x128xf32, #tpu.memory_space<hbm>>, %arg6: memref<10000x128xf32, #tpu.memory_space<hbm>>, %arg7: memref<10000x192xf32, #tpu.memory_space<hbm>>, %arg8: memref<32xi32, #tpu.memory_space<vmem>>, %arg9: memref<32xi32, #tpu.memory_space<vmem>>, %arg10: memref<32xi32, #tpu.memory_space<vmem>>, %arg11: memref<32xi32, #tpu.memory_space<vmem>>, %arg12: memref<32x128xf32, #tpu.memory_space<vmem>>, %arg13: memref<32x128xf32, #tpu.memory_space<vmem>>, %arg14: memref<32x192xf32, #tpu.memory_space<vmem>>, %arg15: memref<32x192xf32, #tpu.memory_space<vmem>>, %arg16: memref<5016x128xf32, #tpu.memory_space<vmem_shared>>, %arg17: memref<5016x192xf32, #tpu.memory_space<vmem_shared>>, %arg18: memref<!tpu.dma_semaphore, #tpu.memory_space<semaphore_mem>>, %arg19: memref<!tpu.dma_semaphore, #tpu.memory_space<semaphore_mem>>, %arg20: memref<!tpu.dma_semaphore, #tpu.memory_space<semaphore_mem>>, %arg21: memref<!tpu.dma_semaphore, #tpu.memory_space<semaphore_mem>>, %arg22: memref<!tpu.dma_semaphore, #tpu.memory_space<semaphore_mem>>, %arg23: memref<!tpu.dma_semaphore, #tpu.memory_space<semaphore_mem>>, %arg24: memref<!tpu.dma_semaphore, #tpu.memory_space<semaphore_mem>>, %arg25: memref<!tpu.dma_semaphore, #tpu.memory_space<semaphore_mem>>) attributes {dimension_semantics = [#tpu.dimension_semantics<core_parallel>, #tpu.dimension_semantics<subcore_parallel>], iteration_bounds = array<i64: 2, 16>, scalar_prefetch = 0 : i64, scratch_operands = 18 : i64, tpu.core_type = #tpu.core_type<sc_vector_subcore>, window_params = [{transform_indices = #map}, {transform_indices = #map}, {transform_indices = #map}, {transform_indices = #map}, {transform_indices = #map}, {transform_indices = #map}]} {
    %mul3A = arith.constant 5008 : i32
    %mul3A_0 = arith.muli %arg0, %mul3A : i32
    %mul3A_1 = arith.constant 16 : i32
    %mul3A_2 = arith.muli %mul3A_1, %arg0 : i32
    %sub3A = arith.constant 5008 : i32
    %sub3A_3 = arith.subi %sub3A, %mul3A_2 : i32
    %scan3A = arith.constant 0 : i32
    %scan3A_4 = arith.constant 0 : i32
    %scan3A_5 = arith.constant 32 : i32
    %scan3A_6 = arith.addi %scan3A_4, %scan3A_5 : i32
    %scan3A_7 = arith.constant 1 : i32
    scf.for %scan3A_199 = %scan3A_4 to %scan3A_6 step %scan3A_7  : i32 {
      %broadcast_in_dim3A_200 = arith.constant 0.000000e+00 : f32
      %broadcast_in_dim3A_201 = vector.broadcast %broadcast_in_dim3A_200 : f32 to vector<16xf32>
      %swap3A_202 = arith.index_cast %scan3A_199 : i32 to index
      %swap3A_203 = arith.constant 0 : index
      %swap3A_204 = tpu.vector_load %arg12[%swap3A_202, %swap3A_203] {strides = array<i32>} : memref<32x128xf32, #tpu.memory_space<vmem>>, vector<1x16xf32>,
      %swap3A_205 = vector.shape_cast %swap3A_204 : vector<1x16xf32> to vector<16xf32>
      %swap3A_206 = vector.shape_cast %broadcast_in_dim3A_201 : vector<16xf32> to vector<1x16xf32>
      tpu.vector_store %arg12[%swap3A_202, %swap3A_203], %swap3A_206 {strides = array<i32>} : memref<32x128xf32, #tpu.memory_space<vmem>>, vector<1x16xf32>,
      %broadcast_in_dim3A_207 = arith.constant 0.000000e+00 : f32
      %broadcast_in_dim3A_208 = vector.broadcast %broadcast_in_dim3A_207 : f32 to vector<16xf32>
      %swap3A_209 = arith.index_cast %scan3A_199 : i32 to index
      %swap3A_210 = arith.constant 16 : index
      %swap3A_211 = tpu.vector_load %arg12[%swap3A_209, %swap3A_210] {strides = array<i32>} : memref<32x128xf32, #tpu.memory_space<vmem>>, vector<1x16xf32>,
      %swap3A_212 = vector.shape_cast %swap3A_211 : vector<1x16xf32> to vector<16xf32>
      %swap3A_213 = vector.shape_cast %broadcast_in_dim3A_208 : vector<16xf32> to vector<1x16xf32>
      tpu.vector_store %arg12[%swap3A_209, %swap3A_210], %swap3A_213 {strides = array<i32>} : memref<32x128xf32, #tpu.memory_space<vmem>>, vector<1x16xf32>,
      %broadcast_in_dim3A_214 = arith.constant 0.000000e+00 : f32
      %broadcast_in_dim3A_215 = vector.broadcast %broadcast_in_dim3A_214 : f32 to vector<16xf32>
      %swap3A_216 = arith.index_cast %scan3A_199 : i32 to index
      %swap3A_217 = arith.constant 32 : index
      %swap3A_218 = tpu.vector_load %arg12[%swap3A_216, %swap3A_217] {strides = array<i32>} : memref<32x128xf32, #tpu.memory_space<vmem>>, vector<1x16xf32>,
      %swap3A_219 = vector.shape_cast %swap3A_218 : vector<1x16xf32> to vector<16xf32>
      %swap3A_220 = vector.shape_cast %broadcast_in_dim3A_215 : vector<16xf32> to vector<1x16xf32>
      tpu.vector_store %arg12[%swap3A_216, %swap3A_217], %swap3A_220 {strides = array<i32>} : memref<32x128xf32, #tpu.memory_space<vmem>>, vector<1x16xf32>,
      %broadcast_in_dim3A_221 = arith.constant 0.000000e+00 : f32
      %broadcast_in_dim3A_222 = vector.broadcast %broadcast_in_dim3A_221 : f32 to vector<16xf32>
      %swap3A_223 = arith.index_cast %scan3A_199 : i32 to index
      %swap3A_224 = arith.constant 48 : index
      %swap3A_225 = tpu.vector_load %arg12[%swap3A_223, %swap3A_224] {strides = array<i32>} : memref<32x128xf32, #tpu.memory_space<vmem>>, vector<1x16xf32>,
      %swap3A_226 = vector.shape_cast %swap3A_225 : vector<1x16xf32> to vector<16xf32>
      %swap3A_227 = vector.shape_cast %broadcast_in_dim3A_222 : vector<16xf32> to vector<1x16xf32>
      tpu.vector_store %arg12[%swap3A_223, %swap3A_224], %swap3A_227 {strides = array<i32>} : memref<32x128xf32, #tpu.memory_space<vmem>>, vector<1x16xf32>,
      %broadcast_in_dim3A_228 = arith.constant 0.000000e+00 : f32
      %broadcast_in_dim3A_229 = vector.broadcast %broadcast_in_dim3A_228 : f32 to vector<16xf32>
      %swap3A_230 = arith.index_cast %scan3A_199 : i32 to index
      %swap3A_231 = arith.constant 64 : index
      %swap3A_232 = tpu.vector_load %arg12[%swap3A_230, %swap3A_231] {strides = array<i32>} : memref<32x128xf32, #tpu.memory_space<vmem>>, vector<1x16xf32>,
      %swap3A_233 = vector.shape_cast %swap3A_232 : vector<1x16xf32> to vector<16xf32>
      %swap3A_234 = vector.shape_cast %broadcast_in_dim3A_229 : vector<16xf32> to vector<1x16xf32>
      tpu.vector_store %arg12[%swap3A_230, %swap3A_231], %swap3A_234 {strides = array<i32>} : memref<32x128xf32, #tpu.memory_space<vmem>>, vector<1x16xf32>,
      %broadcast_in_dim3A_235 = arith.constant 0.000000e+00 : f32
      %broadcast_in_dim3A_236 = vector.broadcast %broadcast_in_dim3A_235 : f32 to vector<16xf32>
      %swap3A_237 = arith.index_cast %scan3A_199 : i32 to index
      %swap3A_238 = arith.constant 80 : index
      %swap3A_239 = tpu.vector_load %arg12[%swap3A_237, %swap3A_238] {strides = array<i32>} : memref<32x128xf32, #tpu.memory_space<vmem>>, vector<1x16xf32>,
      %swap3A_240 = vector.shape_cast %swap3A_239 : vector<1x16xf32> to vector<16xf32>
      %swap3A_241 = vector.shape_cast %broadcast_in_dim3A_236 : vector<16xf32> to vector<1x16xf32>
      tpu.vector_store %arg12[%swap3A_237, %swap3A_238], %swap3A_241 {strides = array<i32>} : memref<32x128xf32, #tpu.memory_space<vmem>>, vector<1x16xf32>,
      %broadcast_in_dim3A_242 = arith.constant 0.000000e+00 : f32
      %broadcast_in_dim3A_243 = vector.broadcast %broadcast_in_dim3A_242 : f32 to vector<16xf32>
      %swap3A_244 = arith.index_cast %scan3A_199 : i32 to index
      %swap3A_245 = arith.constant 96 : index
      %swap3A_246 = tpu.vector_load %arg12[%swap3A_244, %swap3A_245] {strides = array<i32>} : memref<32x128xf32, #tpu.memory_space<vmem>>, vector<1x16xf32>,
      %swap3A_247 = vector.shape_cast %swap3A_246 : vector<1x16xf32> to vector<16xf32>
      %swap3A_248 = vector.shape_cast %broadcast_in_dim3A_243 : vector<16xf32> to vector<1x16xf32>
      tpu.vector_store %arg12[%swap3A_244, %swap3A_245], %swap3A_248 {strides = array<i32>} : memref<32x128xf32, #tpu.memory_space<vmem>>, vector<1x16xf32>,
      %broadcast_in_dim3A_249 = arith.constant 0.000000e+00 : f32
      %broadcast_in_dim3A_250 = vector.broadcast %broadcast_in_dim3A_249 : f32 to vector<16xf32>
      %swap3A_251 = arith.index_cast %scan3A_199 : i32 to index
      %swap3A_252 = arith.constant 112 : index
      %swap3A_253 = tpu.vector_load %arg12[%swap3A_251, %swap3A_252] {strides = array<i32>} : memref<32x128xf32, #tpu.memory_space<vmem>>, vector<1x16xf32>,
      %swap3A_254 = vector.shape_cast %swap3A_253 : vector<1x16xf32> to vector<16xf32>
      %swap3A_255 = vector.shape_cast %broadcast_in_dim3A_250 : vector<16xf32> to vector<1x16xf32>
      tpu.vector_store %arg12[%swap3A_251, %swap3A_252], %swap3A_255 {strides = array<i32>} : memref<32x128xf32, #tpu.memory_space<vmem>>, vector<1x16xf32>,
    }
    %scan3A_8 = arith.constant 32 : i32
    %scan3A_9 = arith.constant 0 : i32
    %scan3A_10 = arith.constant 0 : i32
    %scan3A_11 = arith.constant 32 : i32
    %scan3A_12 = arith.addi %scan3A_10, %scan3A_11 : i32
    %scan3A_13 = arith.constant 1 : i32
    scf.for %scan3A_199 = %scan3A_10 to %scan3A_12 step %scan3A_13  : i32 {
      %broadcast_in_dim3A_200 = arith.constant 0.000000e+00 : f32
      %broadcast_in_dim3A_201 = vector.broadcast %broadcast_in_dim3A_200 : f32 to vector<16xf32>
      %swap3A_202 = arith.index_cast %scan3A_199 : i32 to index
      %swap3A_203 = arith.constant 0 : index
      %swap3A_204 = tpu.vector_load %arg14[%swap3A_202, %swap3A_203] {strides = array<i32>} : memref<32x192xf32, #tpu.memory_space<vmem>>, vector<1x16xf32>,
      %swap3A_205 = vector.shape_cast %swap3A_204 : vector<1x16xf32> to vector<16xf32>
      %swap3A_206 = vector.shape_cast %broadcast_in_dim3A_201 : vector<16xf32> to vector<1x16xf32>
      tpu.vector_store %arg14[%swap3A_202, %swap3A_203], %swap3A_206 {strides = array<i32>} : memref<32x192xf32, #tpu.memory_space<vmem>>, vector<1x16xf32>,
      %broadcast_in_dim3A_207 = arith.constant 0.000000e+00 : f32
      %broadcast_in_dim3A_208 = vector.broadcast %broadcast_in_dim3A_207 : f32 to vector<16xf32>
      %swap3A_209 = arith.index_cast %scan3A_199 : i32 to index
      %swap3A_210 = arith.constant 16 : index
      %swap3A_211 = tpu.vector_load %arg14[%swap3A_209, %swap3A_210] {strides = array<i32>} : memref<32x192xf32, #tpu.memory_space<vmem>>, vector<1x16xf32>,
      %swap3A_212 = vector.shape_cast %swap3A_211 : vector<1x16xf32> to vector<16xf32>
      %swap3A_213 = vector.shape_cast %broadcast_in_dim3A_208 : vector<16xf32> to vector<1x16xf32>
      tpu.vector_store %arg14[%swap3A_209, %swap3A_210], %swap3A_213 {strides = array<i32>} : memref<32x192xf32, #tpu.memory_space<vmem>>, vector<1x16xf32>,
      %broadcast_in_dim3A_214 = arith.constant 0.000000e+00 : f32
      %broadcast_in_dim3A_215 = vector.broadcast %broadcast_in_dim3A_214 : f32 to vector<16xf32>
      %swap3A_216 = arith.index_cast %scan3A_199 : i32 to index
      %swap3A_217 = arith.constant 32 : index
      %swap3A_218 = tpu.vector_load %arg14[%swap3A_216, %swap3A_217] {strides = array<i32>} : memref<32x192xf32, #tpu.memory_space<vmem>>, vector<1x16xf32>,
      %swap3A_219 = vector.shape_cast %swap3A_218 : vector<1x16xf32> to vector<16xf32>
      %swap3A_220 = vector.shape_cast %broadcast_in_dim3A_215 : vector<16xf32> to vector<1x16xf32>
      tpu.vector_store %arg14[%swap3A_216, %swap3A_217], %swap3A_220 {strides = array<i32>} : memref<32x192xf32, #tpu.memory_space<vmem>>, vector<1x16xf32>,
      %broadcast_in_dim3A_221 = arith.constant 0.000000e+00 : f32
      %broadcast_in_dim3A_222 = vector.broadcast %broadcast_in_dim3A_221 : f32 to vector<16xf32>
      %swap3A_223 = arith.index_cast %scan3A_199 : i32 to index
      %swap3A_224 = arith.constant 48 : index
      %swap3A_225 = tpu.vector_load %arg14[%swap3A_223, %swap3A_224] {strides = array<i32>} : memref<32x192xf32, #tpu.memory_space<vmem>>, vector<1x16xf32>,
      %swap3A_226 = vector.shape_cast %swap3A_225 : vector<1x16xf32> to vector<16xf32>
      %swap3A_227 = vector.shape_cast %broadcast_in_dim3A_222 : vector<16xf32> to vector<1x16xf32>
      tpu.vector_store %arg14[%swap3A_223, %swap3A_224], %swap3A_227 {strides = array<i32>} : memref<32x192xf32, #tpu.memory_space<vmem>>, vector<1x16xf32>,
      %broadcast_in_dim3A_228 = arith.constant 0.000000e+00 : f32
      %broadcast_in_dim3A_229 = vector.broadcast %broadcast_in_dim3A_228 : f32 to vector<16xf32>
      %swap3A_230 = arith.index_cast %scan3A_199 : i32 to index
      %swap3A_231 = arith.constant 64 : index
      %swap3A_232 = tpu.vector_load %arg14[%swap3A_230, %swap3A_231] {strides = array<i32>} : memref<32x192xf32, #tpu.memory_space<vmem>>, vector<1x16xf32>,
      %swap3A_233 = vector.shape_cast %swap3A_232 : vector<1x16xf32> to vector<16xf32>
      %swap3A_234 = vector.shape_cast %broadcast_in_dim3A_229 : vector<16xf32> to vector<1x16xf32>
      tpu.vector_store %arg14[%swap3A_230, %swap3A_231], %swap3A_234 {strides = array<i32>} : memref<32x192xf32, #tpu.memory_space<vmem>>, vector<1x16xf32>,
      %broadcast_in_dim3A_235 = arith.constant 0.000000e+00 : f32
      %broadcast_in_dim3A_236 = vector.broadcast %broadcast_in_dim3A_235 : f32 to vector<16xf32>
      %swap3A_237 = arith.index_cast %scan3A_199 : i32 to index
      %swap3A_238 = arith.constant 80 : index
      %swap3A_239 = tpu.vector_load %arg14[%swap3A_237, %swap3A_238] {strides = array<i32>} : memref<32x192xf32, #tpu.memory_space<vmem>>, vector<1x16xf32>,
      %swap3A_240 = vector.shape_cast %swap3A_239 : vector<1x16xf32> to vector<16xf32>
      %swap3A_241 = vector.shape_cast %broadcast_in_dim3A_236 : vector<16xf32> to vector<1x16xf32>
      tpu.vector_store %arg14[%swap3A_237, %swap3A_238], %swap3A_241 {strides = array<i32>} : memref<32x192xf32, #tpu.memory_space<vmem>>, vector<1x16xf32>,
      %broadcast_in_dim3A_242 = arith.constant 0.000000e+00 : f32
      %broadcast_in_dim3A_243 = vector.broadcast %broadcast_in_dim3A_242 : f32 to vector<16xf32>
      %swap3A_244 = arith.index_cast %scan3A_199 : i32 to index
      %swap3A_245 = arith.constant 96 : index
      %swap3A_246 = tpu.vector_load %arg14[%swap3A_244, %swap3A_245] {strides = array<i32>} : memref<32x192xf32, #tpu.memory_space<vmem>>, vector<1x16xf32>,
      %swap3A_247 = vector.shape_cast %swap3A_246 : vector<1x16xf32> to vector<16xf32>
      %swap3A_248 = vector.shape_cast %broadcast_in_dim3A_243 : vector<16xf32> to vector<1x16xf32>
      tpu.vector_store %arg14[%swap3A_244, %swap3A_245], %swap3A_248 {strides = array<i32>} : memref<32x192xf32, #tpu.memory_space<vmem>>, vector<1x16xf32>,
      %broadcast_in_dim3A_249 = arith.constant 0.000000e+00 : f32
      %broadcast_in_dim3A_250 = vector.broadcast %broadcast_in_dim3A_249 : f32 to vector<16xf32>
      %swap3A_251 = arith.index_cast %scan3A_199 : i32 to index
      %swap3A_252 = arith.constant 112 : index
      %swap3A_253 = tpu.vector_load %arg14[%swap3A_251, %swap3A_252] {strides = array<i32>} : memref<32x192xf32, #tpu.memory_space<vmem>>, vector<1x16xf32>,
      %swap3A_254 = vector.shape_cast %swap3A_253 : vector<1x16xf32> to vector<16xf32>
      %swap3A_255 = vector.shape_cast %broadcast_in_dim3A_250 : vector<16xf32> to vector<1x16xf32>
      tpu.vector_store %arg14[%swap3A_251, %swap3A_252], %swap3A_255 {strides = array<i32>} : memref<32x192xf32, #tpu.memory_space<vmem>>, vector<1x16xf32>,
      %broadcast_in_dim3A_256 = arith.constant 0.000000e+00 : f32
      %broadcast_in_dim3A_257 = vector.broadcast %broadcast_in_dim3A_256 : f32 to vector<16xf32>
      %swap3A_258 = arith.index_cast %scan3A_199 : i32 to index
      %swap3A_259 = arith.constant 128 : index
      %swap3A_260 = tpu.vector_load %arg14[%swap3A_258, %swap3A_259] {strides = array<i32>} : memref<32x192xf32, #tpu.memory_space<vmem>>, vector<1x16xf32>,
      %swap3A_261 = vector.shape_cast %swap3A_260 : vector<1x16xf32> to vector<16xf32>
      %swap3A_262 = vector.shape_cast %broadcast_in_dim3A_257 : vector<16xf32> to vector<1x16xf32>
      tpu.vector_store %arg14[%swap3A_258, %swap3A_259], %swap3A_262 {strides = array<i32>} : memref<32x192xf32, #tpu.memory_space<vmem>>, vector<1x16xf32>,
      %broadcast_in_dim3A_263 = arith.constant 0.000000e+00 : f32
      %broadcast_in_dim3A_264 = vector.broadcast %broadcast_in_dim3A_263 : f32 to vector<16xf32>
      %swap3A_265 = arith.index_cast %scan3A_199 : i32 to index
      %swap3A_266 = arith.constant 144 : index
      %swap3A_267 = tpu.vector_load %arg14[%swap3A_265, %swap3A_266] {strides = array<i32>} : memref<32x192xf32, #tpu.memory_space<vmem>>, vector<1x16xf32>,
      %swap3A_268 = vector.shape_cast %swap3A_267 : vector<1x16xf32> to vector<16xf32>
      %swap3A_269 = vector.shape_cast %broadcast_in_dim3A_264 : vector<16xf32> to vector<1x16xf32>
      tpu.vector_store %arg14[%swap3A_265, %swap3A_266], %swap3A_269 {strides = array<i32>} : memref<32x192xf32, #tpu.memory_space<vmem>>, vector<1x16xf32>,
      %broadcast_in_dim3A_270 = arith.constant 0.000000e+00 : f32
      %broadcast_in_dim3A_271 = vector.broadcast %broadcast_in_dim3A_270 : f32 to vector<16xf32>
      %swap3A_272 = arith.index_cast %scan3A_199 : i32 to index
      %swap3A_273 = arith.constant 160 : index
      %swap3A_274 = tpu.vector_load %arg14[%swap3A_272, %swap3A_273] {strides = array<i32>} : memref<32x192xf32, #tpu.memory_space<vmem>>, vector<1x16xf32>,
      %swap3A_275 = vector.shape_cast %swap3A_274 : vector<1x16xf32> to vector<16xf32>
      %swap3A_276 = vector.shape_cast %broadcast_in_dim3A_271 : vector<16xf32> to vector<1x16xf32>
      tpu.vector_store %arg14[%swap3A_272, %swap3A_273], %swap3A_276 {strides = array<i32>} : memref<32x192xf32, #tpu.memory_space<vmem>>, vector<1x16xf32>,
      %broadcast_in_dim3A_277 = arith.constant 0.000000e+00 : f32
      %broadcast_in_dim3A_278 = vector.broadcast %broadcast_in_dim3A_277 : f32 to vector<16xf32>
      %swap3A_279 = arith.index_cast %scan3A_199 : i32 to index
      %swap3A_280 = arith.constant 176 : index
      %swap3A_281 = tpu.vector_load %arg14[%swap3A_279, %swap3A_280] {strides = array<i32>} : memref<32x192xf32, #tpu.memory_space<vmem>>, vector<1x16xf32>,
      %swap3A_282 = vector.shape_cast %swap3A_281 : vector<1x16xf32> to vector<16xf32>
      %swap3A_283 = vector.shape_cast %broadcast_in_dim3A_278 : vector<16xf32> to vector<1x16xf32>
      tpu.vector_store %arg14[%swap3A_279, %swap3A_280], %swap3A_283 {strides = array<i32>} : memref<32x192xf32, #tpu.memory_space<vmem>>, vector<1x16xf32>,
    }
    %scan3A_14 = arith.constant 32 : i32
    %mul3A_15 = arith.constant 312 : i32
    %mul3A_16 = arith.muli %arg1, %mul3A_15 : i32
    %add3A = arith.constant 0 : i32
    %add3A_17 = arith.addi %mul3A_16, %add3A : i32
    "tpu.region"() ({
      %run_scoped3A = tpu.sem_alloc : memref<!tpu.dma_semaphore, #tpu.memory_space<semaphore_mem>>
      %dma_start3A_199 = arith.constant 0 : i32
      %dma_start3A_200 = arith.constant 0 : i32
      %dma_start3A_201 = tpu.memref_slice %arg12[%dma_start3A_199, %dma_start3A_200] : memref<32x128xf32, #tpu.memory_space<vmem>> -> memref<32x128xf32, #tpu.memory_space<vmem>>
      %dma_start3A_202 = arith.constant 0 : i32
      %dma_start3A_203 = tpu.memref_slice %arg16[%add3A_17, %dma_start3A_202] : memref<5016x128xf32, #tpu.memory_space<vmem_shared>> -> memref<32x128xf32, #tpu.memory_space<vmem_shared>>
      %dma_start3A_204 = arith.constant 0 : i32
      %dma_start3A_205 = tpu.memref_slice %arg16[%add3A_17, %dma_start3A_204] : memref<5016x128xf32, #tpu.memory_space<vmem_shared>> -> memref<32x128xf32, #tpu.memory_space<vmem_shared>>
      %dma_start3A_206 = arith.constant 0 : i32
      %dma_start3A_207 = arith.constant 0 : i32
      %dma_start3A_208 = tpu.memref_slice %arg12[%dma_start3A_206, %dma_start3A_207] : memref<32x128xf32, #tpu.memory_space<vmem>> -> memref<32x128xf32, #tpu.memory_space<vmem>>
      tpu.enqueue_dma source(%dma_start3A_208 : memref<32x128xf32, #tpu.memory_space<vmem>>) target(%dma_start3A_205 : memref<32x128xf32, #tpu.memory_space<vmem_shared>>) target_semaphore(%run_scoped3A : memref<!tpu.dma_semaphore, #tpu.memory_space<semaphore_mem>>)
      %dma_wait3A_209 = arith.constant 0 : i32
      %dma_wait3A_210 = arith.constant 0 : i32
      %dma_wait3A_211 = tpu.memref_slice %arg12[%dma_wait3A_209, %dma_wait3A_210] : memref<32x128xf32, #tpu.memory_space<vmem>> -> memref<32x128xf32, #tpu.memory_space<vmem>>
      %dma_wait3A_212 = arith.constant 0 : i32
      %dma_wait3A_213 = tpu.memref_slice %arg16[%add3A_17, %dma_wait3A_212] : memref<5016x128xf32, #tpu.memory_space<vmem_shared>> -> memref<32x128xf32, #tpu.memory_space<vmem_shared>>
      %dma_wait3A_214 = arith.constant 0 : i32
      %dma_wait3A_215 = tpu.memref_slice %arg16[%add3A_17, %dma_wait3A_214] : memref<5016x128xf32, #tpu.memory_space<vmem_shared>> -> memref<32x128xf32, #tpu.memory_space<vmem_shared>>
      %dma_wait3A_216 = arith.constant 0 : i32
      %dma_wait3A_217 = arith.constant 0 : i32
      %dma_wait3A_218 = tpu.memref_slice %arg12[%dma_wait3A_216, %dma_wait3A_217] : memref<32x128xf32, #tpu.memory_space<vmem>> -> memref<32x128xf32, #tpu.memory_space<vmem>>
      tpu.wait_dma2 semaphore(%run_scoped3A : memref<!tpu.dma_semaphore, #tpu.memory_space<semaphore_mem>>) src(%dma_wait3A_218 : memref<32x128xf32, #tpu.memory_space<vmem>>) dst(%dma_wait3A_215 : memref<32x128xf32, #tpu.memory_space<vmem_shared>>)
      tpu.yield
    }) : () -> ()
    %add3A_18 = arith.constant 0 : i32
    %add3A_19 = arith.addi %mul3A_16, %add3A_18 : i32
    "tpu.region"() ({
      %run_scoped3A = tpu.sem_alloc : memref<!tpu.dma_semaphore, #tpu.memory_space<semaphore_mem>>
      %dma_start3A_199 = arith.constant 0 : i32
      %dma_start3A_200 = arith.constant 0 : i32
      %dma_start3A_201 = tpu.memref_slice %arg14[%dma_start3A_199, %dma_start3A_200] : memref<32x192xf32, #tpu.memory_space<vmem>> -> memref<32x192xf32, #tpu.memory_space<vmem>>
      %dma_start3A_202 = arith.constant 0 : i32
      %dma_start3A_203 = tpu.memref_slice %arg17[%add3A_19, %dma_start3A_202] : memref<5016x192xf32, #tpu.memory_space<vmem_shared>> -> memref<32x192xf32, #tpu.memory_space<vmem_shared>>
      %dma_start3A_204 = arith.constant 0 : i32
      %dma_start3A_205 = tpu.memref_slice %arg17[%add3A_19, %dma_start3A_204] : memref<5016x192xf32, #tpu.memory_space<vmem_shared>> -> memref<32x192xf32, #tpu.memory_space<vmem_shared>>
      %dma_start3A_206 = arith.constant 0 : i32
      %dma_start3A_207 = arith.constant 0 : i32
      %dma_start3A_208 = tpu.memref_slice %arg14[%dma_start3A_206, %dma_start3A_207] : memref<32x192xf32, #tpu.memory_space<vmem>> -> memref<32x192xf32, #tpu.memory_space<vmem>>
      tpu.enqueue_dma source(%dma_start3A_208 : memref<32x192xf32, #tpu.memory_space<vmem>>) target(%dma_start3A_205 : memref<32x192xf32, #tpu.memory_space<vmem_shared>>) target_semaphore(%run_scoped3A : memref<!tpu.dma_semaphore, #tpu.memory_space<semaphore_mem>>)
      %dma_wait3A_209 = arith.constant 0 : i32
      %dma_wait3A_210 = arith.constant 0 : i32
      %dma_wait3A_211 = tpu.memref_slice %arg14[%dma_wait3A_209, %dma_wait3A_210] : memref<32x192xf32, #tpu.memory_space<vmem>> -> memref<32x192xf32, #tpu.memory_space<vmem>>
      %dma_wait3A_212 = arith.constant 0 : i32
      %dma_wait3A_213 = tpu.memref_slice %arg17[%add3A_19, %dma_wait3A_212] : memref<5016x192xf32, #tpu.memory_space<vmem_shared>> -> memref<32x192xf32, #tpu.memory_space<vmem_shared>>
      %dma_wait3A_214 = arith.constant 0 : i32
      %dma_wait3A_215 = tpu.memref_slice %arg17[%add3A_19, %dma_wait3A_214] : memref<5016x192xf32, #tpu.memory_space<vmem_shared>> -> memref<32x192xf32, #tpu.memory_space<vmem_shared>>
      %dma_wait3A_216 = arith.constant 0 : i32
      %dma_wait3A_217 = arith.constant 0 : i32
      %dma_wait3A_218 = tpu.memref_slice %arg14[%dma_wait3A_216, %dma_wait3A_217] : memref<32x192xf32, #tpu.memory_space<vmem>> -> memref<32x192xf32, #tpu.memory_space<vmem>>
      tpu.wait_dma2 semaphore(%run_scoped3A : memref<!tpu.dma_semaphore, #tpu.memory_space<semaphore_mem>>) src(%dma_wait3A_218 : memref<32x192xf32, #tpu.memory_space<vmem>>) dst(%dma_wait3A_215 : memref<32x192xf32, #tpu.memory_space<vmem_shared>>)
      tpu.yield
    }) : () -> ()
    %add3A_20 = arith.constant 32 : i32
    %add3A_21 = arith.addi %mul3A_16, %add3A_20 : i32
    "tpu.region"() ({
      %run_scoped3A = tpu.sem_alloc : memref<!tpu.dma_semaphore, #tpu.memory_space<semaphore_mem>>
      %dma_start3A_199 = arith.constant 0 : i32
      %dma_start3A_200 = arith.constant 0 : i32
      %dma_start3A_201 = tpu.memref_slice %arg12[%dma_start3A_199, %dma_start3A_200] : memref<32x128xf32, #tpu.memory_space<vmem>> -> memref<32x128xf32, #tpu.memory_space<vmem>>
      %dma_start3A_202 = arith.constant 0 : i32
      %dma_start3A_203 = tpu.memref_slice %arg16[%add3A_21, %dma_start3A_202] : memref<5016x128xf32, #tpu.memory_space<vmem_shared>> -> memref<32x128xf32, #tpu.memory_space<vmem_shared>>
      %dma_start3A_204 = arith.constant 0 : i32
      %dma_start3A_205 = tpu.memref_slice %arg16[%add3A_21, %dma_start3A_204] : memref<5016x128xf32, #tpu.memory_space<vmem_shared>> -> memref<32x128xf32, #tpu.memory_space<vmem_shared>>
      %dma_start3A_206 = arith.constant 0 : i32
      %dma_start3A_207 = arith.constant 0 : i32
      %dma_start3A_208 = tpu.memref_slice %arg12[%dma_start3A_206, %dma_start3A_207] : memref<32x128xf32, #tpu.memory_space<vmem>> -> memref<32x128xf32, #tpu.memory_space<vmem>>
      tpu.enqueue_dma source(%dma_start3A_208 : memref<32x128xf32, #tpu.memory_space<vmem>>) target(%dma_start3A_205 : memref<32x128xf32, #tpu.memory_space<vmem_shared>>) target_semaphore(%run_scoped3A : memref<!tpu.dma_semaphore, #tpu.memory_space<semaphore_mem>>)
      %dma_wait3A_209 = arith.constant 0 : i32
      %dma_wait3A_210 = arith.constant 0 : i32
      %dma_wait3A_211 = tpu.memref_slice %arg12[%dma_wait3A_209, %dma_wait3A_210] : memref<32x128xf32, #tpu.memory_space<vmem>> -> memref<32x128xf32, #tpu.memory_space<vmem>>
      %dma_wait3A_212 = arith.constant 0 : i32
      %dma_wait3A_213 = tpu.memref_slice %arg16[%add3A_21, %dma_wait3A_212] : memref<5016x128xf32, #tpu.memory_space<vmem_shared>> -> memref<32x128xf32, #tpu.memory_space<vmem_shared>>
      %dma_wait3A_214 = arith.constant 0 : i32
      %dma_wait3A_215 = tpu.memref_slice %arg16[%add3A_21, %dma_wait3A_214] : memref<5016x128xf32, #tpu.memory_space<vmem_shared>> -> memref<32x128xf32, #tpu.memory_space<vmem_shared>>
      %dma_wait3A_216 = arith.constant 0 : i32
      %dma_wait3A_217 = arith.constant 0 : i32
      %dma_wait3A_218 = tpu.memref_slice %arg12[%dma_wait3A_216, %dma_wait3A_217] : memref<32x128xf32, #tpu.memory_space<vmem>> -> memref<32x128xf32, #tpu.memory_space<vmem>>
      tpu.wait_dma2 semaphore(%run_scoped3A : memref<!tpu.dma_semaphore, #tpu.memory_space<semaphore_mem>>) src(%dma_wait3A_218 : memref<32x128xf32, #tpu.memory_space<vmem>>) dst(%dma_wait3A_215 : memref<32x128xf32, #tpu.memory_space<vmem_shared>>)
      tpu.yield
    }) : () -> ()
    %add3A_22 = arith.constant 32 : i32
    %add3A_23 = arith.addi %mul3A_16, %add3A_22 : i32
    "tpu.region"() ({
      %run_scoped3A = tpu.sem_alloc : memref<!tpu.dma_semaphore, #tpu.memory_space<semaphore_mem>>
      %dma_start3A_199 = arith.constant 0 : i32
      %dma_start3A_200 = arith.constant 0 : i32
      %dma_start3A_201 = tpu.memref_slice %arg14[%dma_start3A_199, %dma_start3A_200] : memref<32x192xf32, #tpu.memory_space<vmem>> -> memref<32x192xf32, #tpu.memory_space<vmem>>
      %dma_start3A_202 = arith.constant 0 : i32
      %dma_start3A_203 = tpu.memref_slice %arg17[%add3A_23, %dma_start3A_202] : memref<5016x192xf32, #tpu.memory_space<vmem_shared>> -> memref<32x192xf32, #tpu.memory_space<vmem_shared>>
      %dma_start3A_204 = arith.constant 0 : i32
      %dma_start3A_205 = tpu.memref_slice %arg17[%add3A_23, %dma_start3A_204] : memref<5016x192xf32, #tpu.memory_space<vmem_shared>> -> memref<32x192xf32, #tpu.memory_space<vmem_shared>>
      %dma_start3A_206 = arith.constant 0 : i32
      %dma_start3A_207 = arith.constant 0 : i32
      %dma_start3A_208 = tpu.memref_slice %arg14[%dma_start3A_206, %dma_start3A_207] : memref<32x192xf32, #tpu.memory_space<vmem>> -> memref<32x192xf32, #tpu.memory_space<vmem>>
      tpu.enqueue_dma source(%dma_start3A_208 : memref<32x192xf32, #tpu.memory_space<vmem>>) target(%dma_start3A_205 : memref<32x192xf32, #tpu.memory_space<vmem_shared>>) target_semaphore(%run_scoped3A : memref<!tpu.dma_semaphore, #tpu.memory_space<semaphore_mem>>)
      %dma_wait3A_209 = arith.constant 0 : i32
      %dma_wait3A_210 = arith.constant 0 : i32
      %dma_wait3A_211 = tpu.memref_slice %arg14[%dma_wait3A_209, %dma_wait3A_210] : memref<32x192xf32, #tpu.memory_space<vmem>> -> memref<32x192xf32, #tpu.memory_space<vmem>>
      %dma_wait3A_212 = arith.constant 0 : i32
      %dma_wait3A_213 = tpu.memref_slice %arg17[%add3A_23, %dma_wait3A_212] : memref<5016x192xf32, #tpu.memory_space<vmem_shared>> -> memref<32x192xf32, #tpu.memory_space<vmem_shared>>
      %dma_wait3A_214 = arith.constant 0 : i32
      %dma_wait3A_215 = tpu.memref_slice %arg17[%add3A_23, %dma_wait3A_214] : memref<5016x192xf32, #tpu.memory_space<vmem_shared>> -> memref<32x192xf32, #tpu.memory_space<vmem_shared>>
      %dma_wait3A_216 = arith.constant 0 : i32
      %dma_wait3A_217 = arith.constant 0 : i32
      %dma_wait3A_218 = tpu.memref_slice %arg14[%dma_wait3A_216, %dma_wait3A_217] : memref<32x192xf32, #tpu.memory_space<vmem>> -> memref<32x192xf32, #tpu.memory_space<vmem>>
      tpu.wait_dma2 semaphore(%run_scoped3A : memref<!tpu.dma_semaphore, #tpu.memory_space<semaphore_mem>>) src(%dma_wait3A_218 : memref<32x192xf32, #tpu.memory_space<vmem>>) dst(%dma_wait3A_215 : memref<32x192xf32, #tpu.memory_space<vmem_shared>>)
      tpu.yield
    }) : () -> ()
    %add3A_24 = arith.constant 64 : i32
    %add3A_25 = arith.addi %mul3A_16, %add3A_24 : i32
    "tpu.region"() ({
      %run_scoped3A = tpu.sem_alloc : memref<!tpu.dma_semaphore, #tpu.memory_space<semaphore_mem>>
      %dma_start3A_199 = arith.constant 0 : i32
      %dma_start3A_200 = arith.constant 0 : i32
      %dma_start3A_201 = tpu.memref_slice %arg12[%dma_start3A_199, %dma_start3A_200] : memref<32x128xf32, #tpu.memory_space<vmem>> -> memref<32x128xf32, #tpu.memory_space<vmem>>
      %dma_start3A_202 = arith.constant 0 : i32
      %dma_start3A_203 = tpu.memref_slice %arg16[%add3A_25, %dma_start3A_202] : memref<5016x128xf32, #tpu.memory_space<vmem_shared>> -> memref<32x128xf32, #tpu.memory_space<vmem_shared>>
      %dma_start3A_204 = arith.constant 0 : i32
      %dma_start3A_205 = tpu.memref_slice %arg16[%add3A_25, %dma_start3A_204] : memref<5016x128xf32, #tpu.memory_space<vmem_shared>> -> memref<32x128xf32, #tpu.memory_space<vmem_shared>>
      %dma_start3A_206 = arith.constant 0 : i32
      %dma_start3A_207 = arith.constant 0 : i32
      %dma_start3A_208 = tpu.memref_slice %arg12[%dma_start3A_206, %dma_start3A_207] : memref<32x128xf32, #tpu.memory_space<vmem>> -> memref<32x128xf32, #tpu.memory_space<vmem>>
      tpu.enqueue_dma source(%dma_start3A_208 : memref<32x128xf32, #tpu.memory_space<vmem>>) target(%dma_start3A_205 : memref<32x128xf32, #tpu.memory_space<vmem_shared>>) target_semaphore(%run_scoped3A : memref<!tpu.dma_semaphore, #tpu.memory_space<semaphore_mem>>)
      %dma_wait3A_209 = arith.constant 0 : i32
      %dma_wait3A_210 = arith.constant 0 : i32
      %dma_wait3A_211 = tpu.memref_slice %arg12[%dma_wait3A_209, %dma_wait3A_210] : memref<32x128xf32, #tpu.memory_space<vmem>> -> memref<32x128xf32, #tpu.memory_space<vmem>>
      %dma_wait3A_212 = arith.constant 0 : i32
      %dma_wait3A_213 = tpu.memref_slice %arg16[%add3A_25, %dma_wait3A_212] : memref<5016x128xf32, #tpu.memory_space<vmem_shared>> -> memref<32x128xf32, #tpu.memory_space<vmem_shared>>
      %dma_wait3A_214 = arith.constant 0 : i32
      %dma_wait3A_215 = tpu.memref_slice %arg16[%add3A_25, %dma_wait3A_214] : memref<5016x128xf32, #tpu.memory_space<vmem_shared>> -> memref<32x128xf32, #tpu.memory_space<vmem_shared>>
      %dma_wait3A_216 = arith.constant 0 : i32
      %dma_wait3A_217 = arith.constant 0 : i32
      %dma_wait3A_218 = tpu.memref_slice %arg12[%dma_wait3A_216, %dma_wait3A_217] : memref<32x128xf32, #tpu.memory_space<vmem>> -> memref<32x128xf32, #tpu.memory_space<vmem>>
      tpu.wait_dma2 semaphore(%run_scoped3A : memref<!tpu.dma_semaphore, #tpu.memory_space<semaphore_mem>>) src(%dma_wait3A_218 : memref<32x128xf32, #tpu.memory_space<vmem>>) dst(%dma_wait3A_215 : memref<32x128xf32, #tpu.memory_space<vmem_shared>>)
      tpu.yield
    }) : () -> ()
    %add3A_26 = arith.constant 64 : i32
    %add3A_27 = arith.addi %mul3A_16, %add3A_26 : i32
    "tpu.region"() ({
      %run_scoped3A = tpu.sem_alloc : memref<!tpu.dma_semaphore, #tpu.memory_space<semaphore_mem>>
      %dma_start3A_199 = arith.constant 0 : i32
      %dma_start3A_200 = arith.constant 0 : i32
      %dma_start3A_201 = tpu.memref_slice %arg14[%dma_start3A_199, %dma_start3A_200] : memref<32x192xf32, #tpu.memory_space<vmem>> -> memref<32x192xf32, #tpu.memory_space<vmem>>
      %dma_start3A_202 = arith.constant 0 : i32
      %dma_start3A_203 = tpu.memref_slice %arg17[%add3A_27, %dma_start3A_202] : memref<5016x192xf32, #tpu.memory_space<vmem_shared>> -> memref<32x192xf32, #tpu.memory_space<vmem_shared>>
      %dma_start3A_204 = arith.constant 0 : i32
      %dma_start3A_205 = tpu.memref_slice %arg17[%add3A_27, %dma_start3A_204] : memref<5016x192xf32, #tpu.memory_space<vmem_shared>> -> memref<32x192xf32, #tpu.memory_space<vmem_shared>>
      %dma_start3A_206 = arith.constant 0 : i32
      %dma_start3A_207 = arith.constant 0 : i32
      %dma_start3A_208 = tpu.memref_slice %arg14[%dma_start3A_206, %dma_start3A_207] : memref<32x192xf32, #tpu.memory_space<vmem>> -> memref<32x192xf32, #tpu.memory_space<vmem>>
      tpu.enqueue_dma source(%dma_start3A_208 : memref<32x192xf32, #tpu.memory_space<vmem>>) target(%dma_start3A_205 : memref<32x192xf32, #tpu.memory_space<vmem_shared>>) target_semaphore(%run_scoped3A : memref<!tpu.dma_semaphore, #tpu.memory_space<semaphore_mem>>)
      %dma_wait3A_209 = arith.constant 0 : i32
      %dma_wait3A_210 = arith.constant 0 : i32
      %dma_wait3A_211 = tpu.memref_slice %arg14[%dma_wait3A_209, %dma_wait3A_210] : memref<32x192xf32, #tpu.memory_space<vmem>> -> memref<32x192xf32, #tpu.memory_space<vmem>>
      %dma_wait3A_212 = arith.constant 0 : i32
      %dma_wait3A_213 = tpu.memref_slice %arg17[%add3A_27, %dma_wait3A_212] : memref<5016x192xf32, #tpu.memory_space<vmem_shared>> -> memref<32x192xf32, #tpu.memory_space<vmem_shared>>
      %dma_wait3A_214 = arith.constant 0 : i32
      %dma_wait3A_215 = tpu.memref_slice %arg17[%add3A_27, %dma_wait3A_214] : memref<5016x192xf32, #tpu.memory_space<vmem_shared>> -> memref<32x192xf32, #tpu.memory_space<vmem_shared>>
      %dma_wait3A_216 = arith.constant 0 : i32
      %dma_wait3A_217 = arith.constant 0 : i32
      %dma_wait3A_218 = tpu.memref_slice %arg14[%dma_wait3A_216, %dma_wait3A_217] : memref<32x192xf32, #tpu.memory_space<vmem>> -> memref<32x192xf32, #tpu.memory_space<vmem>>
      tpu.wait_dma2 semaphore(%run_scoped3A : memref<!tpu.dma_semaphore, #tpu.memory_space<semaphore_mem>>) src(%dma_wait3A_218 : memref<32x192xf32, #tpu.memory_space<vmem>>) dst(%dma_wait3A_215 : memref<32x192xf32, #tpu.memory_space<vmem_shared>>)
      tpu.yield
    }) : () -> ()
    %add3A_28 = arith.constant 96 : i32
    %add3A_29 = arith.addi %mul3A_16, %add3A_28 : i32
    "tpu.region"() ({
      %run_scoped3A = tpu.sem_alloc : memref<!tpu.dma_semaphore, #tpu.memory_space<semaphore_mem>>
      %dma_start3A_199 = arith.constant 0 : i32
      %dma_start3A_200 = arith.constant 0 : i32
      %dma_start3A_201 = tpu.memref_slice %arg12[%dma_start3A_199, %dma_start3A_200] : memref<32x128xf32, #tpu.memory_space<vmem>> -> memref<32x128xf32, #tpu.memory_space<vmem>>
      %dma_start3A_202 = arith.constant 0 : i32
      %dma_start3A_203 = tpu.memref_slice %arg16[%add3A_29, %dma_start3A_202] : memref<5016x128xf32, #tpu.memory_space<vmem_shared>> -> memref<32x128xf32, #tpu.memory_space<vmem_shared>>
      %dma_start3A_204 = arith.constant 0 : i32
      %dma_start3A_205 = tpu.memref_slice %arg16[%add3A_29, %dma_start3A_204] : memref<5016x128xf32, #tpu.memory_space<vmem_shared>> -> memref<32x128xf32, #tpu.memory_space<vmem_shared>>
      %dma_start3A_206 = arith.constant 0 : i32
      %dma_start3A_207 = arith.constant 0 : i32
      %dma_start3A_208 = tpu.memref_slice %arg12[%dma_start3A_206, %dma_start3A_207] : memref<32x128xf32, #tpu.memory_space<vmem>> -> memref<32x128xf32, #tpu.memory_space<vmem>>
      tpu.enqueue_dma source(%dma_start3A_208 : memref<32x128xf32, #tpu.memory_space<vmem>>) target(%dma_start3A_205 : memref<32x128xf32, #tpu.memory_space<vmem_shared>>) target_semaphore(%run_scoped3A : memref<!tpu.dma_semaphore, #tpu.memory_space<semaphore_mem>>)
      %dma_wait3A_209 = arith.constant 0 : i32
      %dma_wait3A_210 = arith.constant 0 : i32
      %dma_wait3A_211 = tpu.memref_slice %arg12[%dma_wait3A_209, %dma_wait3A_210] : memref<32x128xf32, #tpu.memory_space<vmem>> -> memref<32x128xf32, #tpu.memory_space<vmem>>
      %dma_wait3A_212 = arith.constant 0 : i32
      %dma_wait3A_213 = tpu.memref_slice %arg16[%add3A_29, %dma_wait3A_212] : memref<5016x128xf32, #tpu.memory_space<vmem_shared>> -> memref<32x128xf32, #tpu.memory_space<vmem_shared>>
      %dma_wait3A_214 = arith.constant 0 : i32
      %dma_wait3A_215 = tpu.memref_slice %arg16[%add3A_29, %dma_wait3A_214] : memref<5016x128xf32, #tpu.memory_space<vmem_shared>> -> memref<32x128xf32, #tpu.memory_space<vmem_shared>>
      %dma_wait3A_216 = arith.constant 0 : i32
      %dma_wait3A_217 = arith.constant 0 : i32
      %dma_wait3A_218 = tpu.memref_slice %arg12[%dma_wait3A_216, %dma_wait3A_217] : memref<32x128xf32, #tpu.memory_space<vmem>> -> memref<32x128xf32, #tpu.memory_space<vmem>>
      tpu.wait_dma2 semaphore(%run_scoped3A : memref<!tpu.dma_semaphore, #tpu.memory_space<semaphore_mem>>) src(%dma_wait3A_218 : memref<32x128xf32, #tpu.memory_space<vmem>>) dst(%dma_wait3A_215 : memref<32x128xf32, #tpu.memory_space<vmem_shared>>)
      tpu.yield
    }) : () -> ()
    %add3A_30 = arith.constant 96 : i32
    %add3A_31 = arith.addi %mul3A_16, %add3A_30 : i32
    "tpu.region"() ({
      %run_scoped3A = tpu.sem_alloc : memref<!tpu.dma_semaphore, #tpu.memory_space<semaphore_mem>>
      %dma_start3A_199 = arith.constant 0 : i32
      %dma_start3A_200 = arith.constant 0 : i32
      %dma_start3A_201 = tpu.memref_slice %arg14[%dma_start3A_199, %dma_start3A_200] : memref<32x192xf32, #tpu.memory_space<vmem>> -> memref<32x192xf32, #tpu.memory_space<vmem>>
      %dma_start3A_202 = arith.constant 0 : i32
      %dma_start3A_203 = tpu.memref_slice %arg17[%add3A_31, %dma_start3A_202] : memref<5016x192xf32, #tpu.memory_space<vmem_shared>> -> memref<32x192xf32, #tpu.memory_space<vmem_shared>>
      %dma_start3A_204 = arith.constant 0 : i32
      %dma_start3A_205 = tpu.memref_slice %arg17[%add3A_31, %dma_start3A_204] : memref<5016x192xf32, #tpu.memory_space<vmem_shared>> -> memref<32x192xf32, #tpu.memory_space<vmem_shared>>
      %dma_start3A_206 = arith.constant 0 : i32
      %dma_start3A_207 = arith.constant 0 : i32
      %dma_start3A_208 = tpu.memref_slice %arg14[%dma_start3A_206, %dma_start3A_207] : memref<32x192xf32, #tpu.memory_space<vmem>> -> memref<32x192xf32, #tpu.memory_space<vmem>>
      tpu.enqueue_dma source(%dma_start3A_208 : memref<32x192xf32, #tpu.memory_space<vmem>>) target(%dma_start3A_205 : memref<32x192xf32, #tpu.memory_space<vmem_shared>>) target_semaphore(%run_scoped3A : memref<!tpu.dma_semaphore, #tpu.memory_space<semaphore_mem>>)
      %dma_wait3A_209 = arith.constant 0 : i32
      %dma_wait3A_210 = arith.constant 0 : i32
      %dma_wait3A_211 = tpu.memref_slice %arg14[%dma_wait3A_209, %dma_wait3A_210] : memref<32x192xf32, #tpu.memory_space<vmem>> -> memref<32x192xf32, #tpu.memory_space<vmem>>
      %dma_wait3A_212 = arith.constant 0 : i32
      %dma_wait3A_213 = tpu.memref_slice %arg17[%add3A_31, %dma_wait3A_212] : memref<5016x192xf32, #tpu.memory_space<vmem_shared>> -> memref<32x192xf32, #tpu.memory_space<vmem_shared>>
      %dma_wait3A_214 = arith.constant 0 : i32
      %dma_wait3A_215 = tpu.memref_slice %arg17[%add3A_31, %dma_wait3A_214] : memref<5016x192xf32, #tpu.memory_space<vmem_shared>> -> memref<32x192xf32, #tpu.memory_space<vmem_shared>>
      %dma_wait3A_216 = arith.constant 0 : i32
      %dma_wait3A_217 = arith.constant 0 : i32
      %dma_wait3A_218 = tpu.memref_slice %arg14[%dma_wait3A_216, %dma_wait3A_217] : memref<32x192xf32, #tpu.memory_space<vmem>> -> memref<32x192xf32, #tpu.memory_space<vmem>>
      tpu.wait_dma2 semaphore(%run_scoped3A : memref<!tpu.dma_semaphore, #tpu.memory_space<semaphore_mem>>) src(%dma_wait3A_218 : memref<32x192xf32, #tpu.memory_space<vmem>>) dst(%dma_wait3A_215 : memref<32x192xf32, #tpu.memory_space<vmem_shared>>)
      tpu.yield
    }) : () -> ()
    %add3A_32 = arith.constant 128 : i32
    %add3A_33 = arith.addi %mul3A_16, %add3A_32 : i32
    "tpu.region"() ({
      %run_scoped3A = tpu.sem_alloc : memref<!tpu.dma_semaphore, #tpu.memory_space<semaphore_mem>>
      %dma_start3A_199 = arith.constant 0 : i32
      %dma_start3A_200 = arith.constant 0 : i32
      %dma_start3A_201 = tpu.memref_slice %arg12[%dma_start3A_199, %dma_start3A_200] : memref<32x128xf32, #tpu.memory_space<vmem>> -> memref<32x128xf32, #tpu.memory_space<vmem>>
      %dma_start3A_202 = arith.constant 0 : i32
      %dma_start3A_203 = tpu.memref_slice %arg16[%add3A_33, %dma_start3A_202] : memref<5016x128xf32, #tpu.memory_space<vmem_shared>> -> memref<32x128xf32, #tpu.memory_space<vmem_shared>>
      %dma_start3A_204 = arith.constant 0 : i32
      %dma_start3A_205 = tpu.memref_slice %arg16[%add3A_33, %dma_start3A_204] : memref<5016x128xf32, #tpu.memory_space<vmem_shared>> -> memref<32x128xf32, #tpu.memory_space<vmem_shared>>
      %dma_start3A_206 = arith.constant 0 : i32
      %dma_start3A_207 = arith.constant 0 : i32
      %dma_start3A_208 = tpu.memref_slice %arg12[%dma_start3A_206, %dma_start3A_207] : memref<32x128xf32, #tpu.memory_space<vmem>> -> memref<32x128xf32, #tpu.memory_space<vmem>>
      tpu.enqueue_dma source(%dma_start3A_208 : memref<32x128xf32, #tpu.memory_space<vmem>>) target(%dma_start3A_205 : memref<32x128xf32, #tpu.memory_space<vmem_shared>>) target_semaphore(%run_scoped3A : memref<!tpu.dma_semaphore, #tpu.memory_space<semaphore_mem>>)
      %dma_wait3A_209 = arith.constant 0 : i32
      %dma_wait3A_210 = arith.constant 0 : i32
      %dma_wait3A_211 = tpu.memref_slice %arg12[%dma_wait3A_209, %dma_wait3A_210] : memref<32x128xf32, #tpu.memory_space<vmem>> -> memref<32x128xf32, #tpu.memory_space<vmem>>
      %dma_wait3A_212 = arith.constant 0 : i32
      %dma_wait3A_213 = tpu.memref_slice %arg16[%add3A_33, %dma_wait3A_212] : memref<5016x128xf32, #tpu.memory_space<vmem_shared>> -> memref<32x128xf32, #tpu.memory_space<vmem_shared>>
      %dma_wait3A_214 = arith.constant 0 : i32
      %dma_wait3A_215 = tpu.memref_slice %arg16[%add3A_33, %dma_wait3A_214] : memref<5016x128xf32, #tpu.memory_space<vmem_shared>> -> memref<32x128xf32, #tpu.memory_space<vmem_shared>>
      %dma_wait3A_216 = arith.constant 0 : i32
      %dma_wait3A_217 = arith.constant 0 : i32
      %dma_wait3A_218 = tpu.memref_slice %arg12[%dma_wait3A_216, %dma_wait3A_217] : memref<32x128xf32, #tpu.memory_space<vmem>> -> memref<32x128xf32, #tpu.memory_space<vmem>>
      tpu.wait_dma2 semaphore(%run_scoped3A : memref<!tpu.dma_semaphore, #tpu.memory_space<semaphore_mem>>) src(%dma_wait3A_218 : memref<32x128xf32, #tpu.memory_space<vmem>>) dst(%dma_wait3A_215 : memref<32x128xf32, #tpu.memory_space<vmem_shared>>)
      tpu.yield
    }) : () -> ()
    %add3A_34 = arith.constant 128 : i32
    %add3A_35 = arith.addi %mul3A_16, %add3A_34 : i32
    "tpu.region"() ({
      %run_scoped3A = tpu.sem_alloc : memref<!tpu.dma_semaphore, #tpu.memory_space<semaphore_mem>>
      %dma_start3A_199 = arith.constant 0 : i32
      %dma_start3A_200 = arith.constant 0 : i32
      %dma_start3A_201 = tpu.memref_slice %arg14[%dma_start3A_199, %dma_start3A_200] : memref<32x192xf32, #tpu.memory_space<vmem>> -> memref<32x192xf32, #tpu.memory_space<vmem>>
      %dma_start3A_202 = arith.constant 0 : i32
      %dma_start3A_203 = tpu.memref_slice %arg17[%add3A_35, %dma_start3A_202] : memref<5016x192xf32, #tpu.memory_space<vmem_shared>> -> memref<32x192xf32, #tpu.memory_space<vmem_shared>>
      %dma_start3A_204 = arith.constant 0 : i32
      %dma_start3A_205 = tpu.memref_slice %arg17[%add3A_35, %dma_start3A_204] : memref<5016x192xf32, #tpu.memory_space<vmem_shared>> -> memref<32x192xf32, #tpu.memory_space<vmem_shared>>
      %dma_start3A_206 = arith.constant 0 : i32
      %dma_start3A_207 = arith.constant 0 : i32
      %dma_start3A_208 = tpu.memref_slice %arg14[%dma_start3A_206, %dma_start3A_207] : memref<32x192xf32, #tpu.memory_space<vmem>> -> memref<32x192xf32, #tpu.memory_space<vmem>>
      tpu.enqueue_dma source(%dma_start3A_208 : memref<32x192xf32, #tpu.memory_space<vmem>>) target(%dma_start3A_205 : memref<32x192xf32, #tpu.memory_space<vmem_shared>>) target_semaphore(%run_scoped3A : memref<!tpu.dma_semaphore, #tpu.memory_space<semaphore_mem>>)
      %dma_wait3A_209 = arith.constant 0 : i32
      %dma_wait3A_210 = arith.constant 0 : i32
      %dma_wait3A_211 = tpu.memref_slice %arg14[%dma_wait3A_209, %dma_wait3A_210] : memref<32x192xf32, #tpu.memory_space<vmem>> -> memref<32x192xf32, #tpu.memory_space<vmem>>
      %dma_wait3A_212 = arith.constant 0 : i32
      %dma_wait3A_213 = tpu.memref_slice %arg17[%add3A_35, %dma_wait3A_212] : memref<5016x192xf32, #tpu.memory_space<vmem_shared>> -> memref<32x192xf32, #tpu.memory_space<vmem_shared>>
      %dma_wait3A_214 = arith.constant 0 : i32
      %dma_wait3A_215 = tpu.memref_slice %arg17[%add3A_35, %dma_wait3A_214] : memref<5016x192xf32, #tpu.memory_space<vmem_shared>> -> memref<32x192xf32, #tpu.memory_space<vmem_shared>>
      %dma_wait3A_216 = arith.constant 0 : i32
      %dma_wait3A_217 = arith.constant 0 : i32
      %dma_wait3A_218 = tpu.memref_slice %arg14[%dma_wait3A_216, %dma_wait3A_217] : memref<32x192xf32, #tpu.memory_space<vmem>> -> memref<32x192xf32, #tpu.memory_space<vmem>>
      tpu.wait_dma2 semaphore(%run_scoped3A : memref<!tpu.dma_semaphore, #tpu.memory_space<semaphore_mem>>) src(%dma_wait3A_218 : memref<32x192xf32, #tpu.memory_space<vmem>>) dst(%dma_wait3A_215 : memref<32x192xf32, #tpu.memory_space<vmem_shared>>)
      tpu.yield
    }) : () -> ()
    %add3A_36 = arith.constant 160 : i32
    %add3A_37 = arith.addi %mul3A_16, %add3A_36 : i32
    "tpu.region"() ({
      %run_scoped3A = tpu.sem_alloc : memref<!tpu.dma_semaphore, #tpu.memory_space<semaphore_mem>>
      %dma_start3A_199 = arith.constant 0 : i32
      %dma_start3A_200 = arith.constant 0 : i32
      %dma_start3A_201 = tpu.memref_slice %arg12[%dma_start3A_199, %dma_start3A_200] : memref<32x128xf32, #tpu.memory_space<vmem>> -> memref<32x128xf32, #tpu.memory_space<vmem>>
      %dma_start3A_202 = arith.constant 0 : i32
      %dma_start3A_203 = tpu.memref_slice %arg16[%add3A_37, %dma_start3A_202] : memref<5016x128xf32, #tpu.memory_space<vmem_shared>> -> memref<32x128xf32, #tpu.memory_space<vmem_shared>>
      %dma_start3A_204 = arith.constant 0 : i32
      %dma_start3A_205 = tpu.memref_slice %arg16[%add3A_37, %dma_start3A_204] : memref<5016x128xf32, #tpu.memory_space<vmem_shared>> -> memref<32x128xf32, #tpu.memory_space<vmem_shared>>
      %dma_start3A_206 = arith.constant 0 : i32
      %dma_start3A_207 = arith.constant 0 : i32
      %dma_start3A_208 = tpu.memref_slice %arg12[%dma_start3A_206, %dma_start3A_207] : memref<32x128xf32, #tpu.memory_space<vmem>> -> memref<32x128xf32, #tpu.memory_space<vmem>>
      tpu.enqueue_dma source(%dma_start3A_208 : memref<32x128xf32, #tpu.memory_space<vmem>>) target(%dma_start3A_205 : memref<32x128xf32, #tpu.memory_space<vmem_shared>>) target_semaphore(%run_scoped3A : memref<!tpu.dma_semaphore, #tpu.memory_space<semaphore_mem>>)
      %dma_wait3A_209 = arith.constant 0 : i32
      %dma_wait3A_210 = arith.constant 0 : i32
      %dma_wait3A_211 = tpu.memref_slice %arg12[%dma_wait3A_209, %dma_wait3A_210] : memref<32x128xf32, #tpu.memory_space<vmem>> -> memref<32x128xf32, #tpu.memory_space<vmem>>
      %dma_wait3A_212 = arith.constant 0 : i32
      %dma_wait3A_213 = tpu.memref_slice %arg16[%add3A_37, %dma_wait3A_212] : memref<5016x128xf32, #tpu.memory_space<vmem_shared>> -> memref<32x128xf32, #tpu.memory_space<vmem_shared>>
      %dma_wait3A_214 = arith.constant 0 : i32
      %dma_wait3A_215 = tpu.memref_slice %arg16[%add3A_37, %dma_wait3A_214] : memref<5016x128xf32, #tpu.memory_space<vmem_shared>> -> memref<32x128xf32, #tpu.memory_space<vmem_shared>>
      %dma_wait3A_216 = arith.constant 0 : i32
      %dma_wait3A_217 = arith.constant 0 : i32
      %dma_wait3A_218 = tpu.memref_slice %arg12[%dma_wait3A_216, %dma_wait3A_217] : memref<32x128xf32, #tpu.memory_space<vmem>> -> memref<32x128xf32, #tpu.memory_space<vmem>>
      tpu.wait_dma2 semaphore(%run_scoped3A : memref<!tpu.dma_semaphore, #tpu.memory_space<semaphore_mem>>) src(%dma_wait3A_218 : memref<32x128xf32, #tpu.memory_space<vmem>>) dst(%dma_wait3A_215 : memref<32x128xf32, #tpu.memory_space<vmem_shared>>)
      tpu.yield
    }) : () -> ()
    %add3A_38 = arith.constant 160 : i32
    %add3A_39 = arith.addi %mul3A_16, %add3A_38 : i32
    "tpu.region"() ({
      %run_scoped3A = tpu.sem_alloc : memref<!tpu.dma_semaphore, #tpu.memory_space<semaphore_mem>>
      %dma_start3A_199 = arith.constant 0 : i32
      %dma_start3A_200 = arith.constant 0 : i32
      %dma_start3A_201 = tpu.memref_slice %arg14[%dma_start3A_199, %dma_start3A_200] : memref<32x192xf32, #tpu.memory_space<vmem>> -> memref<32x192xf32, #tpu.memory_space<vmem>>
      %dma_start3A_202 = arith.constant 0 : i32
      %dma_start3A_203 = tpu.memref_slice %arg17[%add3A_39, %dma_start3A_202] : memref<5016x192xf32, #tpu.memory_space<vmem_shared>> -> memref<32x192xf32, #tpu.memory_space<vmem_shared>>
      %dma_start3A_204 = arith.constant 0 : i32
      %dma_start3A_205 = tpu.memref_slice %arg17[%add3A_39, %dma_start3A_204] : memref<5016x192xf32, #tpu.memory_space<vmem_shared>> -> memref<32x192xf32, #tpu.memory_space<vmem_shared>>
      %dma_start3A_206 = arith.constant 0 : i32
      %dma_start3A_207 = arith.constant 0 : i32
      %dma_start3A_208 = tpu.memref_slice %arg14[%dma_start3A_206, %dma_start3A_207] : memref<32x192xf32, #tpu.memory_space<vmem>> -> memref<32x192xf32, #tpu.memory_space<vmem>>
      tpu.enqueue_dma source(%dma_start3A_208 : memref<32x192xf32, #tpu.memory_space<vmem>>) target(%dma_start3A_205 : memref<32x192xf32, #tpu.memory_space<vmem_shared>>) target_semaphore(%run_scoped3A : memref<!tpu.dma_semaphore, #tpu.memory_space<semaphore_mem>>)
      %dma_wait3A_209 = arith.constant 0 : i32
      %dma_wait3A_210 = arith.constant 0 : i32
      %dma_wait3A_211 = tpu.memref_slice %arg14[%dma_wait3A_209, %dma_wait3A_210] : memref<32x192xf32, #tpu.memory_space<vmem>> -> memref<32x192xf32, #tpu.memory_space<vmem>>
      %dma_wait3A_212 = arith.constant 0 : i32
      %dma_wait3A_213 = tpu.memref_slice %arg17[%add3A_39, %dma_wait3A_212] : memref<5016x192xf32, #tpu.memory_space<vmem_shared>> -> memref<32x192xf32, #tpu.memory_space<vmem_shared>>
      %dma_wait3A_214 = arith.constant 0 : i32
      %dma_wait3A_215 = tpu.memref_slice %arg17[%add3A_39, %dma_wait3A_214] : memref<5016x192xf32, #tpu.memory_space<vmem_shared>> -> memref<32x192xf32, #tpu.memory_space<vmem_shared>>
      %dma_wait3A_216 = arith.constant 0 : i32
      %dma_wait3A_217 = arith.constant 0 : i32
      %dma_wait3A_218 = tpu.memref_slice %arg14[%dma_wait3A_216, %dma_wait3A_217] : memref<32x192xf32, #tpu.memory_space<vmem>> -> memref<32x192xf32, #tpu.memory_space<vmem>>
      tpu.wait_dma2 semaphore(%run_scoped3A : memref<!tpu.dma_semaphore, #tpu.memory_space<semaphore_mem>>) src(%dma_wait3A_218 : memref<32x192xf32, #tpu.memory_space<vmem>>) dst(%dma_wait3A_215 : memref<32x192xf32, #tpu.memory_space<vmem_shared>>)
      tpu.yield
    }) : () -> ()
    %add3A_40 = arith.constant 192 : i32
    %add3A_41 = arith.addi %mul3A_16, %add3A_40 : i32
    "tpu.region"() ({
      %run_scoped3A = tpu.sem_alloc : memref<!tpu.dma_semaphore, #tpu.memory_space<semaphore_mem>>
      %dma_start3A_199 = arith.constant 0 : i32
      %dma_start3A_200 = arith.constant 0 : i32
      %dma_start3A_201 = tpu.memref_slice %arg12[%dma_start3A_199, %dma_start3A_200] : memref<32x128xf32, #tpu.memory_space<vmem>> -> memref<32x128xf32, #tpu.memory_space<vmem>>
      %dma_start3A_202 = arith.constant 0 : i32
      %dma_start3A_203 = tpu.memref_slice %arg16[%add3A_41, %dma_start3A_202] : memref<5016x128xf32, #tpu.memory_space<vmem_shared>> -> memref<32x128xf32, #tpu.memory_space<vmem_shared>>
      %dma_start3A_204 = arith.constant 0 : i32
      %dma_start3A_205 = tpu.memref_slice %arg16[%add3A_41, %dma_start3A_204] : memref<5016x128xf32, #tpu.memory_space<vmem_shared>> -> memref<32x128xf32, #tpu.memory_space<vmem_shared>>
      %dma_start3A_206 = arith.constant 0 : i32
      %dma_start3A_207 = arith.constant 0 : i32
      %dma_start3A_208 = tpu.memref_slice %arg12[%dma_start3A_206, %dma_start3A_207] : memref<32x128xf32, #tpu.memory_space<vmem>> -> memref<32x128xf32, #tpu.memory_space<vmem>>
      tpu.enqueue_dma source(%dma_start3A_208 : memref<32x128xf32, #tpu.memory_space<vmem>>) target(%dma_start3A_205 : memref<32x128xf32, #tpu.memory_space<vmem_shared>>) target_semaphore(%run_scoped3A : memref<!tpu.dma_semaphore, #tpu.memory_space<semaphore_mem>>)
      %dma_wait3A_209 = arith.constant 0 : i32
      %dma_wait3A_210 = arith.constant 0 : i32
      %dma_wait3A_211 = tpu.memref_slice %arg12[%dma_wait3A_209, %dma_wait3A_210] : memref<32x128xf32, #tpu.memory_space<vmem>> -> memref<32x128xf32, #tpu.memory_space<vmem>>
      %dma_wait3A_212 = arith.constant 0 : i32
      %dma_wait3A_213 = tpu.memref_slice %arg16[%add3A_41, %dma_wait3A_212] : memref<5016x128xf32, #tpu.memory_space<vmem_shared>> -> memref<32x128xf32, #tpu.memory_space<vmem_shared>>
      %dma_wait3A_214 = arith.constant 0 : i32
      %dma_wait3A_215 = tpu.memref_slice %arg16[%add3A_41, %dma_wait3A_214] : memref<5016x128xf32, #tpu.memory_space<vmem_shared>> -> memref<32x128xf32, #tpu.memory_space<vmem_shared>>
      %dma_wait3A_216 = arith.constant 0 : i32
      %dma_wait3A_217 = arith.constant 0 : i32
      %dma_wait3A_218 = tpu.memref_slice %arg12[%dma_wait3A_216, %dma_wait3A_217] : memref<32x128xf32, #tpu.memory_space<vmem>> -> memref<32x128xf32, #tpu.memory_space<vmem>>
      tpu.wait_dma2 semaphore(%run_scoped3A : memref<!tpu.dma_semaphore, #tpu.memory_space<semaphore_mem>>) src(%dma_wait3A_218 : memref<32x128xf32, #tpu.memory_space<vmem>>) dst(%dma_wait3A_215 : memref<32x128xf32, #tpu.memory_space<vmem_shared>>)
      tpu.yield
    }) : () -> ()
    %add3A_42 = arith.constant 192 : i32
    %add3A_43 = arith.addi %mul3A_16, %add3A_42 : i32
    "tpu.region"() ({
      %run_scoped3A = tpu.sem_alloc : memref<!tpu.dma_semaphore, #tpu.memory_space<semaphore_mem>>
      %dma_start3A_199 = arith.constant 0 : i32
      %dma_start3A_200 = arith.constant 0 : i32
      %dma_start3A_201 = tpu.memref_slice %arg14[%dma_start3A_199, %dma_start3A_200] : memref<32x192xf32, #tpu.memory_space<vmem>> -> memref<32x192xf32, #tpu.memory_space<vmem>>
      %dma_start3A_202 = arith.constant 0 : i32
      %dma_start3A_203 = tpu.memref_slice %arg17[%add3A_43, %dma_start3A_202] : memref<5016x192xf32, #tpu.memory_space<vmem_shared>> -> memref<32x192xf32, #tpu.memory_space<vmem_shared>>
      %dma_start3A_204 = arith.constant 0 : i32
      %dma_start3A_205 = tpu.memref_slice %arg17[%add3A_43, %dma_start3A_204] : memref<5016x192xf32, #tpu.memory_space<vmem_shared>> -> memref<32x192xf32, #tpu.memory_space<vmem_shared>>
      %dma_start3A_206 = arith.constant 0 : i32
      %dma_start3A_207 = arith.constant 0 : i32
      %dma_start3A_208 = tpu.memref_slice %arg14[%dma_start3A_206, %dma_start3A_207] : memref<32x192xf32, #tpu.memory_space<vmem>> -> memref<32x192xf32, #tpu.memory_space<vmem>>
      tpu.enqueue_dma source(%dma_start3A_208 : memref<32x192xf32, #tpu.memory_space<vmem>>) target(%dma_start3A_205 : memref<32x192xf32, #tpu.memory_space<vmem_shared>>) target_semaphore(%run_scoped3A : memref<!tpu.dma_semaphore, #tpu.memory_space<semaphore_mem>>)
      %dma_wait3A_209 = arith.constant 0 : i32
      %dma_wait3A_210 = arith.constant 0 : i32
      %dma_wait3A_211 = tpu.memref_slice %arg14[%dma_wait3A_209, %dma_wait3A_210] : memref<32x192xf32, #tpu.memory_space<vmem>> -> memref<32x192xf32, #tpu.memory_space<vmem>>
      %dma_wait3A_212 = arith.constant 0 : i32
      %dma_wait3A_213 = tpu.memref_slice %arg17[%add3A_43, %dma_wait3A_212] : memref<5016x192xf32, #tpu.memory_space<vmem_shared>> -> memref<32x192xf32, #tpu.memory_space<vmem_shared>>
      %dma_wait3A_214 = arith.constant 0 : i32
      %dma_wait3A_215 = tpu.memref_slice %arg17[%add3A_43, %dma_wait3A_214] : memref<5016x192xf32, #tpu.memory_space<vmem_shared>> -> memref<32x192xf32, #tpu.memory_space<vmem_shared>>
      %dma_wait3A_216 = arith.constant 0 : i32
      %dma_wait3A_217 = arith.constant 0 : i32
      %dma_wait3A_218 = tpu.memref_slice %arg14[%dma_wait3A_216, %dma_wait3A_217] : memref<32x192xf32, #tpu.memory_space<vmem>> -> memref<32x192xf32, #tpu.memory_space<vmem>>
      tpu.wait_dma2 semaphore(%run_scoped3A : memref<!tpu.dma_semaphore, #tpu.memory_space<semaphore_mem>>) src(%dma_wait3A_218 : memref<32x192xf32, #tpu.memory_space<vmem>>) dst(%dma_wait3A_215 : memref<32x192xf32, #tpu.memory_space<vmem_shared>>)
      tpu.yield
    }) : () -> ()
    %add3A_44 = arith.constant 224 : i32
    %add3A_45 = arith.addi %mul3A_16, %add3A_44 : i32
    "tpu.region"() ({
      %run_scoped3A = tpu.sem_alloc : memref<!tpu.dma_semaphore, #tpu.memory_space<semaphore_mem>>
      %dma_start3A_199 = arith.constant 0 : i32
      %dma_start3A_200 = arith.constant 0 : i32
      %dma_start3A_201 = tpu.memref_slice %arg12[%dma_start3A_199, %dma_start3A_200] : memref<32x128xf32, #tpu.memory_space<vmem>> -> memref<32x128xf32, #tpu.memory_space<vmem>>
      %dma_start3A_202 = arith.constant 0 : i32
      %dma_start3A_203 = tpu.memref_slice %arg16[%add3A_45, %dma_start3A_202] : memref<5016x128xf32, #tpu.memory_space<vmem_shared>> -> memref<32x128xf32, #tpu.memory_space<vmem_shared>>
      %dma_start3A_204 = arith.constant 0 : i32
      %dma_start3A_205 = tpu.memref_slice %arg16[%add3A_45, %dma_start3A_204] : memref<5016x128xf32, #tpu.memory_space<vmem_shared>> -> memref<32x128xf32, #tpu.memory_space<vmem_shared>>
      %dma_start3A_206 = arith.constant 0 : i32
      %dma_start3A_207 = arith.constant 0 : i32
      %dma_start3A_208 = tpu.memref_slice %arg12[%dma_start3A_206, %dma_start3A_207] : memref<32x128xf32, #tpu.memory_space<vmem>> -> memref<32x128xf32, #tpu.memory_space<vmem>>
      tpu.enqueue_dma source(%dma_start3A_208 : memref<32x128xf32, #tpu.memory_space<vmem>>) target(%dma_start3A_205 : memref<32x128xf32, #tpu.memory_space<vmem_shared>>) target_semaphore(%run_scoped3A : memref<!tpu.dma_semaphore, #tpu.memory_space<semaphore_mem>>)
      %dma_wait3A_209 = arith.constant 0 : i32
      %dma_wait3A_210 = arith.constant 0 : i32
      %dma_wait3A_211 = tpu.memref_slice %arg12[%dma_wait3A_209, %dma_wait3A_210] : memref<32x128xf32, #tpu.memory_space<vmem>> -> memref<32x128xf32, #tpu.memory_space<vmem>>
      %dma_wait3A_212 = arith.constant 0 : i32
      %dma_wait3A_213 = tpu.memref_slice %arg16[%add3A_45, %dma_wait3A_212] : memref<5016x128xf32, #tpu.memory_space<vmem_shared>> -> memref<32x128xf32, #tpu.memory_space<vmem_shared>>
      %dma_wait3A_214 = arith.constant 0 : i32
      %dma_wait3A_215 = tpu.memref_slice %arg16[%add3A_45, %dma_wait3A_214] : memref<5016x128xf32, #tpu.memory_space<vmem_shared>> -> memref<32x128xf32, #tpu.memory_space<vmem_shared>>
      %dma_wait3A_216 = arith.constant 0 : i32
      %dma_wait3A_217 = arith.constant 0 : i32
      %dma_wait3A_218 = tpu.memref_slice %arg12[%dma_wait3A_216, %dma_wait3A_217] : memref<32x128xf32, #tpu.memory_space<vmem>> -> memref<32x128xf32, #tpu.memory_space<vmem>>
      tpu.wait_dma2 semaphore(%run_scoped3A : memref<!tpu.dma_semaphore, #tpu.memory_space<semaphore_mem>>) src(%dma_wait3A_218 : memref<32x128xf32, #tpu.memory_space<vmem>>) dst(%dma_wait3A_215 : memref<32x128xf32, #tpu.memory_space<vmem_shared>>)
      tpu.yield
    }) : () -> ()
    %add3A_46 = arith.constant 224 : i32
    %add3A_47 = arith.addi %mul3A_16, %add3A_46 : i32
    "tpu.region"() ({
      %run_scoped3A = tpu.sem_alloc : memref<!tpu.dma_semaphore, #tpu.memory_space<semaphore_mem>>
      %dma_start3A_199 = arith.constant 0 : i32
      %dma_start3A_200 = arith.constant 0 : i32
      %dma_start3A_201 = tpu.memref_slice %arg14[%dma_start3A_199, %dma_start3A_200] : memref<32x192xf32, #tpu.memory_space<vmem>> -> memref<32x192xf32, #tpu.memory_space<vmem>>
      %dma_start3A_202 = arith.constant 0 : i32
      %dma_start3A_203 = tpu.memref_slice %arg17[%add3A_47, %dma_start3A_202] : memref<5016x192xf32, #tpu.memory_space<vmem_shared>> -> memref<32x192xf32, #tpu.memory_space<vmem_shared>>
      %dma_start3A_204 = arith.constant 0 : i32
      %dma_start3A_205 = tpu.memref_slice %arg17[%add3A_47, %dma_start3A_204] : memref<5016x192xf32, #tpu.memory_space<vmem_shared>> -> memref<32x192xf32, #tpu.memory_space<vmem_shared>>
      %dma_start3A_206 = arith.constant 0 : i32
      %dma_start3A_207 = arith.constant 0 : i32
      %dma_start3A_208 = tpu.memref_slice %arg14[%dma_start3A_206, %dma_start3A_207] : memref<32x192xf32, #tpu.memory_space<vmem>> -> memref<32x192xf32, #tpu.memory_space<vmem>>
      tpu.enqueue_dma source(%dma_start3A_208 : memref<32x192xf32, #tpu.memory_space<vmem>>) target(%dma_start3A_205 : memref<32x192xf32, #tpu.memory_space<vmem_shared>>) target_semaphore(%run_scoped3A : memref<!tpu.dma_semaphore, #tpu.memory_space<semaphore_mem>>)
      %dma_wait3A_209 = arith.constant 0 : i32
      %dma_wait3A_210 = arith.constant 0 : i32
      %dma_wait3A_211 = tpu.memref_slice %arg14[%dma_wait3A_209, %dma_wait3A_210] : memref<32x192xf32, #tpu.memory_space<vmem>> -> memref<32x192xf32, #tpu.memory_space<vmem>>
      %dma_wait3A_212 = arith.constant 0 : i32
      %dma_wait3A_213 = tpu.memref_slice %arg17[%add3A_47, %dma_wait3A_212] : memref<5016x192xf32, #tpu.memory_space<vmem_shared>> -> memref<32x192xf32, #tpu.memory_space<vmem_shared>>
      %dma_wait3A_214 = arith.constant 0 : i32
      %dma_wait3A_215 = tpu.memref_slice %arg17[%add3A_47, %dma_wait3A_214] : memref<5016x192xf32, #tpu.memory_space<vmem_shared>> -> memref<32x192xf32, #tpu.memory_space<vmem_shared>>
      %dma_wait3A_216 = arith.constant 0 : i32
      %dma_wait3A_217 = arith.constant 0 : i32
      %dma_wait3A_218 = tpu.memref_slice %arg14[%dma_wait3A_216, %dma_wait3A_217] : memref<32x192xf32, #tpu.memory_space<vmem>> -> memref<32x192xf32, #tpu.memory_space<vmem>>
      tpu.wait_dma2 semaphore(%run_scoped3A : memref<!tpu.dma_semaphore, #tpu.memory_space<semaphore_mem>>) src(%dma_wait3A_218 : memref<32x192xf32, #tpu.memory_space<vmem>>) dst(%dma_wait3A_215 : memref<32x192xf32, #tpu.memory_space<vmem_shared>>)
      tpu.yield
    }) : () -> ()
    %add3A_48 = arith.constant 256 : i32
    %add3A_49 = arith.addi %mul3A_16, %add3A_48 : i32
    "tpu.region"() ({
      %run_scoped3A = tpu.sem_alloc : memref<!tpu.dma_semaphore, #tpu.memory_space<semaphore_mem>>
      %dma_start3A_199 = arith.constant 0 : i32
      %dma_start3A_200 = arith.constant 0 : i32
      %dma_start3A_201 = tpu.memref_slice %arg12[%dma_start3A_199, %dma_start3A_200] : memref<32x128xf32, #tpu.memory_space<vmem>> -> memref<32x128xf32, #tpu.memory_space<vmem>>
      %dma_start3A_202 = arith.constant 0 : i32
      %dma_start3A_203 = tpu.memref_slice %arg16[%add3A_49, %dma_start3A_202] : memref<5016x128xf32, #tpu.memory_space<vmem_shared>> -> memref<32x128xf32, #tpu.memory_space<vmem_shared>>
      %dma_start3A_204 = arith.constant 0 : i32
      %dma_start3A_205 = tpu.memref_slice %arg16[%add3A_49, %dma_start3A_204] : memref<5016x128xf32, #tpu.memory_space<vmem_shared>> -> memref<32x128xf32, #tpu.memory_space<vmem_shared>>
      %dma_start3A_206 = arith.constant 0 : i32
      %dma_start3A_207 = arith.constant 0 : i32
      %dma_start3A_208 = tpu.memref_slice %arg12[%dma_start3A_206, %dma_start3A_207] : memref<32x128xf32, #tpu.memory_space<vmem>> -> memref<32x128xf32, #tpu.memory_space<vmem>>
      tpu.enqueue_dma source(%dma_start3A_208 : memref<32x128xf32, #tpu.memory_space<vmem>>) target(%dma_start3A_205 : memref<32x128xf32, #tpu.memory_space<vmem_shared>>) target_semaphore(%run_scoped3A : memref<!tpu.dma_semaphore, #tpu.memory_space<semaphore_mem>>)
      %dma_wait3A_209 = arith.constant 0 : i32
      %dma_wait3A_210 = arith.constant 0 : i32
      %dma_wait3A_211 = tpu.memref_slice %arg12[%dma_wait3A_209, %dma_wait3A_210] : memref<32x128xf32, #tpu.memory_space<vmem>> -> memref<32x128xf32, #tpu.memory_space<vmem>>
      %dma_wait3A_212 = arith.constant 0 : i32
      %dma_wait3A_213 = tpu.memref_slice %arg16[%add3A_49, %dma_wait3A_212] : memref<5016x128xf32, #tpu.memory_space<vmem_shared>> -> memref<32x128xf32, #tpu.memory_space<vmem_shared>>
      %dma_wait3A_214 = arith.constant 0 : i32
      %dma_wait3A_215 = tpu.memref_slice %arg16[%add3A_49, %dma_wait3A_214] : memref<5016x128xf32, #tpu.memory_space<vmem_shared>> -> memref<32x128xf32, #tpu.memory_space<vmem_shared>>
      %dma_wait3A_216 = arith.constant 0 : i32
      %dma_wait3A_217 = arith.constant 0 : i32
      %dma_wait3A_218 = tpu.memref_slice %arg12[%dma_wait3A_216, %dma_wait3A_217] : memref<32x128xf32, #tpu.memory_space<vmem>> -> memref<32x128xf32, #tpu.memory_space<vmem>>
      tpu.wait_dma2 semaphore(%run_scoped3A : memref<!tpu.dma_semaphore, #tpu.memory_space<semaphore_mem>>) src(%dma_wait3A_218 : memref<32x128xf32, #tpu.memory_space<vmem>>) dst(%dma_wait3A_215 : memref<32x128xf32, #tpu.memory_space<vmem_shared>>)
      tpu.yield
    }) : () -> ()
    %add3A_50 = arith.constant 256 : i32
    %add3A_51 = arith.addi %mul3A_16, %add3A_50 : i32
    "tpu.region"() ({
      %run_scoped3A = tpu.sem_alloc : memref<!tpu.dma_semaphore, #tpu.memory_space<semaphore_mem>>
      %dma_start3A_199 = arith.constant 0 : i32
      %dma_start3A_200 = arith.constant 0 : i32
      %dma_start3A_201 = tpu.memref_slice %arg14[%dma_start3A_199, %dma_start3A_200] : memref<32x192xf32, #tpu.memory_space<vmem>> -> memref<32x192xf32, #tpu.memory_space<vmem>>
      %dma_start3A_202 = arith.constant 0 : i32
      %dma_start3A_203 = tpu.memref_slice %arg17[%add3A_51, %dma_start3A_202] : memref<5016x192xf32, #tpu.memory_space<vmem_shared>> -> memref<32x192xf32, #tpu.memory_space<vmem_shared>>
      %dma_start3A_204 = arith.constant 0 : i32
      %dma_start3A_205 = tpu.memref_slice %arg17[%add3A_51, %dma_start3A_204] : memref<5016x192xf32, #tpu.memory_space<vmem_shared>> -> memref<32x192xf32, #tpu.memory_space<vmem_shared>>
      %dma_start3A_206 = arith.constant 0 : i32
      %dma_start3A_207 = arith.constant 0 : i32
      %dma_start3A_208 = tpu.memref_slice %arg14[%dma_start3A_206, %dma_start3A_207] : memref<32x192xf32, #tpu.memory_space<vmem>> -> memref<32x192xf32, #tpu.memory_space<vmem>>
      tpu.enqueue_dma source(%dma_start3A_208 : memref<32x192xf32, #tpu.memory_space<vmem>>) target(%dma_start3A_205 : memref<32x192xf32, #tpu.memory_space<vmem_shared>>) target_semaphore(%run_scoped3A : memref<!tpu.dma_semaphore, #tpu.memory_space<semaphore_mem>>)
      %dma_wait3A_209 = arith.constant 0 : i32
      %dma_wait3A_210 = arith.constant 0 : i32
      %dma_wait3A_211 = tpu.memref_slice %arg14[%dma_wait3A_209, %dma_wait3A_210] : memref<32x192xf32, #tpu.memory_space<vmem>> -> memref<32x192xf32, #tpu.memory_space<vmem>>
      %dma_wait3A_212 = arith.constant 0 : i32
      %dma_wait3A_213 = tpu.memref_slice %arg17[%add3A_51, %dma_wait3A_212] : memref<5016x192xf32, #tpu.memory_space<vmem_shared>> -> memref<32x192xf32, #tpu.memory_space<vmem_shared>>
      %dma_wait3A_214 = arith.constant 0 : i32
      %dma_wait3A_215 = tpu.memref_slice %arg17[%add3A_51, %dma_wait3A_214] : memref<5016x192xf32, #tpu.memory_space<vmem_shared>> -> memref<32x192xf32, #tpu.memory_space<vmem_shared>>
      %dma_wait3A_216 = arith.constant 0 : i32
      %dma_wait3A_217 = arith.constant 0 : i32
      %dma_wait3A_218 = tpu.memref_slice %arg14[%dma_wait3A_216, %dma_wait3A_217] : memref<32x192xf32, #tpu.memory_space<vmem>> -> memref<32x192xf32, #tpu.memory_space<vmem>>
      tpu.wait_dma2 semaphore(%run_scoped3A : memref<!tpu.dma_semaphore, #tpu.memory_space<semaphore_mem>>) src(%dma_wait3A_218 : memref<32x192xf32, #tpu.memory_space<vmem>>) dst(%dma_wait3A_215 : memref<32x192xf32, #tpu.memory_space<vmem_shared>>)
      tpu.yield
    }) : () -> ()
    %add3A_52 = arith.constant 288 : i32
    %add3A_53 = arith.addi %mul3A_16, %add3A_52 : i32
    "tpu.region"() ({
      %run_scoped3A = tpu.sem_alloc : memref<!tpu.dma_semaphore, #tpu.memory_space<semaphore_mem>>
      %dma_start3A_199 = arith.constant 0 : i32
      %dma_start3A_200 = arith.constant 0 : i32
      %dma_start3A_201 = tpu.memref_slice %arg12[%dma_start3A_199, %dma_start3A_200] : memref<32x128xf32, #tpu.memory_space<vmem>> -> memref<24x128xf32, #tpu.memory_space<vmem>>
      %dma_start3A_202 = arith.constant 0 : i32
      %dma_start3A_203 = tpu.memref_slice %arg16[%add3A_53, %dma_start3A_202] : memref<5016x128xf32, #tpu.memory_space<vmem_shared>> -> memref<24x128xf32, #tpu.memory_space<vmem_shared>>
      %dma_start3A_204 = arith.constant 0 : i32
      %dma_start3A_205 = tpu.memref_slice %arg16[%add3A_53, %dma_start3A_204] : memref<5016x128xf32, #tpu.memory_space<vmem_shared>> -> memref<24x128xf32, #tpu.memory_space<vmem_shared>>
      %dma_start3A_206 = arith.constant 0 : i32
      %dma_start3A_207 = arith.constant 0 : i32
      %dma_start3A_208 = tpu.memref_slice %arg12[%dma_start3A_206, %dma_start3A_207] : memref<32x128xf32, #tpu.memory_space<vmem>> -> memref<24x128xf32, #tpu.memory_space<vmem>>
      tpu.enqueue_dma source(%dma_start3A_208 : memref<24x128xf32, #tpu.memory_space<vmem>>) target(%dma_start3A_205 : memref<24x128xf32, #tpu.memory_space<vmem_shared>>) target_semaphore(%run_scoped3A : memref<!tpu.dma_semaphore, #tpu.memory_space<semaphore_mem>>)
      %dma_wait3A_209 = arith.constant 0 : i32
      %dma_wait3A_210 = arith.constant 0 : i32
      %dma_wait3A_211 = tpu.memref_slice %arg12[%dma_wait3A_209, %dma_wait3A_210] : memref<32x128xf32, #tpu.memory_space<vmem>> -> memref<24x128xf32, #tpu.memory_space<vmem>>
      %dma_wait3A_212 = arith.constant 0 : i32
      %dma_wait3A_213 = tpu.memref_slice %arg16[%add3A_53, %dma_wait3A_212] : memref<5016x128xf32, #tpu.memory_space<vmem_shared>> -> memref<24x128xf32, #tpu.memory_space<vmem_shared>>
      %dma_wait3A_214 = arith.constant 0 : i32
      %dma_wait3A_215 = tpu.memref_slice %arg16[%add3A_53, %dma_wait3A_214] : memref<5016x128xf32, #tpu.memory_space<vmem_shared>> -> memref<24x128xf32, #tpu.memory_space<vmem_shared>>
      %dma_wait3A_216 = arith.constant 0 : i32
      %dma_wait3A_217 = arith.constant 0 : i32
      %dma_wait3A_218 = tpu.memref_slice %arg12[%dma_wait3A_216, %dma_wait3A_217] : memref<32x128xf32, #tpu.memory_space<vmem>> -> memref<24x128xf32, #tpu.memory_space<vmem>>
      tpu.wait_dma2 semaphore(%run_scoped3A : memref<!tpu.dma_semaphore, #tpu.memory_space<semaphore_mem>>) src(%dma_wait3A_218 : memref<24x128xf32, #tpu.memory_space<vmem>>) dst(%dma_wait3A_215 : memref<24x128xf32, #tpu.memory_space<vmem_shared>>)
      tpu.yield
    }) : () -> ()
    %add3A_54 = arith.constant 288 : i32
    %add3A_55 = arith.addi %mul3A_16, %add3A_54 : i32
    "tpu.region"() ({
      %run_scoped3A = tpu.sem_alloc : memref<!tpu.dma_semaphore, #tpu.memory_space<semaphore_mem>>
      %dma_start3A_199 = arith.constant 0 : i32
      %dma_start3A_200 = arith.constant 0 : i32
      %dma_start3A_201 = tpu.memref_slice %arg14[%dma_start3A_199, %dma_start3A_200] : memref<32x192xf32, #tpu.memory_space<vmem>> -> memref<24x192xf32, #tpu.memory_space<vmem>>
      %dma_start3A_202 = arith.constant 0 : i32
      %dma_start3A_203 = tpu.memref_slice %arg17[%add3A_55, %dma_start3A_202] : memref<5016x192xf32, #tpu.memory_space<vmem_shared>> -> memref<24x192xf32, #tpu.memory_space<vmem_shared>>
      %dma_start3A_204 = arith.constant 0 : i32
      %dma_start3A_205 = tpu.memref_slice %arg17[%add3A_55, %dma_start3A_204] : memref<5016x192xf32, #tpu.memory_space<vmem_shared>> -> memref<24x192xf32, #tpu.memory_space<vmem_shared>>
      %dma_start3A_206 = arith.constant 0 : i32
      %dma_start3A_207 = arith.constant 0 : i32
      %dma_start3A_208 = tpu.memref_slice %arg14[%dma_start3A_206, %dma_start3A_207] : memref<32x192xf32, #tpu.memory_space<vmem>> -> memref<24x192xf32, #tpu.memory_space<vmem>>
      tpu.enqueue_dma source(%dma_start3A_208 : memref<24x192xf32, #tpu.memory_space<vmem>>) target(%dma_start3A_205 : memref<24x192xf32, #tpu.memory_space<vmem_shared>>) target_semaphore(%run_scoped3A : memref<!tpu.dma_semaphore, #tpu.memory_space<semaphore_mem>>)
      %dma_wait3A_209 = arith.constant 0 : i32
      %dma_wait3A_210 = arith.constant 0 : i32
      %dma_wait3A_211 = tpu.memref_slice %arg14[%dma_wait3A_209, %dma_wait3A_210] : memref<32x192xf32, #tpu.memory_space<vmem>> -> memref<24x192xf32, #tpu.memory_space<vmem>>
      %dma_wait3A_212 = arith.constant 0 : i32
      %dma_wait3A_213 = tpu.memref_slice %arg17[%add3A_55, %dma_wait3A_212] : memref<5016x192xf32, #tpu.memory_space<vmem_shared>> -> memref<24x192xf32, #tpu.memory_space<vmem_shared>>
      %dma_wait3A_214 = arith.constant 0 : i32
      %dma_wait3A_215 = tpu.memref_slice %arg17[%add3A_55, %dma_wait3A_214] : memref<5016x192xf32, #tpu.memory_space<vmem_shared>> -> memref<24x192xf32, #tpu.memory_space<vmem_shared>>
      %dma_wait3A_216 = arith.constant 0 : i32
      %dma_wait3A_217 = arith.constant 0 : i32
      %dma_wait3A_218 = tpu.memref_slice %arg14[%dma_wait3A_216, %dma_wait3A_217] : memref<32x192xf32, #tpu.memory_space<vmem>> -> memref<24x192xf32, #tpu.memory_space<vmem>>
      tpu.wait_dma2 semaphore(%run_scoped3A : memref<!tpu.dma_semaphore, #tpu.memory_space<semaphore_mem>>) src(%dma_wait3A_218 : memref<24x192xf32, #tpu.memory_space<vmem>>) dst(%dma_wait3A_215 : memref<24x192xf32, #tpu.memory_space<vmem_shared>>)
      tpu.yield
    }) : () -> ()
    %eq3A = arith.constant 0 : i32
    %eq3A_56 = arith.cmpi eq, %arg1, %eq3A : i32
    %convert_element_type3A = arith.extui %eq3A_56 : i1 to i32
    %cond3A = arith.constant 0 : i32
    %cond3A_57 = arith.cmpi ne, %convert_element_type3A, %cond3A : i32
    scf.if %cond3A_57 {
      "tpu.region"() ({
        %run_scoped3A = tpu.sem_alloc : memref<!tpu.dma_semaphore, #tpu.memory_space<semaphore_mem>>
        %dma_start3A_199 = arith.constant 0 : i32
        %dma_start3A_200 = arith.constant 0 : i32
        %dma_start3A_201 = tpu.memref_slice %arg12[%dma_start3A_199, %dma_start3A_200] : memref<32x128xf32, #tpu.memory_space<vmem>> -> memref<24x128xf32, #tpu.memory_space<vmem>>
        %dma_start3A_202 = arith.constant 4992 : i32
        %dma_start3A_203 = arith.constant 0 : i32
        %dma_start3A_204 = tpu.memref_slice %arg16[%dma_start3A_202, %dma_start3A_203] : memref<5016x128xf32, #tpu.memory_space<vmem_shared>> -> memref<24x128xf32, #tpu.memory_space<vmem_shared>>
        %dma_start3A_205 = arith.constant 4992 : i32
        %dma_start3A_206 = arith.constant 0 : i32
        %dma_start3A_207 = tpu.memref_slice %arg16[%dma_start3A_205, %dma_start3A_206] : memref<5016x128xf32, #tpu.memory_space<vmem_shared>> -> memref<24x128xf32, #tpu.memory_space<vmem_shared>>
        %dma_start3A_208 = arith.constant 0 : i32
        %dma_start3A_209 = arith.constant 0 : i32
        %dma_start3A_210 = tpu.memref_slice %arg12[%dma_start3A_208, %dma_start3A_209] : memref<32x128xf32, #tpu.memory_space<vmem>> -> memref<24x128xf32, #tpu.memory_space<vmem>>
        tpu.enqueue_dma source(%dma_start3A_210 : memref<24x128xf32, #tpu.memory_space<vmem>>) target(%dma_start3A_207 : memref<24x128xf32, #tpu.memory_space<vmem_shared>>) target_semaphore(%run_scoped3A : memref<!tpu.dma_semaphore, #tpu.memory_space<semaphore_mem>>)
        %dma_wait3A_211 = arith.constant 0 : i32
        %dma_wait3A_212 = arith.constant 0 : i32
        %dma_wait3A_213 = tpu.memref_slice %arg12[%dma_wait3A_211, %dma_wait3A_212] : memref<32x128xf32, #tpu.memory_space<vmem>> -> memref<24x128xf32, #tpu.memory_space<vmem>>
        %dma_wait3A_214 = arith.constant 4992 : i32
        %dma_wait3A_215 = arith.constant 0 : i32
        %dma_wait3A_216 = tpu.memref_slice %arg16[%dma_wait3A_214, %dma_wait3A_215] : memref<5016x128xf32, #tpu.memory_space<vmem_shared>> -> memref<24x128xf32, #tpu.memory_space<vmem_shared>>
        %dma_wait3A_217 = arith.constant 4992 : i32
        %dma_wait3A_218 = arith.constant 0 : i32
        %dma_wait3A_219 = tpu.memref_slice %arg16[%dma_wait3A_217, %dma_wait3A_218] : memref<5016x128xf32, #tpu.memory_space<vmem_shared>> -> memref<24x128xf32, #tpu.memory_space<vmem_shared>>
        %dma_wait3A_220 = arith.constant 0 : i32
        %dma_wait3A_221 = arith.constant 0 : i32
        %dma_wait3A_222 = tpu.memref_slice %arg12[%dma_wait3A_220, %dma_wait3A_221] : memref<32x128xf32, #tpu.memory_space<vmem>> -> memref<24x128xf32, #tpu.memory_space<vmem>>
        tpu.wait_dma2 semaphore(%run_scoped3A : memref<!tpu.dma_semaphore, #tpu.memory_space<semaphore_mem>>) src(%dma_wait3A_222 : memref<24x128xf32, #tpu.memory_space<vmem>>) dst(%dma_wait3A_219 : memref<24x128xf32, #tpu.memory_space<vmem_shared>>)
        tpu.yield
      }) : () -> ()
      "tpu.region"() ({
        %run_scoped3A = tpu.sem_alloc : memref<!tpu.dma_semaphore, #tpu.memory_space<semaphore_mem>>
        %dma_start3A_199 = arith.constant 0 : i32
        %dma_start3A_200 = arith.constant 0 : i32
        %dma_start3A_201 = tpu.memref_slice %arg14[%dma_start3A_199, %dma_start3A_200] : memref<32x192xf32, #tpu.memory_space<vmem>> -> memref<24x192xf32, #tpu.memory_space<vmem>>
        %dma_start3A_202 = arith.constant 4992 : i32
        %dma_start3A_203 = arith.constant 0 : i32
        %dma_start3A_204 = tpu.memref_slice %arg17[%dma_start3A_202, %dma_start3A_203] : memref<5016x192xf32, #tpu.memory_space<vmem_shared>> -> memref<24x192xf32, #tpu.memory_space<vmem_shared>>
        %dma_start3A_205 = arith.constant 4992 : i32
        %dma_start3A_206 = arith.constant 0 : i32
        %dma_start3A_207 = tpu.memref_slice %arg17[%dma_start3A_205, %dma_start3A_206] : memref<5016x192xf32, #tpu.memory_space<vmem_shared>> -> memref<24x192xf32, #tpu.memory_space<vmem_shared>>
        %dma_start3A_208 = arith.constant 0 : i32
        %dma_start3A_209 = arith.constant 0 : i32
        %dma_start3A_210 = tpu.memref_slice %arg14[%dma_start3A_208, %dma_start3A_209] : memref<32x192xf32, #tpu.memory_space<vmem>> -> memref<24x192xf32, #tpu.memory_space<vmem>>
        tpu.enqueue_dma source(%dma_start3A_210 : memref<24x192xf32, #tpu.memory_space<vmem>>) target(%dma_start3A_207 : memref<24x192xf32, #tpu.memory_space<vmem_shared>>) target_semaphore(%run_scoped3A : memref<!tpu.dma_semaphore, #tpu.memory_space<semaphore_mem>>)
        %dma_wait3A_211 = arith.constant 0 : i32
        %dma_wait3A_212 = arith.constant 0 : i32
        %dma_wait3A_213 = tpu.memref_slice %arg14[%dma_wait3A_211, %dma_wait3A_212] : memref<32x192xf32, #tpu.memory_space<vmem>> -> memref<24x192xf32, #tpu.memory_space<vmem>>
        %dma_wait3A_214 = arith.constant 4992 : i32
        %dma_wait3A_215 = arith.constant 0 : i32
        %dma_wait3A_216 = tpu.memref_slice %arg17[%dma_wait3A_214, %dma_wait3A_215] : memref<5016x192xf32, #tpu.memory_space<vmem_shared>> -> memref<24x192xf32, #tpu.memory_space<vmem_shared>>
        %dma_wait3A_217 = arith.constant 4992 : i32
        %dma_wait3A_218 = arith.constant 0 : i32
        %dma_wait3A_219 = tpu.memref_slice %arg17[%dma_wait3A_217, %dma_wait3A_218] : memref<5016x192xf32, #tpu.memory_space<vmem_shared>> -> memref<24x192xf32, #tpu.memory_space<vmem_shared>>
        %dma_wait3A_220 = arith.constant 0 : i32
        %dma_wait3A_221 = arith.constant 0 : i32
        %dma_wait3A_222 = tpu.memref_slice %arg14[%dma_wait3A_220, %dma_wait3A_221] : memref<32x192xf32, #tpu.memory_space<vmem>> -> memref<24x192xf32, #tpu.memory_space<vmem>>
        tpu.wait_dma2 semaphore(%run_scoped3A : memref<!tpu.dma_semaphore, #tpu.memory_space<semaphore_mem>>) src(%dma_wait3A_222 : memref<24x192xf32, #tpu.memory_space<vmem>>) dst(%dma_wait3A_219 : memref<24x192xf32, #tpu.memory_space<vmem_shared>>)
        tpu.yield
      }) : () -> ()
    } else {
    }
    %barrier3A = arith.constant 0 : index
    tpu.barrier barrier_id(%barrier3A)
    %mul3A_58 = arith.constant 20000 : i32
    %mul3A_59 = arith.muli %arg1, %mul3A_58 : i32
    %add3A_60 = arith.constant 0 : i32
    %add3A_61 = arith.addi %mul3A_59, %add3A_60 : i32
    %dma_start3A = arith.constant 0 : i32
    %dma_start3A_62 = tpu.memref_slice %arg2[%arg1, %dma_start3A] : memref<16x20000xi32, #tpu.memory_space<hbm>> -> memref<1x32xi32, #tpu.memory_space<hbm>>
    %dma_start3A_63 = tpu.memref_squeeze %dma_start3A_62 : memref<1x32xi32, #tpu.memory_space<hbm>> -> memref<32xi32, #tpu.memory_space<hbm>>
    %dma_start3A_64 = arith.constant 0 : i32
    %dma_start3A_65 = tpu.memref_slice %arg2[%arg1, %dma_start3A_64] : memref<16x20000xi32, #tpu.memory_space<hbm>> -> memref<1x32xi32, #tpu.memory_space<hbm>>
    %dma_start3A_66 = tpu.memref_squeeze %dma_start3A_65 : memref<1x32xi32, #tpu.memory_space<hbm>> -> memref<32xi32, #tpu.memory_space<hbm>>
    tpu.enqueue_dma source(%dma_start3A_66 : memref<32xi32, #tpu.memory_space<hbm>>) target(%arg8 : memref<32xi32, #tpu.memory_space<vmem>>) target_semaphore(%arg18 : memref<!tpu.dma_semaphore, #tpu.memory_space<semaphore_mem>>)
    %dma_start3A_67 = arith.constant 0 : i32
    %dma_start3A_68 = tpu.memref_slice %arg3[%add3A_61, %dma_start3A_67] : memref<320000x128xf32, #tpu.memory_space<hbm>> -> memref<32x128xf32, #tpu.memory_space<hbm>>
    %dma_start3A_69 = arith.constant 0 : i32
    %dma_start3A_70 = tpu.memref_slice %arg3[%add3A_61, %dma_start3A_69] : memref<320000x128xf32, #tpu.memory_space<hbm>> -> memref<32x128xf32, #tpu.memory_space<hbm>>
    tpu.enqueue_dma source(%dma_start3A_70 : memref<32x128xf32, #tpu.memory_space<hbm>>) target(%arg12 : memref<32x128xf32, #tpu.memory_space<vmem>>) target_semaphore(%arg20 : memref<!tpu.dma_semaphore, #tpu.memory_space<semaphore_mem>>)
    %dma_start3A_71 = arith.constant 0 : i32
    %dma_start3A_72 = arith.constant 0 : i32
    %dma_start3A_73 = tpu.memref_slice %arg14[%dma_start3A_71, %dma_start3A_72] : memref<32x192xf32, #tpu.memory_space<vmem>> -> memref<32x128xf32, #tpu.memory_space<vmem>>
    %dma_start3A_74 = arith.constant 0 : i32
    %dma_start3A_75 = tpu.memref_slice %arg4[%add3A_61, %dma_start3A_74] : memref<320000x128xf32, #tpu.memory_space<hbm>> -> memref<32x128xf32, #tpu.memory_space<hbm>>
    %dma_start3A_76 = arith.constant 0 : i32
    %dma_start3A_77 = arith.constant 0 : i32
    %dma_start3A_78 = tpu.memref_slice %arg14[%dma_start3A_76, %dma_start3A_77] : memref<32x192xf32, #tpu.memory_space<vmem>> -> memref<32x128xf32, #tpu.memory_space<vmem>>
    %dma_start3A_79 = arith.constant 0 : i32
    %dma_start3A_80 = tpu.memref_slice %arg4[%add3A_61, %dma_start3A_79] : memref<320000x128xf32, #tpu.memory_space<hbm>> -> memref<32x128xf32, #tpu.memory_space<hbm>>
    tpu.enqueue_dma source(%dma_start3A_80 : memref<32x128xf32, #tpu.memory_space<hbm>>) target(%dma_start3A_78 : memref<32x128xf32, #tpu.memory_space<vmem>>) target_semaphore(%arg22 : memref<!tpu.dma_semaphore, #tpu.memory_space<semaphore_mem>>)
    %dma_start3A_81 = arith.constant 0 : i32
    %dma_start3A_82 = arith.constant 128 : i32
    %dma_start3A_83 = tpu.memref_slice %arg14[%dma_start3A_81, %dma_start3A_82] : memref<32x192xf32, #tpu.memory_space<vmem>> -> memref<32x64xf32, #tpu.memory_space<vmem>>
    %dma_start3A_84 = arith.constant 0 : i32
    %dma_start3A_85 = tpu.memref_slice %arg5[%add3A_61, %dma_start3A_84] : memref<320000x128xf32, #tpu.memory_space<hbm>> -> memref<32x64xf32, #tpu.memory_space<hbm>>
    %dma_start3A_86 = arith.constant 0 : i32
    %dma_start3A_87 = arith.constant 128 : i32
    %dma_start3A_88 = tpu.memref_slice %arg14[%dma_start3A_86, %dma_start3A_87] : memref<32x192xf32, #tpu.memory_space<vmem>> -> memref<32x64xf32, #tpu.memory_space<vmem>>
    %dma_start3A_89 = arith.constant 0 : i32
    %dma_start3A_90 = tpu.memref_slice %arg5[%add3A_61, %dma_start3A_89] : memref<320000x128xf32, #tpu.memory_space<hbm>> -> memref<32x64xf32, #tpu.memory_space<hbm>>
    tpu.enqueue_dma source(%dma_start3A_90 : memref<32x64xf32, #tpu.memory_space<hbm>>) target(%dma_start3A_88 : memref<32x64xf32, #tpu.memory_space<vmem>>) target_semaphore(%arg24 : memref<!tpu.dma_semaphore, #tpu.memory_space<semaphore_mem>>)
    %add3A_91 = arith.constant 32 : i32
    %add3A_92 = arith.addi %mul3A_59, %add3A_91 : i32
    %dma_start3A_93 = arith.constant 32 : i32
    %dma_start3A_94 = tpu.memref_slice %arg2[%arg1, %dma_start3A_93] : memref<16x20000xi32, #tpu.memory_space<hbm>> -> memref<1x32xi32, #tpu.memory_space<hbm>>
    %dma_start3A_95 = tpu.memref_squeeze %dma_start3A_94 : memref<1x32xi32, #tpu.memory_space<hbm>> -> memref<32xi32, #tpu.memory_space<hbm>>
    %dma_start3A_96 = arith.constant 32 : i32
    %dma_start3A_97 = tpu.memref_slice %arg2[%arg1, %dma_start3A_96] : memref<16x20000xi32, #tpu.memory_space<hbm>> -> memref<1x32xi32, #tpu.memory_space<hbm>>
    %dma_start3A_98 = tpu.memref_squeeze %dma_start3A_97 : memref<1x32xi32, #tpu.memory_space<hbm>> -> memref<32xi32, #tpu.memory_space<hbm>>
    tpu.enqueue_dma source(%dma_start3A_98 : memref<32xi32, #tpu.memory_space<hbm>>) target(%arg9 : memref<32xi32, #tpu.memory_space<vmem>>) target_semaphore(%arg19 : memref<!tpu.dma_semaphore, #tpu.memory_space<semaphore_mem>>)
    %dma_start3A_99 = arith.constant 0 : i32
    %dma_start3A_100 = tpu.memref_slice %arg3[%add3A_92, %dma_start3A_99] : memref<320000x128xf32, #tpu.memory_space<hbm>> -> memref<32x128xf32, #tpu.memory_space<hbm>>
    %dma_start3A_101 = arith.constant 0 : i32
    %dma_start3A_102 = tpu.memref_slice %arg3[%add3A_92, %dma_start3A_101] : memref<320000x128xf32, #tpu.memory_space<hbm>> -> memref<32x128xf32, #tpu.memory_space<hbm>>
    tpu.enqueue_dma source(%dma_start3A_102 : memref<32x128xf32, #tpu.memory_space<hbm>>) target(%arg13 : memref<32x128xf32, #tpu.memory_space<vmem>>) target_semaphore(%arg21 : memref<!tpu.dma_semaphore, #tpu.memory_space<semaphore_mem>>)
    %dma_start3A_103 = arith.constant 0 : i32
    %dma_start3A_104 = arith.constant 0 : i32
    %dma_start3A_105 = tpu.memref_slice %arg15[%dma_start3A_103, %dma_start3A_104] : memref<32x192xf32, #tpu.memory_space<vmem>> -> memref<32x128xf32, #tpu.memory_space<vmem>>
    %dma_start3A_106 = arith.constant 0 : i32
    %dma_start3A_107 = tpu.memref_slice %arg4[%add3A_92, %dma_start3A_106] : memref<320000x128xf32, #tpu.memory_space<hbm>> -> memref<32x128xf32, #tpu.memory_space<hbm>>
    %dma_start3A_108 = arith.constant 0 : i32
    %dma_start3A_109 = arith.constant 0 : i32
    %dma_start3A_110 = tpu.memref_slice %arg15[%dma_start3A_108, %dma_start3A_109] : memref<32x192xf32, #tpu.memory_space<vmem>> -> memref<32x128xf32, #tpu.memory_space<vmem>>
    %dma_start3A_111 = arith.constant 0 : i32
    %dma_start3A_112 = tpu.memref_slice %arg4[%add3A_92, %dma_start3A_111] : memref<320000x128xf32, #tpu.memory_space<hbm>> -> memref<32x128xf32, #tpu.memory_space<hbm>>
    tpu.enqueue_dma source(%dma_start3A_112 : memref<32x128xf32, #tpu.memory_space<hbm>>) target(%dma_start3A_110 : memref<32x128xf32, #tpu.memory_space<vmem>>) target_semaphore(%arg23 : memref<!tpu.dma_semaphore, #tpu.memory_space<semaphore_mem>>)
    %dma_start3A_113 = arith.constant 0 : i32
    %dma_start3A_114 = arith.constant 128 : i32
    %dma_start3A_115 = tpu.memref_slice %arg15[%dma_start3A_113, %dma_start3A_114] : memref<32x192xf32, #tpu.memory_space<vmem>> -> memref<32x64xf32, #tpu.memory_space<vmem>>
    %dma_start3A_116 = arith.constant 0 : i32
    %dma_start3A_117 = tpu.memref_slice %arg5[%add3A_92, %dma_start3A_116] : memref<320000x128xf32, #tpu.memory_space<hbm>> -> memref<32x64xf32, #tpu.memory_space<hbm>>
    %dma_start3A_118 = arith.constant 0 : i32
    %dma_start3A_119 = arith.constant 128 : i32
    %dma_start3A_120 = tpu.memref_slice %arg15[%dma_start3A_118, %dma_start3A_119] : memref<32x192xf32, #tpu.memory_space<vmem>> -> memref<32x64xf32, #tpu.memory_space<vmem>>
    %dma_start3A_121 = arith.constant 0 : i32
    %dma_start3A_122 = tpu.memref_slice %arg5[%add3A_92, %dma_start3A_121] : memref<320000x128xf32, #tpu.memory_space<hbm>> -> memref<32x64xf32, #tpu.memory_space<hbm>>
    tpu.enqueue_dma source(%dma_start3A_122 : memref<32x64xf32, #tpu.memory_space<hbm>>) target(%dma_start3A_120 : memref<32x64xf32, #tpu.memory_space<vmem>>) target_semaphore(%arg25 : memref<!tpu.dma_semaphore, #tpu.memory_space<semaphore_mem>>)
    %scan3A_123 = arith.constant 0 : i32
    %scan3A_124 = arith.constant 0 : i32
    %scan3A_125 = arith.constant 312 : i32
    %scan3A_126 = arith.addi %scan3A_124, %scan3A_125 : i32
    %scan3A_127 = arith.constant 1 : i32
    scf.for %scan3A_199 = %scan3A_124 to %scan3A_126 step %scan3A_127  : i32 {
      %mul3A_200 = arith.constant 2 : i32
      %mul3A_201 = arith.muli %mul3A_200, %scan3A_199 : i32
      %mul3A_202 = arith.constant 32 : i32
      %mul3A_203 = arith.muli %mul3A_201, %mul3A_202 : i32
      %add3A_204 = arith.addi %mul3A_59, %mul3A_203 : i32
      %mul3A_205 = arith.constant 32 : i32
      %mul3A_206 = arith.muli %mul3A_201, %mul3A_205 : i32
      %dma_wait3A_207 = tpu.memref_slice %arg2[%arg1, %mul3A_206] : memref<16x20000xi32, #tpu.memory_space<hbm>> -> memref<1x32xi32, #tpu.memory_space<hbm>>
      %dma_wait3A_208 = tpu.memref_squeeze %dma_wait3A_207 : memref<1x32xi32, #tpu.memory_space<hbm>> -> memref<32xi32, #tpu.memory_space<hbm>>
      %dma_wait3A_209 = tpu.memref_slice %arg2[%arg1, %mul3A_206] : memref<16x20000xi32, #tpu.memory_space<hbm>> -> memref<1x32xi32, #tpu.memory_space<hbm>>
      %dma_wait3A_210 = tpu.memref_squeeze %dma_wait3A_209 : memref<1x32xi32, #tpu.memory_space<hbm>> -> memref<32xi32, #tpu.memory_space<hbm>>
      tpu.wait_dma2 semaphore(%arg18 : memref<!tpu.dma_semaphore, #tpu.memory_space<semaphore_mem>>) src(%dma_wait3A_210 : memref<32xi32, #tpu.memory_space<hbm>>) dst(%arg8 : memref<32xi32, #tpu.memory_space<vmem>>)
      %get3A_211 = arith.constant 0 : index
      %get3A_212 = tpu.vector_load %arg8[%get3A_211] {strides = array<i32>} : memref<32xi32, #tpu.memory_space<vmem>>, vector<16xi32>,
      %get3A_213 = vector.shape_cast %get3A_212 : vector<16xi32> to vector<16xi32>
      %sub3A_214 = vector.broadcast %mul3A_0 : i32 to vector<16xi32>
      %sub3A_215 = arith.subi %get3A_213, %sub3A_214 : vector<16xi32>
      %ge3A_216 = arith.constant 0 : i32
      %ge3A_217 = vector.broadcast %ge3A_216 : i32 to vector<16xi32>
      %ge3A_218 = arith.cmpi sge, %sub3A_215, %ge3A_217 : vector<16xi32>
      %lt3A_219 = vector.broadcast %sub3A_3 : i32 to vector<16xi32>
      %lt3A_220 = arith.cmpi slt, %sub3A_215, %lt3A_219 : vector<16xi32>
      %and3A_221 = arith.andi %ge3A_218, %lt3A_220 : vector<16xi1>
      %jit3A_222 = arith.constant 5008 : i32
      %broadcast_in_dim3A_223 = vector.broadcast %jit3A_222 : i32 to vector<16xi32>
      %select_n3A_224 = arith.select %and3A_221, %sub3A_215, %broadcast_in_dim3A_223 : vector<16xi1>, vector<16xi32>
      %swap3A_225 = arith.constant 0 : index
      %swap3A_226 = tpu.vector_load %arg10[%swap3A_225] {strides = array<i32>} : memref<32xi32, #tpu.memory_space<vmem>>, vector<16xi32>,
      %swap3A_227 = vector.shape_cast %swap3A_226 : vector<16xi32> to vector<16xi32>
      %swap3A_228 = vector.shape_cast %select_n3A_224 : vector<16xi32> to vector<16xi32>
      tpu.vector_store %arg10[%swap3A_225], %swap3A_228 {strides = array<i32>} : memref<32xi32, #tpu.memory_space<vmem>>, vector<16xi32>,
      %get3A_229 = arith.constant 16 : index
      %get3A_230 = tpu.vector_load %arg8[%get3A_229] {strides = array<i32>} : memref<32xi32, #tpu.memory_space<vmem>>, vector<16xi32>,
      %get3A_231 = vector.shape_cast %get3A_230 : vector<16xi32> to vector<16xi32>
      %sub3A_232 = vector.broadcast %mul3A_0 : i32 to vector<16xi32>
      %sub3A_233 = arith.subi %get3A_231, %sub3A_232 : vector<16xi32>
      %ge3A_234 = arith.constant 0 : i32
      %ge3A_235 = vector.broadcast %ge3A_234 : i32 to vector<16xi32>
      %ge3A_236 = arith.cmpi sge, %sub3A_233, %ge3A_235 : vector<16xi32>
      %lt3A_237 = vector.broadcast %sub3A_3 : i32 to vector<16xi32>
      %lt3A_238 = arith.cmpi slt, %sub3A_233, %lt3A_237 : vector<16xi32>
      %and3A_239 = arith.andi %ge3A_236, %lt3A_238 : vector<16xi1>
      %jit3A_240 = arith.constant 5008 : i32
      %broadcast_in_dim3A_241 = vector.broadcast %jit3A_240 : i32 to vector<16xi32>
      %select_n3A_242 = arith.select %and3A_239, %sub3A_233, %broadcast_in_dim3A_241 : vector<16xi1>, vector<16xi32>
      %swap3A_243 = arith.constant 16 : index
      %swap3A_244 = tpu.vector_load %arg10[%swap3A_243] {strides = array<i32>} : memref<32xi32, #tpu.memory_space<vmem>>, vector<16xi32>,
      %swap3A_245 = vector.shape_cast %swap3A_244 : vector<16xi32> to vector<16xi32>
      %swap3A_246 = vector.shape_cast %select_n3A_242 : vector<16xi32> to vector<16xi32>
      tpu.vector_store %arg10[%swap3A_243], %swap3A_246 {strides = array<i32>} : memref<32xi32, #tpu.memory_space<vmem>>, vector<16xi32>,
      %dma_wait3A_247 = arith.constant 0 : i32
      %dma_wait3A_248 = tpu.memref_slice %arg3[%add3A_204, %dma_wait3A_247] : memref<320000x128xf32, #tpu.memory_space<hbm>> -> memref<32x128xf32, #tpu.memory_space<hbm>>
      %dma_wait3A_249 = arith.constant 0 : i32
      %dma_wait3A_250 = tpu.memref_slice %arg3[%add3A_204, %dma_wait3A_249] : memref<320000x128xf32, #tpu.memory_space<hbm>> -> memref<32x128xf32, #tpu.memory_space<hbm>>
      tpu.wait_dma2 semaphore(%arg20 : memref<!tpu.dma_semaphore, #tpu.memory_space<semaphore_mem>>) src(%dma_wait3A_250 : memref<32x128xf32, #tpu.memory_space<hbm>>) dst(%arg12 : memref<32x128xf32, #tpu.memory_space<vmem>>)
      "tpu.region"() ({
        %run_scoped3A = tpu.sem_alloc : memref<!tpu.dma_semaphore, #tpu.memory_space<semaphore_mem>>
        %dma_start3A_358 = arith.constant 0 : i32
        %dma_start3A_359 = arith.constant 0 : i32
        %dma_start3A_360 = tpu.memref_slice %arg16[%dma_start3A_358, %dma_start3A_359] : memref<5016x128xf32, #tpu.memory_space<vmem_shared>> -> memref<5016x128xf32, #tpu.memory_space<vmem_shared>>
        tpu.enqueue_indirect_dma source(%arg12 : memref<32x128xf32, #tpu.memory_space<vmem>>) target(%dma_start3A_360 : memref<5016x128xf32, #tpu.memory_space<vmem_shared>>) offsets(%arg10 : memref<32xi32, #tpu.memory_space<vmem>>) semaphore(%run_scoped3A : memref<!tpu.dma_semaphore, #tpu.memory_space<semaphore_mem>>) {add = true}
        %dma_wait3A_361 = arith.constant 0 : i32
        %dma_wait3A_362 = arith.constant 0 : i32
        %dma_wait3A_363 = tpu.memref_slice %arg16[%dma_wait3A_361, %dma_wait3A_362] : memref<5016x128xf32, #tpu.memory_space<vmem_shared>> -> memref<5016x128xf32, #tpu.memory_space<vmem_shared>>
        tpu.wait_indirect_dma semaphore(%run_scoped3A : memref<!tpu.dma_semaphore, #tpu.memory_space<semaphore_mem>>) src(%arg12 : memref<32x128xf32, #tpu.memory_space<vmem>>) dst(%dma_wait3A_363 : memref<5016x128xf32, #tpu.memory_space<vmem_shared>>)
        tpu.yield
      }) : () -> ()
      %dma_wait3A_251 = arith.constant 0 : i32
      %dma_wait3A_252 = arith.constant 0 : i32
      %dma_wait3A_253 = tpu.memref_slice %arg14[%dma_wait3A_251, %dma_wait3A_252] : memref<32x192xf32, #tpu.memory_space<vmem>> -> memref<32x128xf32, #tpu.memory_space<vmem>>
      %dma_wait3A_254 = arith.constant 0 : i32
      %dma_wait3A_255 = tpu.memref_slice %arg4[%add3A_204, %dma_wait3A_254] : memref<320000x128xf32, #tpu.memory_space<hbm>> -> memref<32x128xf32, #tpu.memory_space<hbm>>
      %dma_wait3A_256 = arith.constant 0 : i32
      %dma_wait3A_257 = arith.constant 0 : i32
      %dma_wait3A_258 = tpu.memref_slice %arg14[%dma_wait3A_256, %dma_wait3A_257] : memref<32x192xf32, #tpu.memory_space<vmem>> -> memref<32x128xf32, #tpu.memory_space<vmem>>
      %dma_wait3A_259 = arith.constant 0 : i32
      %dma_wait3A_260 = tpu.memref_slice %arg4[%add3A_204, %dma_wait3A_259] : memref<320000x128xf32, #tpu.memory_space<hbm>> -> memref<32x128xf32, #tpu.memory_space<hbm>>
      tpu.wait_dma2 semaphore(%arg22 : memref<!tpu.dma_semaphore, #tpu.memory_space<semaphore_mem>>) src(%dma_wait3A_260 : memref<32x128xf32, #tpu.memory_space<hbm>>) dst(%dma_wait3A_258 : memref<32x128xf32, #tpu.memory_space<vmem>>)
      %dma_wait3A_261 = arith.constant 0 : i32
      %dma_wait3A_262 = arith.constant 128 : i32
      %dma_wait3A_263 = tpu.memref_slice %arg14[%dma_wait3A_261, %dma_wait3A_262] : memref<32x192xf32, #tpu.memory_space<vmem>> -> memref<32x64xf32, #tpu.memory_space<vmem>>
      %dma_wait3A_264 = arith.constant 0 : i32
      %dma_wait3A_265 = tpu.memref_slice %arg5[%add3A_204, %dma_wait3A_264] : memref<320000x128xf32, #tpu.memory_space<hbm>> -> memref<32x64xf32, #tpu.memory_space<hbm>>
      %dma_wait3A_266 = arith.constant 0 : i32
      %dma_wait3A_267 = arith.constant 128 : i32
      %dma_wait3A_268 = tpu.memref_slice %arg14[%dma_wait3A_266, %dma_wait3A_267] : memref<32x192xf32, #tpu.memory_space<vmem>> -> memref<32x64xf32, #tpu.memory_space<vmem>>
      %dma_wait3A_269 = arith.constant 0 : i32
      %dma_wait3A_270 = tpu.memref_slice %arg5[%add3A_204, %dma_wait3A_269] : memref<320000x128xf32, #tpu.memory_space<hbm>> -> memref<32x64xf32, #tpu.memory_space<hbm>>
      tpu.wait_dma2 semaphore(%arg24 : memref<!tpu.dma_semaphore, #tpu.memory_space<semaphore_mem>>) src(%dma_wait3A_270 : memref<32x64xf32, #tpu.memory_space<hbm>>) dst(%dma_wait3A_268 : memref<32x64xf32, #tpu.memory_space<vmem>>)
      "tpu.region"() ({
        %run_scoped3A = tpu.sem_alloc : memref<!tpu.dma_semaphore, #tpu.memory_space<semaphore_mem>>
        %dma_start3A_358 = arith.constant 0 : i32
        %dma_start3A_359 = arith.constant 0 : i32
        %dma_start3A_360 = tpu.memref_slice %arg17[%dma_start3A_358, %dma_start3A_359] : memref<5016x192xf32, #tpu.memory_space<vmem_shared>> -> memref<5016x192xf32, #tpu.memory_space<vmem_shared>>
        tpu.enqueue_indirect_dma source(%arg14 : memref<32x192xf32, #tpu.memory_space<vmem>>) target(%dma_start3A_360 : memref<5016x192xf32, #tpu.memory_space<vmem_shared>>) offsets(%arg10 : memref<32xi32, #tpu.memory_space<vmem>>) semaphore(%run_scoped3A : memref<!tpu.dma_semaphore, #tpu.memory_space<semaphore_mem>>) {add = true}
        %dma_wait3A_361 = arith.constant 0 : i32
        %dma_wait3A_362 = arith.constant 0 : i32
        %dma_wait3A_363 = tpu.memref_slice %arg17[%dma_wait3A_361, %dma_wait3A_362] : memref<5016x192xf32, #tpu.memory_space<vmem_shared>> -> memref<5016x192xf32, #tpu.memory_space<vmem_shared>>
        tpu.wait_indirect_dma semaphore(%run_scoped3A : memref<!tpu.dma_semaphore, #tpu.memory_space<semaphore_mem>>) src(%arg14 : memref<32x192xf32, #tpu.memory_space<vmem>>) dst(%dma_wait3A_363 : memref<5016x192xf32, #tpu.memory_space<vmem_shared>>)
        tpu.yield
      }) : () -> ()
      %add3A_271 = arith.constant 2 : i32
      %add3A_272 = arith.addi %mul3A_201, %add3A_271 : i32
      %lt3A_273 = arith.constant 625 : i32
      %lt3A_274 = arith.cmpi slt, %add3A_272, %lt3A_273 : i32
      %convert_element_type3A_275 = arith.extui %lt3A_274 : i1 to i32
      %cond3A_276 = arith.constant 0 : i32
      %cond3A_277 = arith.cmpi ne, %convert_element_type3A_275, %cond3A_276 : i32
      scf.if %cond3A_277 {
        %add3A_358 = arith.constant 2 : i32
        %add3A_359 = arith.addi %mul3A_201, %add3A_358 : i32
        %mul3A_360 = arith.constant 32 : i32
        %mul3A_361 = arith.muli %add3A_359, %mul3A_360 : i32
        %add3A_362 = arith.addi %mul3A_59, %mul3A_361 : i32
        %mul3A_363 = arith.constant 32 : i32
        %mul3A_364 = arith.muli %add3A_359, %mul3A_363 : i32
        %dma_start3A_365 = tpu.memref_slice %arg2[%arg1, %mul3A_364] : memref<16x20000xi32, #tpu.memory_space<hbm>> -> memref<1x32xi32, #tpu.memory_space<hbm>>
        %dma_start3A_366 = tpu.memref_squeeze %dma_start3A_365 : memref<1x32xi32, #tpu.memory_space<hbm>> -> memref<32xi32, #tpu.memory_space<hbm>>
        %dma_start3A_367 = tpu.memref_slice %arg2[%arg1, %mul3A_364] : memref<16x20000xi32, #tpu.memory_space<hbm>> -> memref<1x32xi32, #tpu.memory_space<hbm>>
        %dma_start3A_368 = tpu.memref_squeeze %dma_start3A_367 : memref<1x32xi32, #tpu.memory_space<hbm>> -> memref<32xi32, #tpu.memory_space<hbm>>
        tpu.enqueue_dma source(%dma_start3A_368 : memref<32xi32, #tpu.memory_space<hbm>>) target(%arg8 : memref<32xi32, #tpu.memory_space<vmem>>) target_semaphore(%arg18 : memref<!tpu.dma_semaphore, #tpu.memory_space<semaphore_mem>>)
        %dma_start3A_369 = arith.constant 0 : i32
        %dma_start3A_370 = tpu.memref_slice %arg3[%add3A_362, %dma_start3A_369] : memref<320000x128xf32, #tpu.memory_space<hbm>> -> memref<32x128xf32, #tpu.memory_space<hbm>>
        %dma_start3A_371 = arith.constant 0 : i32
        %dma_start3A_372 = tpu.memref_slice %arg3[%add3A_362, %dma_start3A_371] : memref<320000x128xf32, #tpu.memory_space<hbm>> -> memref<32x128xf32, #tpu.memory_space<hbm>>
        tpu.enqueue_dma source(%dma_start3A_372 : memref<32x128xf32, #tpu.memory_space<hbm>>) target(%arg12 : memref<32x128xf32, #tpu.memory_space<vmem>>) target_semaphore(%arg20 : memref<!tpu.dma_semaphore, #tpu.memory_space<semaphore_mem>>)
        %dma_start3A_373 = arith.constant 0 : i32
        %dma_start3A_374 = arith.constant 0 : i32
        %dma_start3A_375 = tpu.memref_slice %arg14[%dma_start3A_373, %dma_start3A_374] : memref<32x192xf32, #tpu.memory_space<vmem>> -> memref<32x128xf32, #tpu.memory_space<vmem>>
        %dma_start3A_376 = arith.constant 0 : i32
        %dma_start3A_377 = tpu.memref_slice %arg4[%add3A_362, %dma_start3A_376] : memref<320000x128xf32, #tpu.memory_space<hbm>> -> memref<32x128xf32, #tpu.memory_space<hbm>>
        %dma_start3A_378 = arith.constant 0 : i32
        %dma_start3A_379 = arith.constant 0 : i32
        %dma_start3A_380 = tpu.memref_slice %arg14[%dma_start3A_378, %dma_start3A_379] : memref<32x192xf32, #tpu.memory_space<vmem>> -> memref<32x128xf32, #tpu.memory_space<vmem>>
        %dma_start3A_381 = arith.constant 0 : i32
        %dma_start3A_382 = tpu.memref_slice %arg4[%add3A_362, %dma_start3A_381] : memref<320000x128xf32, #tpu.memory_space<hbm>> -> memref<32x128xf32, #tpu.memory_space<hbm>>
        tpu.enqueue_dma source(%dma_start3A_382 : memref<32x128xf32, #tpu.memory_space<hbm>>) target(%dma_start3A_380 : memref<32x128xf32, #tpu.memory_space<vmem>>) target_semaphore(%arg22 : memref<!tpu.dma_semaphore, #tpu.memory_space<semaphore_mem>>)
        %dma_start3A_383 = arith.constant 0 : i32
        %dma_start3A_384 = arith.constant 128 : i32
        %dma_start3A_385 = tpu.memref_slice %arg14[%dma_start3A_383, %dma_start3A_384] : memref<32x192xf32, #tpu.memory_space<vmem>> -> memref<32x64xf32, #tpu.memory_space<vmem>>
        %dma_start3A_386 = arith.constant 0 : i32
        %dma_start3A_387 = tpu.memref_slice %arg5[%add3A_362, %dma_start3A_386] : memref<320000x128xf32, #tpu.memory_space<hbm>> -> memref<32x64xf32, #tpu.memory_space<hbm>>
        %dma_start3A_388 = arith.constant 0 : i32
        %dma_start3A_389 = arith.constant 128 : i32
        %dma_start3A_390 = tpu.memref_slice %arg14[%dma_start3A_388, %dma_start3A_389] : memref<32x192xf32, #tpu.memory_space<vmem>> -> memref<32x64xf32, #tpu.memory_space<vmem>>
        %dma_start3A_391 = arith.constant 0 : i32
        %dma_start3A_392 = tpu.memref_slice %arg5[%add3A_362, %dma_start3A_391] : memref<320000x128xf32, #tpu.memory_space<hbm>> -> memref<32x64xf32, #tpu.memory_space<hbm>>
        tpu.enqueue_dma source(%dma_start3A_392 : memref<32x64xf32, #tpu.memory_space<hbm>>) target(%dma_start3A_390 : memref<32x64xf32, #tpu.memory_space<vmem>>) target_semaphore(%arg24 : memref<!tpu.dma_semaphore, #tpu.memory_space<semaphore_mem>>)
      } else {
      }
      %mul3A_278 = arith.constant 2 : i32
      %mul3A_279 = arith.muli %mul3A_278, %scan3A_199 : i32
      %add3A_280 = arith.constant 1 : i32
      %add3A_281 = arith.addi %mul3A_279, %add3A_280 : i32
      %mul3A_282 = arith.constant 32 : i32
      %mul3A_283 = arith.muli %add3A_281, %mul3A_282 : i32
      %add3A_284 = arith.addi %mul3A_59, %mul3A_283 : i32
      %mul3A_285 = arith.constant 32 : i32
      %mul3A_286 = arith.muli %add3A_281, %mul3A_285 : i32
      %dma_wait3A_287 = tpu.memref_slice %arg2[%arg1, %mul3A_286] : memref<16x20000xi32, #tpu.memory_space<hbm>> -> memref<1x32xi32, #tpu.memory_space<hbm>>
      %dma_wait3A_288 = tpu.memref_squeeze %dma_wait3A_287 : memref<1x32xi32, #tpu.memory_space<hbm>> -> memref<32xi32, #tpu.memory_space<hbm>>
      %dma_wait3A_289 = tpu.memref_slice %arg2[%arg1, %mul3A_286] : memref<16x20000xi32, #tpu.memory_space<hbm>> -> memref<1x32xi32, #tpu.memory_space<hbm>>
      %dma_wait3A_290 = tpu.memref_squeeze %dma_wait3A_289 : memref<1x32xi32, #tpu.memory_space<hbm>> -> memref<32xi32, #tpu.memory_space<hbm>>
      tpu.wait_dma2 semaphore(%arg19 : memref<!tpu.dma_semaphore, #tpu.memory_space<semaphore_mem>>) src(%dma_wait3A_290 : memref<32xi32, #tpu.memory_space<hbm>>) dst(%arg9 : memref<32xi32, #tpu.memory_space<vmem>>)
      %get3A_291 = arith.constant 0 : index
      %get3A_292 = tpu.vector_load %arg9[%get3A_291] {strides = array<i32>} : memref<32xi32, #tpu.memory_space<vmem>>, vector<16xi32>,
      %get3A_293 = vector.shape_cast %get3A_292 : vector<16xi32> to vector<16xi32>
      %sub3A_294 = vector.broadcast %mul3A_0 : i32 to vector<16xi32>
      %sub3A_295 = arith.subi %get3A_293, %sub3A_294 : vector<16xi32>
      %ge3A_296 = arith.constant 0 : i32
      %ge3A_297 = vector.broadcast %ge3A_296 : i32 to vector<16xi32>
      %ge3A_298 = arith.cmpi sge, %sub3A_295, %ge3A_297 : vector<16xi32>
      %lt3A_299 = vector.broadcast %sub3A_3 : i32 to vector<16xi32>
      %lt3A_300 = arith.cmpi slt, %sub3A_295, %lt3A_299 : vector<16xi32>
      %and3A_301 = arith.andi %ge3A_298, %lt3A_300 : vector<16xi1>
      %jit3A_302 = arith.constant 5008 : i32
      %broadcast_in_dim3A_303 = vector.broadcast %jit3A_302 : i32 to vector<16xi32>
      %select_n3A_304 = arith.select %and3A_301, %sub3A_295, %broadcast_in_dim3A_303 : vector<16xi1>, vector<16xi32>
      %swap3A_305 = arith.constant 0 : index
      %swap3A_306 = tpu.vector_load %arg11[%swap3A_305] {strides = array<i32>} : memref<32xi32, #tpu.memory_space<vmem>>, vector<16xi32>,
      %swap3A_307 = vector.shape_cast %swap3A_306 : vector<16xi32> to vector<16xi32>
      %swap3A_308 = vector.shape_cast %select_n3A_304 : vector<16xi32> to vector<16xi32>
      tpu.vector_store %arg11[%swap3A_305], %swap3A_308 {strides = array<i32>} : memref<32xi32, #tpu.memory_space<vmem>>, vector<16xi32>,
      %get3A_309 = arith.constant 16 : index
      %get3A_310 = tpu.vector_load %arg9[%get3A_309] {strides = array<i32>} : memref<32xi32, #tpu.memory_space<vmem>>, vector<16xi32>,
      %get3A_311 = vector.shape_cast %get3A_310 : vector<16xi32> to vector<16xi32>
      %sub3A_312 = vector.broadcast %mul3A_0 : i32 to vector<16xi32>
      %sub3A_313 = arith.subi %get3A_311, %sub3A_312 : vector<16xi32>
      %ge3A_314 = arith.constant 0 : i32
      %ge3A_315 = vector.broadcast %ge3A_314 : i32 to vector<16xi32>
      %ge3A_316 = arith.cmpi sge, %sub3A_313, %ge3A_315 : vector<16xi32>
      %lt3A_317 = vector.broadcast %sub3A_3 : i32 to vector<16xi32>
      %lt3A_318 = arith.cmpi slt, %sub3A_313, %lt3A_317 : vector<16xi32>
      %and3A_319 = arith.andi %ge3A_316, %lt3A_318 : vector<16xi1>
      %jit3A_320 = arith.constant 5008 : i32
      %broadcast_in_dim3A_321 = vector.broadcast %jit3A_320 : i32 to vector<16xi32>
      %select_n3A_322 = arith.select %and3A_319, %sub3A_313, %broadcast_in_dim3A_321 : vector<16xi1>, vector<16xi32>
      %swap3A_323 = arith.constant 16 : index
      %swap3A_324 = tpu.vector_load %arg11[%swap3A_323] {strides = array<i32>} : memref<32xi32, #tpu.memory_space<vmem>>, vector<16xi32>,
      %swap3A_325 = vector.shape_cast %swap3A_324 : vector<16xi32> to vector<16xi32>
      %swap3A_326 = vector.shape_cast %select_n3A_322 : vector<16xi32> to vector<16xi32>
      tpu.vector_store %arg11[%swap3A_323], %swap3A_326 {strides = array<i32>} : memref<32xi32, #tpu.memory_space<vmem>>, vector<16xi32>,
      %dma_wait3A_327 = arith.constant 0 : i32
      %dma_wait3A_328 = tpu.memref_slice %arg3[%add3A_284, %dma_wait3A_327] : memref<320000x128xf32, #tpu.memory_space<hbm>> -> memref<32x128xf32, #tpu.memory_space<hbm>>
      %dma_wait3A_329 = arith.constant 0 : i32
      %dma_wait3A_330 = tpu.memref_slice %arg3[%add3A_284, %dma_wait3A_329] : memref<320000x128xf32, #tpu.memory_space<hbm>> -> memref<32x128xf32, #tpu.memory_space<hbm>>
      tpu.wait_dma2 semaphore(%arg21 : memref<!tpu.dma_semaphore, #tpu.memory_space<semaphore_mem>>) src(%dma_wait3A_330 : memref<32x128xf32, #tpu.memory_space<hbm>>) dst(%arg13 : memref<32x128xf32, #tpu.memory_space<vmem>>)
      "tpu.region"() ({
        %run_scoped3A = tpu.sem_alloc : memref<!tpu.dma_semaphore, #tpu.memory_space<semaphore_mem>>
        %dma_start3A_358 = arith.constant 0 : i32
        %dma_start3A_359 = arith.constant 0 : i32
        %dma_start3A_360 = tpu.memref_slice %arg16[%dma_start3A_358, %dma_start3A_359] : memref<5016x128xf32, #tpu.memory_space<vmem_shared>> -> memref<5016x128xf32, #tpu.memory_space<vmem_shared>>
        tpu.enqueue_indirect_dma source(%arg13 : memref<32x128xf32, #tpu.memory_space<vmem>>) target(%dma_start3A_360 : memref<5016x128xf32, #tpu.memory_space<vmem_shared>>) offsets(%arg11 : memref<32xi32, #tpu.memory_space<vmem>>) semaphore(%run_scoped3A : memref<!tpu.dma_semaphore, #tpu.memory_space<semaphore_mem>>) {add = true}
        %dma_wait3A_361 = arith.constant 0 : i32
        %dma_wait3A_362 = arith.constant 0 : i32
        %dma_wait3A_363 = tpu.memref_slice %arg16[%dma_wait3A_361, %dma_wait3A_362] : memref<5016x128xf32, #tpu.memory_space<vmem_shared>> -> memref<5016x128xf32, #tpu.memory_space<vmem_shared>>
        tpu.wait_indirect_dma semaphore(%run_scoped3A : memref<!tpu.dma_semaphore, #tpu.memory_space<semaphore_mem>>) src(%arg13 : memref<32x128xf32, #tpu.memory_space<vmem>>) dst(%dma_wait3A_363 : memref<5016x128xf32, #tpu.memory_space<vmem_shared>>)
        tpu.yield
      }) : () -> ()
      %dma_wait3A_331 = arith.constant 0 : i32
      %dma_wait3A_332 = arith.constant 0 : i32
      %dma_wait3A_333 = tpu.memref_slice %arg15[%dma_wait3A_331, %dma_wait3A_332] : memref<32x192xf32, #tpu.memory_space<vmem>> -> memref<32x128xf32, #tpu.memory_space<vmem>>
      %dma_wait3A_334 = arith.constant 0 : i32
      %dma_wait3A_335 = tpu.memref_slice %arg4[%add3A_284, %dma_wait3A_334] : memref<320000x128xf32, #tpu.memory_space<hbm>> -> memref<32x128xf32, #tpu.memory_space<hbm>>
      %dma_wait3A_336 = arith.constant 0 : i32
      %dma_wait3A_337 = arith.constant 0 : i32
      %dma_wait3A_338 = tpu.memref_slice %arg15[%dma_wait3A_336, %dma_wait3A_337] : memref<32x192xf32, #tpu.memory_space<vmem>> -> memref<32x128xf32, #tpu.memory_space<vmem>>
      %dma_wait3A_339 = arith.constant 0 : i32
      %dma_wait3A_340 = tpu.memref_slice %arg4[%add3A_284, %dma_wait3A_339] : memref<320000x128xf32, #tpu.memory_space<hbm>> -> memref<32x128xf32, #tpu.memory_space<hbm>>
      tpu.wait_dma2 semaphore(%arg23 : memref<!tpu.dma_semaphore, #tpu.memory_space<semaphore_mem>>) src(%dma_wait3A_340 : memref<32x128xf32, #tpu.memory_space<hbm>>) dst(%dma_wait3A_338 : memref<32x128xf32, #tpu.memory_space<vmem>>)
      %dma_wait3A_341 = arith.constant 0 : i32
      %dma_wait3A_342 = arith.constant 128 : i32
      %dma_wait3A_343 = tpu.memref_slice %arg15[%dma_wait3A_341, %dma_wait3A_342] : memref<32x192xf32, #tpu.memory_space<vmem>> -> memref<32x64xf32, #tpu.memory_space<vmem>>
      %dma_wait3A_344 = arith.constant 0 : i32
      %dma_wait3A_345 = tpu.memref_slice %arg5[%add3A_284, %dma_wait3A_344] : memref<320000x128xf32, #tpu.memory_space<hbm>> -> memref<32x64xf32, #tpu.memory_space<hbm>>
      %dma_wait3A_346 = arith.constant 0 : i32
      %dma_wait3A_347 = arith.constant 128 : i32
      %dma_wait3A_348 = tpu.memref_slice %arg15[%dma_wait3A_346, %dma_wait3A_347] : memref<32x192xf32, #tpu.memory_space<vmem>> -> memref<32x64xf32, #tpu.memory_space<vmem>>
      %dma_wait3A_349 = arith.constant 0 : i32
      %dma_wait3A_350 = tpu.memref_slice %arg5[%add3A_284, %dma_wait3A_349] : memref<320000x128xf32, #tpu.memory_space<hbm>> -> memref<32x64xf32, #tpu.memory_space<hbm>>
      tpu.wait_dma2 semaphore(%arg25 : memref<!tpu.dma_semaphore, #tpu.memory_space<semaphore_mem>>) src(%dma_wait3A_350 : memref<32x64xf32, #tpu.memory_space<hbm>>) dst(%dma_wait3A_348 : memref<32x64xf32, #tpu.memory_space<vmem>>)
      "tpu.region"() ({
        %run_scoped3A = tpu.sem_alloc : memref<!tpu.dma_semaphore, #tpu.memory_space<semaphore_mem>>
        %dma_start3A_358 = arith.constant 0 : i32
        %dma_start3A_359 = arith.constant 0 : i32
        %dma_start3A_360 = tpu.memref_slice %arg17[%dma_start3A_358, %dma_start3A_359] : memref<5016x192xf32, #tpu.memory_space<vmem_shared>> -> memref<5016x192xf32, #tpu.memory_space<vmem_shared>>
        tpu.enqueue_indirect_dma source(%arg15 : memref<32x192xf32, #tpu.memory_space<vmem>>) target(%dma_start3A_360 : memref<5016x192xf32, #tpu.memory_space<vmem_shared>>) offsets(%arg11 : memref<32xi32, #tpu.memory_space<vmem>>) semaphore(%run_scoped3A : memref<!tpu.dma_semaphore, #tpu.memory_space<semaphore_mem>>) {add = true}
        %dma_wait3A_361 = arith.constant 0 : i32
        %dma_wait3A_362 = arith.constant 0 : i32
        %dma_wait3A_363 = tpu.memref_slice %arg17[%dma_wait3A_361, %dma_wait3A_362] : memref<5016x192xf32, #tpu.memory_space<vmem_shared>> -> memref<5016x192xf32, #tpu.memory_space<vmem_shared>>
        tpu.wait_indirect_dma semaphore(%run_scoped3A : memref<!tpu.dma_semaphore, #tpu.memory_space<semaphore_mem>>) src(%arg15 : memref<32x192xf32, #tpu.memory_space<vmem>>) dst(%dma_wait3A_363 : memref<5016x192xf32, #tpu.memory_space<vmem_shared>>)
        tpu.yield
      }) : () -> ()
      %add3A_351 = arith.constant 2 : i32
      %add3A_352 = arith.addi %add3A_281, %add3A_351 : i32
      %lt3A_353 = arith.constant 625 : i32
      %lt3A_354 = arith.cmpi slt, %add3A_352, %lt3A_353 : i32
      %convert_element_type3A_355 = arith.extui %lt3A_354 : i1 to i32
      %cond3A_356 = arith.constant 0 : i32
      %cond3A_357 = arith.cmpi ne, %convert_element_type3A_355, %cond3A_356 : i32
      scf.if %cond3A_357 {
        %add3A_358 = arith.constant 2 : i32
        %add3A_359 = arith.addi %add3A_281, %add3A_358 : i32
        %mul3A_360 = arith.constant 32 : i32
        %mul3A_361 = arith.muli %add3A_359, %mul3A_360 : i32
        %add3A_362 = arith.addi %mul3A_59, %mul3A_361 : i32
        %mul3A_363 = arith.constant 32 : i32
        %mul3A_364 = arith.muli %add3A_359, %mul3A_363 : i32
        %dma_start3A_365 = tpu.memref_slice %arg2[%arg1, %mul3A_364] : memref<16x20000xi32, #tpu.memory_space<hbm>> -> memref<1x32xi32, #tpu.memory_space<hbm>>
        %dma_start3A_366 = tpu.memref_squeeze %dma_start3A_365 : memref<1x32xi32, #tpu.memory_space<hbm>> -> memref<32xi32, #tpu.memory_space<hbm>>
        %dma_start3A_367 = tpu.memref_slice %arg2[%arg1, %mul3A_364] : memref<16x20000xi32, #tpu.memory_space<hbm>> -> memref<1x32xi32, #tpu.memory_space<hbm>>
        %dma_start3A_368 = tpu.memref_squeeze %dma_start3A_367 : memref<1x32xi32, #tpu.memory_space<hbm>> -> memref<32xi32, #tpu.memory_space<hbm>>
        tpu.enqueue_dma source(%dma_start3A_368 : memref<32xi32, #tpu.memory_space<hbm>>) target(%arg9 : memref<32xi32, #tpu.memory_space<vmem>>) target_semaphore(%arg19 : memref<!tpu.dma_semaphore, #tpu.memory_space<semaphore_mem>>)
        %dma_start3A_369 = arith.constant 0 : i32
        %dma_start3A_370 = tpu.memref_slice %arg3[%add3A_362, %dma_start3A_369] : memref<320000x128xf32, #tpu.memory_space<hbm>> -> memref<32x128xf32, #tpu.memory_space<hbm>>
        %dma_start3A_371 = arith.constant 0 : i32
        %dma_start3A_372 = tpu.memref_slice %arg3[%add3A_362, %dma_start3A_371] : memref<320000x128xf32, #tpu.memory_space<hbm>> -> memref<32x128xf32, #tpu.memory_space<hbm>>
        tpu.enqueue_dma source(%dma_start3A_372 : memref<32x128xf32, #tpu.memory_space<hbm>>) target(%arg13 : memref<32x128xf32, #tpu.memory_space<vmem>>) target_semaphore(%arg21 : memref<!tpu.dma_semaphore, #tpu.memory_space<semaphore_mem>>)
        %dma_start3A_373 = arith.constant 0 : i32
        %dma_start3A_374 = arith.constant 0 : i32
        %dma_start3A_375 = tpu.memref_slice %arg15[%dma_start3A_373, %dma_start3A_374] : memref<32x192xf32, #tpu.memory_space<vmem>> -> memref<32x128xf32, #tpu.memory_space<vmem>>
        %dma_start3A_376 = arith.constant 0 : i32
        %dma_start3A_377 = tpu.memref_slice %arg4[%add3A_362, %dma_start3A_376] : memref<320000x128xf32, #tpu.memory_space<hbm>> -> memref<32x128xf32, #tpu.memory_space<hbm>>
        %dma_start3A_378 = arith.constant 0 : i32
        %dma_start3A_379 = arith.constant 0 : i32
        %dma_start3A_380 = tpu.memref_slice %arg15[%dma_start3A_378, %dma_start3A_379] : memref<32x192xf32, #tpu.memory_space<vmem>> -> memref<32x128xf32, #tpu.memory_space<vmem>>
        %dma_start3A_381 = arith.constant 0 : i32
        %dma_start3A_382 = tpu.memref_slice %arg4[%add3A_362, %dma_start3A_381] : memref<320000x128xf32, #tpu.memory_space<hbm>> -> memref<32x128xf32, #tpu.memory_space<hbm>>
        tpu.enqueue_dma source(%dma_start3A_382 : memref<32x128xf32, #tpu.memory_space<hbm>>) target(%dma_start3A_380 : memref<32x128xf32, #tpu.memory_space<vmem>>) target_semaphore(%arg23 : memref<!tpu.dma_semaphore, #tpu.memory_space<semaphore_mem>>)
        %dma_start3A_383 = arith.constant 0 : i32
        %dma_start3A_384 = arith.constant 128 : i32
        %dma_start3A_385 = tpu.memref_slice %arg15[%dma_start3A_383, %dma_start3A_384] : memref<32x192xf32, #tpu.memory_space<vmem>> -> memref<32x64xf32, #tpu.memory_space<vmem>>
        %dma_start3A_386 = arith.constant 0 : i32
        %dma_start3A_387 = tpu.memref_slice %arg5[%add3A_362, %dma_start3A_386] : memref<320000x128xf32, #tpu.memory_space<hbm>> -> memref<32x64xf32, #tpu.memory_space<hbm>>
        %dma_start3A_388 = arith.constant 0 : i32
        %dma_start3A_389 = arith.constant 128 : i32
        %dma_start3A_390 = tpu.memref_slice %arg15[%dma_start3A_388, %dma_start3A_389] : memref<32x192xf32, #tpu.memory_space<vmem>> -> memref<32x64xf32, #tpu.memory_space<vmem>>
        %dma_start3A_391 = arith.constant 0 : i32
        %dma_start3A_392 = tpu.memref_slice %arg5[%add3A_362, %dma_start3A_391] : memref<320000x128xf32, #tpu.memory_space<hbm>> -> memref<32x64xf32, #tpu.memory_space<hbm>>
        tpu.enqueue_dma source(%dma_start3A_392 : memref<32x64xf32, #tpu.memory_space<hbm>>) target(%dma_start3A_390 : memref<32x64xf32, #tpu.memory_space<vmem>>) target_semaphore(%arg25 : memref<!tpu.dma_semaphore, #tpu.memory_space<semaphore_mem>>)
      } else {
      }
    }
    %scan3A_128 = arith.constant 312 : i32
    %add3A_129 = arith.constant 19968 : i32
    %add3A_130 = arith.addi %mul3A_59, %add3A_129 : i32
    %dma_wait3A = arith.constant 19968 : i32
    %dma_wait3A_131 = tpu.memref_slice %arg2[%arg1, %dma_wait3A] : memref<16x20000xi32, #tpu.memory_space<hbm>> -> memref<1x32xi32, #tpu.memory_space<hbm>>
    %dma_wait3A_132 = tpu.memref_squeeze %dma_wait3A_131 : memref<1x32xi32, #tpu.memory_space<hbm>> -> memref<32xi32, #tpu.memory_space<hbm>>
    %dma_wait3A_133 = arith.constant 19968 : i32
    %dma_wait3A_134 = tpu.memref_slice %arg2[%arg1, %dma_wait3A_133] : memref<16x20000xi32, #tpu.memory_space<hbm>> -> memref<1x32xi32, #tpu.memory_space<hbm>>
    %dma_wait3A_135 = tpu.memref_squeeze %dma_wait3A_134 : memref<1x32xi32, #tpu.memory_space<hbm>> -> memref<32xi32, #tpu.memory_space<hbm>>
    tpu.wait_dma2 semaphore(%arg18 : memref<!tpu.dma_semaphore, #tpu.memory_space<semaphore_mem>>) src(%dma_wait3A_135 : memref<32xi32, #tpu.memory_space<hbm>>) dst(%arg8 : memref<32xi32, #tpu.memory_space<vmem>>)
    %get3A = arith.constant 0 : index
    %get3A_136 = tpu.vector_load %arg8[%get3A] {strides = array<i32>} : memref<32xi32, #tpu.memory_space<vmem>>, vector<16xi32>,
    %get3A_137 = vector.shape_cast %get3A_136 : vector<16xi32> to vector<16xi32>
    %sub3A_138 = vector.broadcast %mul3A_0 : i32 to vector<16xi32>
    %sub3A_139 = arith.subi %get3A_137, %sub3A_138 : vector<16xi32>
    %ge3A = arith.constant 0 : i32
    %ge3A_140 = vector.broadcast %ge3A : i32 to vector<16xi32>
    %ge3A_141 = arith.cmpi sge, %sub3A_139, %ge3A_140 : vector<16xi32>
    %lt3A = vector.broadcast %sub3A_3 : i32 to vector<16xi32>
    %lt3A_142 = arith.cmpi slt, %sub3A_139, %lt3A : vector<16xi32>
    %and3A = arith.andi %ge3A_141, %lt3A_142 : vector<16xi1>
    %jit3A = arith.constant 5008 : i32
    %broadcast_in_dim3A = vector.broadcast %jit3A : i32 to vector<16xi32>
    %select_n3A = arith.select %and3A, %sub3A_139, %broadcast_in_dim3A : vector<16xi1>, vector<16xi32>
    %swap3A = arith.constant 0 : index
    %swap3A_143 = tpu.vector_load %arg10[%swap3A] {strides = array<i32>} : memref<32xi32, #tpu.memory_space<vmem>>, vector<16xi32>,
    %swap3A_144 = vector.shape_cast %swap3A_143 : vector<16xi32> to vector<16xi32>
    %swap3A_145 = vector.shape_cast %select_n3A : vector<16xi32> to vector<16xi32>
    tpu.vector_store %arg10[%swap3A], %swap3A_145 {strides = array<i32>} : memref<32xi32, #tpu.memory_space<vmem>>, vector<16xi32>,
    %get3A_146 = arith.constant 16 : index
    %get3A_147 = tpu.vector_load %arg8[%get3A_146] {strides = array<i32>} : memref<32xi32, #tpu.memory_space<vmem>>, vector<16xi32>,
    %get3A_148 = vector.shape_cast %get3A_147 : vector<16xi32> to vector<16xi32>
    %sub3A_149 = vector.broadcast %mul3A_0 : i32 to vector<16xi32>
    %sub3A_150 = arith.subi %get3A_148, %sub3A_149 : vector<16xi32>
    %ge3A_151 = arith.constant 0 : i32
    %ge3A_152 = vector.broadcast %ge3A_151 : i32 to vector<16xi32>
    %ge3A_153 = arith.cmpi sge, %sub3A_150, %ge3A_152 : vector<16xi32>
    %lt3A_154 = vector.broadcast %sub3A_3 : i32 to vector<16xi32>
    %lt3A_155 = arith.cmpi slt, %sub3A_150, %lt3A_154 : vector<16xi32>
    %and3A_156 = arith.andi %ge3A_153, %lt3A_155 : vector<16xi1>
    %jit3A_157 = arith.constant 5008 : i32
    %broadcast_in_dim3A_158 = vector.broadcast %jit3A_157 : i32 to vector<16xi32>
    %select_n3A_159 = arith.select %and3A_156, %sub3A_150, %broadcast_in_dim3A_158 : vector<16xi1>, vector<16xi32>
    %swap3A_160 = arith.constant 16 : index
    %swap3A_161 = tpu.vector_load %arg10[%swap3A_160] {strides = array<i32>} : memref<32xi32, #tpu.memory_space<vmem>>, vector<16xi32>,
    %swap3A_162 = vector.shape_cast %swap3A_161 : vector<16xi32> to vector<16xi32>
    %swap3A_163 = vector.shape_cast %select_n3A_159 : vector<16xi32> to vector<16xi32>
    tpu.vector_store %arg10[%swap3A_160], %swap3A_163 {strides = array<i32>} : memref<32xi32, #tpu.memory_space<vmem>>, vector<16xi32>,
    %dma_wait3A_164 = arith.constant 0 : i32
    %dma_wait3A_165 = tpu.memref_slice %arg3[%add3A_130, %dma_wait3A_164] : memref<320000x128xf32, #tpu.memory_space<hbm>> -> memref<32x128xf32, #tpu.memory_space<hbm>>
    %dma_wait3A_166 = arith.constant 0 : i32
    %dma_wait3A_167 = tpu.memref_slice %arg3[%add3A_130, %dma_wait3A_166] : memref<320000x128xf32, #tpu.memory_space<hbm>> -> memref<32x128xf32, #tpu.memory_space<hbm>>
    tpu.wait_dma2 semaphore(%arg20 : memref<!tpu.dma_semaphore, #tpu.memory_space<semaphore_mem>>) src(%dma_wait3A_167 : memref<32x128xf32, #tpu.memory_space<hbm>>) dst(%arg12 : memref<32x128xf32, #tpu.memory_space<vmem>>)
    "tpu.region"() ({
      %run_scoped3A = tpu.sem_alloc : memref<!tpu.dma_semaphore, #tpu.memory_space<semaphore_mem>>
      %dma_start3A_199 = arith.constant 0 : i32
      %dma_start3A_200 = arith.constant 0 : i32
      %dma_start3A_201 = tpu.memref_slice %arg16[%dma_start3A_199, %dma_start3A_200] : memref<5016x128xf32, #tpu.memory_space<vmem_shared>> -> memref<5016x128xf32, #tpu.memory_space<vmem_shared>>
      tpu.enqueue_indirect_dma source(%arg12 : memref<32x128xf32, #tpu.memory_space<vmem>>) target(%dma_start3A_201 : memref<5016x128xf32, #tpu.memory_space<vmem_shared>>) offsets(%arg10 : memref<32xi32, #tpu.memory_space<vmem>>) semaphore(%run_scoped3A : memref<!tpu.dma_semaphore, #tpu.memory_space<semaphore_mem>>) {add = true}
      %dma_wait3A_202 = arith.constant 0 : i32
      %dma_wait3A_203 = arith.constant 0 : i32
      %dma_wait3A_204 = tpu.memref_slice %arg16[%dma_wait3A_202, %dma_wait3A_203] : memref<5016x128xf32, #tpu.memory_space<vmem_shared>> -> memref<5016x128xf32, #tpu.memory_space<vmem_shared>>
      tpu.wait_indirect_dma semaphore(%run_scoped3A : memref<!tpu.dma_semaphore, #tpu.memory_space<semaphore_mem>>) src(%arg12 : memref<32x128xf32, #tpu.memory_space<vmem>>) dst(%dma_wait3A_204 : memref<5016x128xf32, #tpu.memory_space<vmem_shared>>)
      tpu.yield
    }) : () -> ()
    %dma_wait3A_168 = arith.constant 0 : i32
    %dma_wait3A_169 = arith.constant 0 : i32
    %dma_wait3A_170 = tpu.memref_slice %arg14[%dma_wait3A_168, %dma_wait3A_169] : memref<32x192xf32, #tpu.memory_space<vmem>> -> memref<32x128xf32, #tpu.memory_space<vmem>>
    %dma_wait3A_171 = arith.constant 0 : i32
    %dma_wait3A_172 = tpu.memref_slice %arg4[%add3A_130, %dma_wait3A_171] : memref<320000x128xf32, #tpu.memory_space<hbm>> -> memref<32x128xf32, #tpu.memory_space<hbm>>
    %dma_wait3A_173 = arith.constant 0 : i32
    %dma_wait3A_174 = arith.constant 0 : i32
    %dma_wait3A_175 = tpu.memref_slice %arg14[%dma_wait3A_173, %dma_wait3A_174] : memref<32x192xf32, #tpu.memory_space<vmem>> -> memref<32x128xf32, #tpu.memory_space<vmem>>
    %dma_wait3A_176 = arith.constant 0 : i32
    %dma_wait3A_177 = tpu.memref_slice %arg4[%add3A_130, %dma_wait3A_176] : memref<320000x128xf32, #tpu.memory_space<hbm>> -> memref<32x128xf32, #tpu.memory_space<hbm>>
    tpu.wait_dma2 semaphore(%arg22 : memref<!tpu.dma_semaphore, #tpu.memory_space<semaphore_mem>>) src(%dma_wait3A_177 : memref<32x128xf32, #tpu.memory_space<hbm>>) dst(%dma_wait3A_175 : memref<32x128xf32, #tpu.memory_space<vmem>>)
    %dma_wait3A_178 = arith.constant 0 : i32
    %dma_wait3A_179 = arith.constant 128 : i32
    %dma_wait3A_180 = tpu.memref_slice %arg14[%dma_wait3A_178, %dma_wait3A_179] : memref<32x192xf32, #tpu.memory_space<vmem>> -> memref<32x64xf32, #tpu.memory_space<vmem>>
    %dma_wait3A_181 = arith.constant 0 : i32
    %dma_wait3A_182 = tpu.memref_slice %arg5[%add3A_130, %dma_wait3A_181] : memref<320000x128xf32, #tpu.memory_space<hbm>> -> memref<32x64xf32, #tpu.memory_space<hbm>>
    %dma_wait3A_183 = arith.constant 0 : i32
    %dma_wait3A_184 = arith.constant 128 : i32
    %dma_wait3A_185 = tpu.memref_slice %arg14[%dma_wait3A_183, %dma_wait3A_184] : memref<32x192xf32, #tpu.memory_space<vmem>> -> memref<32x64xf32, #tpu.memory_space<vmem>>
    %dma_wait3A_186 = arith.constant 0 : i32
    %dma_wait3A_187 = tpu.memref_slice %arg5[%add3A_130, %dma_wait3A_186] : memref<320000x128xf32, #tpu.memory_space<hbm>> -> memref<32x64xf32, #tpu.memory_space<hbm>>
    tpu.wait_dma2 semaphore(%arg24 : memref<!tpu.dma_semaphore, #tpu.memory_space<semaphore_mem>>) src(%dma_wait3A_187 : memref<32x64xf32, #tpu.memory_space<hbm>>) dst(%dma_wait3A_185 : memref<32x64xf32, #tpu.memory_space<vmem>>)
    "tpu.region"() ({
      %run_scoped3A = tpu.sem_alloc : memref<!tpu.dma_semaphore, #tpu.memory_space<semaphore_mem>>
      %dma_start3A_199 = arith.constant 0 : i32
      %dma_start3A_200 = arith.constant 0 : i32
      %dma_start3A_201 = tpu.memref_slice %arg17[%dma_start3A_199, %dma_start3A_200] : memref<5016x192xf32, #tpu.memory_space<vmem_shared>> -> memref<5016x192xf32, #tpu.memory_space<vmem_shared>>
      tpu.enqueue_indirect_dma source(%arg14 : memref<32x192xf32, #tpu.memory_space<vmem>>) target(%dma_start3A_201 : memref<5016x192xf32, #tpu.memory_space<vmem_shared>>) offsets(%arg10 : memref<32xi32, #tpu.memory_space<vmem>>) semaphore(%run_scoped3A : memref<!tpu.dma_semaphore, #tpu.memory_space<semaphore_mem>>) {add = true}
      %dma_wait3A_202 = arith.constant 0 : i32
      %dma_wait3A_203 = arith.constant 0 : i32
      %dma_wait3A_204 = tpu.memref_slice %arg17[%dma_wait3A_202, %dma_wait3A_203] : memref<5016x192xf32, #tpu.memory_space<vmem_shared>> -> memref<5016x192xf32, #tpu.memory_space<vmem_shared>>
      tpu.wait_indirect_dma semaphore(%run_scoped3A : memref<!tpu.dma_semaphore, #tpu.memory_space<semaphore_mem>>) src(%arg14 : memref<32x192xf32, #tpu.memory_space<vmem>>) dst(%dma_wait3A_204 : memref<5016x192xf32, #tpu.memory_space<vmem_shared>>)
      tpu.yield
    }) : () -> ()
    %barrier3A_188 = arith.constant 0 : index
    tpu.barrier barrier_id(%barrier3A_188)
    %add3A_189 = arith.addi %mul3A_0, %mul3A_16 : i32
    "tpu.region"() ({
      %run_scoped3A = tpu.sem_alloc : memref<!tpu.dma_semaphore, #tpu.memory_space<semaphore_mem>>
      %dma_start3A_199 = arith.constant 0 : i32
      %dma_start3A_200 = tpu.memref_slice %arg6[%add3A_189, %dma_start3A_199] : memref<10000x128xf32, #tpu.memory_space<hbm>> -> memref<312x128xf32, #tpu.memory_space<hbm>>
      %dma_start3A_201 = arith.constant 0 : i32
      %dma_start3A_202 = tpu.memref_slice %arg16[%mul3A_16, %dma_start3A_201] : memref<5016x128xf32, #tpu.memory_space<vmem_shared>> -> memref<312x128xf32, #tpu.memory_space<vmem_shared>>
      tpu.enqueue_dma source(%dma_start3A_202 : memref<312x128xf32, #tpu.memory_space<vmem_shared>>) target(%dma_start3A_200 : memref<312x128xf32, #tpu.memory_space<hbm>>) target_semaphore(%run_scoped3A : memref<!tpu.dma_semaphore, #tpu.memory_space<semaphore_mem>>)
      %dma_wait3A_203 = arith.constant 0 : i32
      %dma_wait3A_204 = tpu.memref_slice %arg6[%add3A_189, %dma_wait3A_203] : memref<10000x128xf32, #tpu.memory_space<hbm>> -> memref<312x128xf32, #tpu.memory_space<hbm>>
      %dma_wait3A_205 = arith.constant 0 : i32
      %dma_wait3A_206 = tpu.memref_slice %arg16[%mul3A_16, %dma_wait3A_205] : memref<5016x128xf32, #tpu.memory_space<vmem_shared>> -> memref<312x128xf32, #tpu.memory_space<vmem_shared>>
      tpu.wait_dma2 semaphore(%run_scoped3A : memref<!tpu.dma_semaphore, #tpu.memory_space<semaphore_mem>>) src(%dma_wait3A_206 : memref<312x128xf32, #tpu.memory_space<vmem_shared>>) dst(%dma_wait3A_204 : memref<312x128xf32, #tpu.memory_space<hbm>>)
      tpu.yield
    }) : () -> ()
    %add3A_190 = arith.addi %mul3A_0, %mul3A_16 : i32
    "tpu.region"() ({
      %run_scoped3A = tpu.sem_alloc : memref<!tpu.dma_semaphore, #tpu.memory_space<semaphore_mem>>
      %dma_start3A_199 = arith.constant 0 : i32
      %dma_start3A_200 = tpu.memref_slice %arg7[%add3A_190, %dma_start3A_199] : memref<10000x192xf32, #tpu.memory_space<hbm>> -> memref<312x192xf32, #tpu.memory_space<hbm>>
      %dma_start3A_201 = arith.constant 0 : i32
      %dma_start3A_202 = tpu.memref_slice %arg17[%mul3A_16, %dma_start3A_201] : memref<5016x192xf32, #tpu.memory_space<vmem_shared>> -> memref<312x192xf32, #tpu.memory_space<vmem_shared>>
      tpu.enqueue_dma source(%dma_start3A_202 : memref<312x192xf32, #tpu.memory_space<vmem_shared>>) target(%dma_start3A_200 : memref<312x192xf32, #tpu.memory_space<hbm>>) target_semaphore(%run_scoped3A : memref<!tpu.dma_semaphore, #tpu.memory_space<semaphore_mem>>)
      %dma_wait3A_203 = arith.constant 0 : i32
      %dma_wait3A_204 = tpu.memref_slice %arg7[%add3A_190, %dma_wait3A_203] : memref<10000x192xf32, #tpu.memory_space<hbm>> -> memref<312x192xf32, #tpu.memory_space<hbm>>
      %dma_wait3A_205 = arith.constant 0 : i32
      %dma_wait3A_206 = tpu.memref_slice %arg17[%mul3A_16, %dma_wait3A_205] : memref<5016x192xf32, #tpu.memory_space<vmem_shared>> -> memref<312x192xf32, #tpu.memory_space<vmem_shared>>
      tpu.wait_dma2 semaphore(%run_scoped3A : memref<!tpu.dma_semaphore, #tpu.memory_space<semaphore_mem>>) src(%dma_wait3A_206 : memref<312x192xf32, #tpu.memory_space<vmem_shared>>) dst(%dma_wait3A_204 : memref<312x192xf32, #tpu.memory_space<hbm>>)
      tpu.yield
    }) : () -> ()
    %eq3A_191 = arith.constant 0 : i32
    %eq3A_192 = arith.cmpi eq, %arg1, %eq3A_191 : i32
    %eq3A_193 = arith.constant 0 : i32
    %eq3A_194 = arith.cmpi eq, %arg0, %eq3A_193 : i32
    %and3A_195 = arith.andi %eq3A_192, %eq3A_194 : i1
    %convert_element_type3A_196 = arith.extui %and3A_195 : i1 to i32
    %cond3A_197 = arith.constant 0 : i32
    %cond3A_198 = arith.cmpi ne, %convert_element_type3A_196, %cond3A_197 : i32
    scf.if %cond3A_198 {
      "tpu.region"() ({
        %run_scoped3A = tpu.sem_alloc : memref<!tpu.dma_semaphore, #tpu.memory_space<semaphore_mem>>
        %dma_start3A_199 = arith.constant 4992 : i32
        %dma_start3A_200 = arith.constant 0 : i32
        %dma_start3A_201 = tpu.memref_slice %arg6[%dma_start3A_199, %dma_start3A_200] : memref<10000x128xf32, #tpu.memory_space<hbm>> -> memref<16x128xf32, #tpu.memory_space<hbm>>
        %dma_start3A_202 = arith.constant 4992 : i32
        %dma_start3A_203 = arith.constant 0 : i32
        %dma_start3A_204 = tpu.memref_slice %arg16[%dma_start3A_202, %dma_start3A_203] : memref<5016x128xf32, #tpu.memory_space<vmem_shared>> -> memref<16x128xf32, #tpu.memory_space<vmem_shared>>
        tpu.enqueue_dma source(%dma_start3A_204 : memref<16x128xf32, #tpu.memory_space<vmem_shared>>) target(%dma_start3A_201 : memref<16x128xf32, #tpu.memory_space<hbm>>) target_semaphore(%run_scoped3A : memref<!tpu.dma_semaphore, #tpu.memory_space<semaphore_mem>>)
        %dma_wait3A_205 = arith.constant 4992 : i32
        %dma_wait3A_206 = arith.constant 0 : i32
        %dma_wait3A_207 = tpu.memref_slice %arg6[%dma_wait3A_205, %dma_wait3A_206] : memref<10000x128xf32, #tpu.memory_space<hbm>> -> memref<16x128xf32, #tpu.memory_space<hbm>>
        %dma_wait3A_208 = arith.constant 4992 : i32
        %dma_wait3A_209 = arith.constant 0 : i32
        %dma_wait3A_210 = tpu.memref_slice %arg16[%dma_wait3A_208, %dma_wait3A_209] : memref<5016x128xf32, #tpu.memory_space<vmem_shared>> -> memref<16x128xf32, #tpu.memory_space<vmem_shared>>
        tpu.wait_dma2 semaphore(%run_scoped3A : memref<!tpu.dma_semaphore, #tpu.memory_space<semaphore_mem>>) src(%dma_wait3A_210 : memref<16x128xf32, #tpu.memory_space<vmem_shared>>) dst(%dma_wait3A_207 : memref<16x128xf32, #tpu.memory_space<hbm>>)
        tpu.yield
      }) : () -> ()
      "tpu.region"() ({
        %run_scoped3A = tpu.sem_alloc : memref<!tpu.dma_semaphore, #tpu.memory_space<semaphore_mem>>
        %dma_start3A_199 = arith.constant 4992 : i32
        %dma_start3A_200 = arith.constant 0 : i32
        %dma_start3A_201 = tpu.memref_slice %arg7[%dma_start3A_199, %dma_start3A_200] : memref<10000x192xf32, #tpu.memory_space<hbm>> -> memref<16x192xf32, #tpu.memory_space<hbm>>
        %dma_start3A_202 = arith.constant 4992 : i32
        %dma_start3A_203 = arith.constant 0 : i32
        %dma_start3A_204 = tpu.memref_slice %arg17[%dma_start3A_202, %dma_start3A_203] : memref<5016x192xf32, #tpu.memory_space<vmem_shared>> -> memref<16x192xf32, #tpu.memory_space<vmem_shared>>
        tpu.enqueue_dma source(%dma_start3A_204 : memref<16x192xf32, #tpu.memory_space<vmem_shared>>) target(%dma_start3A_201 : memref<16x192xf32, #tpu.memory_space<hbm>>) target_semaphore(%run_scoped3A : memref<!tpu.dma_semaphore, #tpu.memory_space<semaphore_mem>>)
        %dma_wait3A_205 = arith.constant 4992 : i32
        %dma_wait3A_206 = arith.constant 0 : i32
        %dma_wait3A_207 = tpu.memref_slice %arg7[%dma_wait3A_205, %dma_wait3A_206] : memref<10000x192xf32, #tpu.memory_space<hbm>> -> memref<16x192xf32, #tpu.memory_space<hbm>>
        %dma_wait3A_208 = arith.constant 4992 : i32
        %dma_wait3A_209 = arith.constant 0 : i32
        %dma_wait3A_210 = tpu.memref_slice %arg17[%dma_wait3A_208, %dma_wait3A_209] : memref<5016x192xf32, #tpu.memory_space<vmem_shared>> -> memref<16x192xf32, #tpu.memory_space<vmem_shared>>
        tpu.wait_dma2 semaphore(%run_scoped3A : memref<!tpu.dma_semaphore, #tpu.memory_space<semaphore_mem>>) src(%dma_wait3A_210 : memref<16x192xf32, #tpu.memory_space<vmem_shared>>) dst(%dma_wait3A_207 : memref<16x192xf32, #tpu.memory_space<hbm>>)
        tpu.yield
      }) : () -> ()
    } else {
    }
    return
  }
}

#map = affine_map<(d0, d1) -> (0)>
#map1 = affine_map<(d0, d1) -> (0, 0)>
module attributes {stable_mosaic.version = 14 : i64} {
  func.func @_gather_body(%arg0: i32, %arg1: i32, %arg2: memref<320000xi32, #tpu.memory_space<hbm>>, %arg3: memref<10000x128xf32, #tpu.memory_space<hbm>>, %arg4: memref<320000x128xf32, #tpu.memory_space<hbm>>, %arg5: memref<128xi32, #tpu.memory_space<vmem>>, %arg6: memref<128xi32, #tpu.memory_space<vmem>>, %arg7: memref<16xi32, #tpu.memory_space<vmem>>, %arg8: memref<128x128xf32, #tpu.memory_space<vmem>>, %arg9: memref<128x128xf32, #tpu.memory_space<vmem>>, %arg10: memref<16x128xf32, #tpu.memory_space<vmem>>, %arg11: memref<!tpu.dma_semaphore, #tpu.memory_space<semaphore_mem>>, %arg12: memref<!tpu.dma_semaphore, #tpu.memory_space<semaphore_mem>>, %arg13: memref<!tpu.dma_semaphore, #tpu.memory_space<semaphore_mem>>, %arg14: memref<!tpu.dma_semaphore, #tpu.memory_space<semaphore_mem>>) attributes {dimension_semantics = [#tpu.dimension_semantics<core_parallel>, #tpu.dimension_semantics<subcore_parallel>], iteration_bounds = array<i64: 2, 16>, scalar_prefetch = 0 : i64, scratch_operands = 10 : i64, tpu.core_type = #tpu.core_type<sc_vector_subcore>, window_params = [{transform_indices = #map}, {transform_indices = #map1}, {transform_indices = #map1}]} {
    %mul3A = arith.constant 2 : i32
    %mul3A_0 = arith.muli %arg1, %mul3A : i32
    %add3A = arith.addi %mul3A_0, %arg0 : i32
    %mul3A_1 = arith.constant 10000 : i32
    %mul3A_2 = arith.muli %add3A, %mul3A_1 : i32
    %add3A_3 = arith.constant 0 : i32
    %add3A_4 = arith.addi %mul3A_2, %add3A_3 : i32
    "tpu.region"() ({
      %run_scoped3A = tpu.sem_alloc : memref<!tpu.dma_semaphore, #tpu.memory_space<semaphore_mem>>
      %dma_start3A_40 = tpu.memref_slice %arg2[%add3A_4] : memref<320000xi32, #tpu.memory_space<hbm>> -> memref<128xi32, #tpu.memory_space<hbm>>
      %dma_start3A_41 = tpu.memref_slice %arg2[%add3A_4] : memref<320000xi32, #tpu.memory_space<hbm>> -> memref<128xi32, #tpu.memory_space<hbm>>
      tpu.enqueue_dma source(%dma_start3A_41 : memref<128xi32, #tpu.memory_space<hbm>>) target(%arg5 : memref<128xi32, #tpu.memory_space<vmem>>) target_semaphore(%run_scoped3A : memref<!tpu.dma_semaphore, #tpu.memory_space<semaphore_mem>>)
      %dma_wait3A_42 = tpu.memref_slice %arg2[%add3A_4] : memref<320000xi32, #tpu.memory_space<hbm>> -> memref<128xi32, #tpu.memory_space<hbm>>
      %dma_wait3A_43 = tpu.memref_slice %arg2[%add3A_4] : memref<320000xi32, #tpu.memory_space<hbm>> -> memref<128xi32, #tpu.memory_space<hbm>>
      tpu.wait_dma2 semaphore(%run_scoped3A : memref<!tpu.dma_semaphore, #tpu.memory_space<semaphore_mem>>) src(%dma_wait3A_43 : memref<128xi32, #tpu.memory_space<hbm>>) dst(%arg5 : memref<128xi32, #tpu.memory_space<vmem>>)
      tpu.yield
    }) : () -> ()
    "tpu.region"() ({
      %run_scoped3A = tpu.sem_alloc : memref<!tpu.dma_semaphore, #tpu.memory_space<semaphore_mem>>
      %dma_start3A_40 = arith.constant 0 : i32
      %dma_start3A_41 = arith.constant 0 : i32
      %dma_start3A_42 = tpu.memref_slice %arg3[%dma_start3A_40, %dma_start3A_41] : memref<10000x128xf32, #tpu.memory_space<hbm>> -> memref<10000x128xf32, #tpu.memory_space<hbm>>
      tpu.enqueue_indirect_dma source(%dma_start3A_42 : memref<10000x128xf32, #tpu.memory_space<hbm>>) target(%arg8 : memref<128x128xf32, #tpu.memory_space<vmem>>) offsets(%arg5 : memref<128xi32, #tpu.memory_space<vmem>>) semaphore(%run_scoped3A : memref<!tpu.dma_semaphore, #tpu.memory_space<semaphore_mem>>)
      %dma_wait3A_43 = arith.constant 0 : i32
      %dma_wait3A_44 = arith.constant 0 : i32
      %dma_wait3A_45 = tpu.memref_slice %arg3[%dma_wait3A_43, %dma_wait3A_44] : memref<10000x128xf32, #tpu.memory_space<hbm>> -> memref<10000x128xf32, #tpu.memory_space<hbm>>
      tpu.wait_indirect_dma semaphore(%run_scoped3A : memref<!tpu.dma_semaphore, #tpu.memory_space<semaphore_mem>>) src(%dma_wait3A_45 : memref<10000x128xf32, #tpu.memory_space<hbm>>) dst(%arg8 : memref<128x128xf32, #tpu.memory_space<vmem>>)
      tpu.yield
    }) : () -> ()
    %dma_start3A = arith.constant 0 : i32
    %dma_start3A_5 = tpu.memref_slice %arg4[%add3A_4, %dma_start3A] : memref<320000x128xf32, #tpu.memory_space<hbm>> -> memref<128x128xf32, #tpu.memory_space<hbm>>
    %dma_start3A_6 = arith.constant 0 : i32
    %dma_start3A_7 = tpu.memref_slice %arg4[%add3A_4, %dma_start3A_6] : memref<320000x128xf32, #tpu.memory_space<hbm>> -> memref<128x128xf32, #tpu.memory_space<hbm>>
    tpu.enqueue_dma source(%arg8 : memref<128x128xf32, #tpu.memory_space<vmem>>) target(%dma_start3A_7 : memref<128x128xf32, #tpu.memory_space<hbm>>) target_semaphore(%arg13 : memref<!tpu.dma_semaphore, #tpu.memory_space<semaphore_mem>>)
    %add3A_8 = arith.constant 256 : i32
    %add3A_9 = arith.addi %add3A_4, %add3A_8 : i32
    %dma_start3A_10 = tpu.memref_slice %arg2[%add3A_9] : memref<320000xi32, #tpu.memory_space<hbm>> -> memref<128xi32, #tpu.memory_space<hbm>>
    %dma_start3A_11 = tpu.memref_slice %arg2[%add3A_9] : memref<320000xi32, #tpu.memory_space<hbm>> -> memref<128xi32, #tpu.memory_space<hbm>>
    tpu.enqueue_dma source(%dma_start3A_11 : memref<128xi32, #tpu.memory_space<hbm>>) target(%arg5 : memref<128xi32, #tpu.memory_space<vmem>>) target_semaphore(%arg11 : memref<!tpu.dma_semaphore, #tpu.memory_space<semaphore_mem>>)
    %add3A_12 = arith.constant 128 : i32
    %add3A_13 = arith.addi %mul3A_2, %add3A_12 : i32
    "tpu.region"() ({
      %run_scoped3A = tpu.sem_alloc : memref<!tpu.dma_semaphore, #tpu.memory_space<semaphore_mem>>
      %dma_start3A_40 = tpu.memref_slice %arg2[%add3A_13] : memref<320000xi32, #tpu.memory_space<hbm>> -> memref<128xi32, #tpu.memory_space<hbm>>
      %dma_start3A_41 = tpu.memref_slice %arg2[%add3A_13] : memref<320000xi32, #tpu.memory_space<hbm>> -> memref<128xi32, #tpu.memory_space<hbm>>
      tpu.enqueue_dma source(%dma_start3A_41 : memref<128xi32, #tpu.memory_space<hbm>>) target(%arg6 : memref<128xi32, #tpu.memory_space<vmem>>) target_semaphore(%run_scoped3A : memref<!tpu.dma_semaphore, #tpu.memory_space<semaphore_mem>>)
      %dma_wait3A_42 = tpu.memref_slice %arg2[%add3A_13] : memref<320000xi32, #tpu.memory_space<hbm>> -> memref<128xi32, #tpu.memory_space<hbm>>
      %dma_wait3A_43 = tpu.memref_slice %arg2[%add3A_13] : memref<320000xi32, #tpu.memory_space<hbm>> -> memref<128xi32, #tpu.memory_space<hbm>>
      tpu.wait_dma2 semaphore(%run_scoped3A : memref<!tpu.dma_semaphore, #tpu.memory_space<semaphore_mem>>) src(%dma_wait3A_43 : memref<128xi32, #tpu.memory_space<hbm>>) dst(%arg6 : memref<128xi32, #tpu.memory_space<vmem>>)
      tpu.yield
    }) : () -> ()
    "tpu.region"() ({
      %run_scoped3A = tpu.sem_alloc : memref<!tpu.dma_semaphore, #tpu.memory_space<semaphore_mem>>
      %dma_start3A_40 = arith.constant 0 : i32
      %dma_start3A_41 = arith.constant 0 : i32
      %dma_start3A_42 = tpu.memref_slice %arg3[%dma_start3A_40, %dma_start3A_41] : memref<10000x128xf32, #tpu.memory_space<hbm>> -> memref<10000x128xf32, #tpu.memory_space<hbm>>
      tpu.enqueue_indirect_dma source(%dma_start3A_42 : memref<10000x128xf32, #tpu.memory_space<hbm>>) target(%arg9 : memref<128x128xf32, #tpu.memory_space<vmem>>) offsets(%arg6 : memref<128xi32, #tpu.memory_space<vmem>>) semaphore(%run_scoped3A : memref<!tpu.dma_semaphore, #tpu.memory_space<semaphore_mem>>)
      %dma_wait3A_43 = arith.constant 0 : i32
      %dma_wait3A_44 = arith.constant 0 : i32
      %dma_wait3A_45 = tpu.memref_slice %arg3[%dma_wait3A_43, %dma_wait3A_44] : memref<10000x128xf32, #tpu.memory_space<hbm>> -> memref<10000x128xf32, #tpu.memory_space<hbm>>
      tpu.wait_indirect_dma semaphore(%run_scoped3A : memref<!tpu.dma_semaphore, #tpu.memory_space<semaphore_mem>>) src(%dma_wait3A_45 : memref<10000x128xf32, #tpu.memory_space<hbm>>) dst(%arg9 : memref<128x128xf32, #tpu.memory_space<vmem>>)
      tpu.yield
    }) : () -> ()
    %dma_start3A_14 = arith.constant 0 : i32
    %dma_start3A_15 = tpu.memref_slice %arg4[%add3A_13, %dma_start3A_14] : memref<320000x128xf32, #tpu.memory_space<hbm>> -> memref<128x128xf32, #tpu.memory_space<hbm>>
    %dma_start3A_16 = arith.constant 0 : i32
    %dma_start3A_17 = tpu.memref_slice %arg4[%add3A_13, %dma_start3A_16] : memref<320000x128xf32, #tpu.memory_space<hbm>> -> memref<128x128xf32, #tpu.memory_space<hbm>>
    tpu.enqueue_dma source(%arg9 : memref<128x128xf32, #tpu.memory_space<vmem>>) target(%dma_start3A_17 : memref<128x128xf32, #tpu.memory_space<hbm>>) target_semaphore(%arg14 : memref<!tpu.dma_semaphore, #tpu.memory_space<semaphore_mem>>)
    %add3A_18 = arith.constant 256 : i32
    %add3A_19 = arith.addi %add3A_13, %add3A_18 : i32
    %dma_start3A_20 = tpu.memref_slice %arg2[%add3A_19] : memref<320000xi32, #tpu.memory_space<hbm>> -> memref<128xi32, #tpu.memory_space<hbm>>
    %dma_start3A_21 = tpu.memref_slice %arg2[%add3A_19] : memref<320000xi32, #tpu.memory_space<hbm>> -> memref<128xi32, #tpu.memory_space<hbm>>
    tpu.enqueue_dma source(%dma_start3A_21 : memref<128xi32, #tpu.memory_space<hbm>>) target(%arg6 : memref<128xi32, #tpu.memory_space<vmem>>) target_semaphore(%arg12 : memref<!tpu.dma_semaphore, #tpu.memory_space<semaphore_mem>>)
    %scan3A = arith.constant 0 : i32
    %scan3A_22 = arith.constant 0 : i32
    %scan3A_23 = arith.constant 38 : i32
    %scan3A_24 = arith.addi %scan3A_22, %scan3A_23 : i32
    %scan3A_25 = arith.constant 1 : i32
    scf.for %scan3A_40 = %scan3A_22 to %scan3A_24 step %scan3A_25  : i32 {
      %mul3A_41 = arith.constant 2 : i32
      %mul3A_42 = arith.muli %mul3A_41, %scan3A_40 : i32
      %add3A_43 = arith.constant 2 : i32
      %add3A_44 = arith.addi %mul3A_42, %add3A_43 : i32
      %mul3A_45 = arith.constant 128 : i32
      %mul3A_46 = arith.muli %add3A_44, %mul3A_45 : i32
      %add3A_47 = arith.addi %mul3A_2, %mul3A_46 : i32
      %dma_wait3A_48 = tpu.memref_slice %arg2[%add3A_47] : memref<320000xi32, #tpu.memory_space<hbm>> -> memref<128xi32, #tpu.memory_space<hbm>>
      %dma_wait3A_49 = tpu.memref_slice %arg2[%add3A_47] : memref<320000xi32, #tpu.memory_space<hbm>> -> memref<128xi32, #tpu.memory_space<hbm>>
      tpu.wait_dma2 semaphore(%arg11 : memref<!tpu.dma_semaphore, #tpu.memory_space<semaphore_mem>>) src(%dma_wait3A_49 : memref<128xi32, #tpu.memory_space<hbm>>) dst(%arg5 : memref<128xi32, #tpu.memory_space<vmem>>)
      %dma_wait3A_50 = arith.constant 0 : i32
      %dma_wait3A_51 = tpu.memref_slice %arg4[%add3A_47, %dma_wait3A_50] : memref<320000x128xf32, #tpu.memory_space<hbm>> -> memref<128x128xf32, #tpu.memory_space<hbm>>
      %dma_wait3A_52 = arith.constant 0 : i32
      %dma_wait3A_53 = tpu.memref_slice %arg4[%add3A_47, %dma_wait3A_52] : memref<320000x128xf32, #tpu.memory_space<hbm>> -> memref<128x128xf32, #tpu.memory_space<hbm>>
      tpu.wait_dma2 semaphore(%arg13 : memref<!tpu.dma_semaphore, #tpu.memory_space<semaphore_mem>>) src(%arg8 : memref<128x128xf32, #tpu.memory_space<vmem>>) dst(%dma_wait3A_53 : memref<128x128xf32, #tpu.memory_space<hbm>>)
      "tpu.region"() ({
        %run_scoped3A = tpu.sem_alloc : memref<!tpu.dma_semaphore, #tpu.memory_space<semaphore_mem>>
        %dma_start3A_84 = arith.constant 0 : i32
        %dma_start3A_85 = arith.constant 0 : i32
        %dma_start3A_86 = tpu.memref_slice %arg3[%dma_start3A_84, %dma_start3A_85] : memref<10000x128xf32, #tpu.memory_space<hbm>> -> memref<10000x128xf32, #tpu.memory_space<hbm>>
        tpu.enqueue_indirect_dma source(%dma_start3A_86 : memref<10000x128xf32, #tpu.memory_space<hbm>>) target(%arg8 : memref<128x128xf32, #tpu.memory_space<vmem>>) offsets(%arg5 : memref<128xi32, #tpu.memory_space<vmem>>) semaphore(%run_scoped3A : memref<!tpu.dma_semaphore, #tpu.memory_space<semaphore_mem>>)
        %dma_wait3A_87 = arith.constant 0 : i32
        %dma_wait3A_88 = arith.constant 0 : i32
        %dma_wait3A_89 = tpu.memref_slice %arg3[%dma_wait3A_87, %dma_wait3A_88] : memref<10000x128xf32, #tpu.memory_space<hbm>> -> memref<10000x128xf32, #tpu.memory_space<hbm>>
        tpu.wait_indirect_dma semaphore(%run_scoped3A : memref<!tpu.dma_semaphore, #tpu.memory_space<semaphore_mem>>) src(%dma_wait3A_89 : memref<10000x128xf32, #tpu.memory_space<hbm>>) dst(%arg8 : memref<128x128xf32, #tpu.memory_space<vmem>>)
        tpu.yield
      }) : () -> ()
      %dma_start3A_54 = arith.constant 0 : i32
      %dma_start3A_55 = tpu.memref_slice %arg4[%add3A_47, %dma_start3A_54] : memref<320000x128xf32, #tpu.memory_space<hbm>> -> memref<128x128xf32, #tpu.memory_space<hbm>>
      %dma_start3A_56 = arith.constant 0 : i32
      %dma_start3A_57 = tpu.memref_slice %arg4[%add3A_47, %dma_start3A_56] : memref<320000x128xf32, #tpu.memory_space<hbm>> -> memref<128x128xf32, #tpu.memory_space<hbm>>
      tpu.enqueue_dma source(%arg8 : memref<128x128xf32, #tpu.memory_space<vmem>>) target(%dma_start3A_57 : memref<128x128xf32, #tpu.memory_space<hbm>>) target_semaphore(%arg13 : memref<!tpu.dma_semaphore, #tpu.memory_space<semaphore_mem>>)
      %add3A_58 = arith.constant 2 : i32
      %add3A_59 = arith.addi %add3A_44, %add3A_58 : i32
      %lt3A = arith.constant 78 : i32
      %lt3A_60 = arith.cmpi slt, %add3A_59, %lt3A : i32
      %convert_element_type3A = arith.extui %lt3A_60 : i1 to i32
      %cond3A = arith.constant 0 : i32
      %cond3A_61 = arith.cmpi ne, %convert_element_type3A, %cond3A : i32
      scf.if %cond3A_61 {
        %add3A_84 = arith.constant 256 : i32
        %add3A_85 = arith.addi %add3A_47, %add3A_84 : i32
        %dma_start3A_86 = tpu.memref_slice %arg2[%add3A_85] : memref<320000xi32, #tpu.memory_space<hbm>> -> memref<128xi32, #tpu.memory_space<hbm>>
        %dma_start3A_87 = tpu.memref_slice %arg2[%add3A_85] : memref<320000xi32, #tpu.memory_space<hbm>> -> memref<128xi32, #tpu.memory_space<hbm>>
        tpu.enqueue_dma source(%dma_start3A_87 : memref<128xi32, #tpu.memory_space<hbm>>) target(%arg5 : memref<128xi32, #tpu.memory_space<vmem>>) target_semaphore(%arg11 : memref<!tpu.dma_semaphore, #tpu.memory_space<semaphore_mem>>)
      } else {
      }
      %add3A_62 = arith.constant 1 : i32
      %add3A_63 = arith.addi %add3A_44, %add3A_62 : i32
      %mul3A_64 = arith.constant 128 : i32
      %mul3A_65 = arith.muli %add3A_63, %mul3A_64 : i32
      %add3A_66 = arith.addi %mul3A_2, %mul3A_65 : i32
      %dma_wait3A_67 = tpu.memref_slice %arg2[%add3A_66] : memref<320000xi32, #tpu.memory_space<hbm>> -> memref<128xi32, #tpu.memory_space<hbm>>
      %dma_wait3A_68 = tpu.memref_slice %arg2[%add3A_66] : memref<320000xi32, #tpu.memory_space<hbm>> -> memref<128xi32, #tpu.memory_space<hbm>>
      tpu.wait_dma2 semaphore(%arg12 : memref<!tpu.dma_semaphore, #tpu.memory_space<semaphore_mem>>) src(%dma_wait3A_68 : memref<128xi32, #tpu.memory_space<hbm>>) dst(%arg6 : memref<128xi32, #tpu.memory_space<vmem>>)
      %dma_wait3A_69 = arith.constant 0 : i32
      %dma_wait3A_70 = tpu.memref_slice %arg4[%add3A_66, %dma_wait3A_69] : memref<320000x128xf32, #tpu.memory_space<hbm>> -> memref<128x128xf32, #tpu.memory_space<hbm>>
      %dma_wait3A_71 = arith.constant 0 : i32
      %dma_wait3A_72 = tpu.memref_slice %arg4[%add3A_66, %dma_wait3A_71] : memref<320000x128xf32, #tpu.memory_space<hbm>> -> memref<128x128xf32, #tpu.memory_space<hbm>>
      tpu.wait_dma2 semaphore(%arg14 : memref<!tpu.dma_semaphore, #tpu.memory_space<semaphore_mem>>) src(%arg9 : memref<128x128xf32, #tpu.memory_space<vmem>>) dst(%dma_wait3A_72 : memref<128x128xf32, #tpu.memory_space<hbm>>)
      "tpu.region"() ({
        %run_scoped3A = tpu.sem_alloc : memref<!tpu.dma_semaphore, #tpu.memory_space<semaphore_mem>>
        %dma_start3A_84 = arith.constant 0 : i32
        %dma_start3A_85 = arith.constant 0 : i32
        %dma_start3A_86 = tpu.memref_slice %arg3[%dma_start3A_84, %dma_start3A_85] : memref<10000x128xf32, #tpu.memory_space<hbm>> -> memref<10000x128xf32, #tpu.memory_space<hbm>>
        tpu.enqueue_indirect_dma source(%dma_start3A_86 : memref<10000x128xf32, #tpu.memory_space<hbm>>) target(%arg9 : memref<128x128xf32, #tpu.memory_space<vmem>>) offsets(%arg6 : memref<128xi32, #tpu.memory_space<vmem>>) semaphore(%run_scoped3A : memref<!tpu.dma_semaphore, #tpu.memory_space<semaphore_mem>>)
        %dma_wait3A_87 = arith.constant 0 : i32
        %dma_wait3A_88 = arith.constant 0 : i32
        %dma_wait3A_89 = tpu.memref_slice %arg3[%dma_wait3A_87, %dma_wait3A_88] : memref<10000x128xf32, #tpu.memory_space<hbm>> -> memref<10000x128xf32, #tpu.memory_space<hbm>>
        tpu.wait_indirect_dma semaphore(%run_scoped3A : memref<!tpu.dma_semaphore, #tpu.memory_space<semaphore_mem>>) src(%dma_wait3A_89 : memref<10000x128xf32, #tpu.memory_space<hbm>>) dst(%arg9 : memref<128x128xf32, #tpu.memory_space<vmem>>)
        tpu.yield
      }) : () -> ()
      %dma_start3A_73 = arith.constant 0 : i32
      %dma_start3A_74 = tpu.memref_slice %arg4[%add3A_66, %dma_start3A_73] : memref<320000x128xf32, #tpu.memory_space<hbm>> -> memref<128x128xf32, #tpu.memory_space<hbm>>
      %dma_start3A_75 = arith.constant 0 : i32
      %dma_start3A_76 = tpu.memref_slice %arg4[%add3A_66, %dma_start3A_75] : memref<320000x128xf32, #tpu.memory_space<hbm>> -> memref<128x128xf32, #tpu.memory_space<hbm>>
      tpu.enqueue_dma source(%arg9 : memref<128x128xf32, #tpu.memory_space<vmem>>) target(%dma_start3A_76 : memref<128x128xf32, #tpu.memory_space<hbm>>) target_semaphore(%arg14 : memref<!tpu.dma_semaphore, #tpu.memory_space<semaphore_mem>>)
      %add3A_77 = arith.constant 2 : i32
      %add3A_78 = arith.addi %add3A_63, %add3A_77 : i32
      %lt3A_79 = arith.constant 78 : i32
      %lt3A_80 = arith.cmpi slt, %add3A_78, %lt3A_79 : i32
      %convert_element_type3A_81 = arith.extui %lt3A_80 : i1 to i32
      %cond3A_82 = arith.constant 0 : i32
      %cond3A_83 = arith.cmpi ne, %convert_element_type3A_81, %cond3A_82 : i32
      scf.if %cond3A_83 {
        %add3A_84 = arith.constant 256 : i32
        %add3A_85 = arith.addi %add3A_66, %add3A_84 : i32
        %dma_start3A_86 = tpu.memref_slice %arg2[%add3A_85] : memref<320000xi32, #tpu.memory_space<hbm>> -> memref<128xi32, #tpu.memory_space<hbm>>
        %dma_start3A_87 = tpu.memref_slice %arg2[%add3A_85] : memref<320000xi32, #tpu.memory_space<hbm>> -> memref<128xi32, #tpu.memory_space<hbm>>
        tpu.enqueue_dma source(%dma_start3A_87 : memref<128xi32, #tpu.memory_space<hbm>>) target(%arg6 : memref<128xi32, #tpu.memory_space<vmem>>) target_semaphore(%arg12 : memref<!tpu.dma_semaphore, #tpu.memory_space<semaphore_mem>>)
      } else {
      }
    }
    %scan3A_26 = arith.constant 38 : i32
    %add3A_27 = arith.constant 9728 : i32
    %add3A_28 = arith.addi %mul3A_2, %add3A_27 : i32
    %dma_wait3A = arith.constant 0 : i32
    %dma_wait3A_29 = tpu.memref_slice %arg4[%add3A_28, %dma_wait3A] : memref<320000x128xf32, #tpu.memory_space<hbm>> -> memref<128x128xf32, #tpu.memory_space<hbm>>
    %dma_wait3A_30 = arith.constant 0 : i32
    %dma_wait3A_31 = tpu.memref_slice %arg4[%add3A_28, %dma_wait3A_30] : memref<320000x128xf32, #tpu.memory_space<hbm>> -> memref<128x128xf32, #tpu.memory_space<hbm>>
    tpu.wait_dma2 semaphore(%arg13 : memref<!tpu.dma_semaphore, #tpu.memory_space<semaphore_mem>>) src(%arg8 : memref<128x128xf32, #tpu.memory_space<vmem>>) dst(%dma_wait3A_31 : memref<128x128xf32, #tpu.memory_space<hbm>>)
    %add3A_32 = arith.constant 9856 : i32
    %add3A_33 = arith.addi %mul3A_2, %add3A_32 : i32
    %dma_wait3A_34 = arith.constant 0 : i32
    %dma_wait3A_35 = tpu.memref_slice %arg4[%add3A_33, %dma_wait3A_34] : memref<320000x128xf32, #tpu.memory_space<hbm>> -> memref<128x128xf32, #tpu.memory_space<hbm>>
    %dma_wait3A_36 = arith.constant 0 : i32
    %dma_wait3A_37 = tpu.memref_slice %arg4[%add3A_33, %dma_wait3A_36] : memref<320000x128xf32, #tpu.memory_space<hbm>> -> memref<128x128xf32, #tpu.memory_space<hbm>>
    tpu.wait_dma2 semaphore(%arg14 : memref<!tpu.dma_semaphore, #tpu.memory_space<semaphore_mem>>) src(%arg9 : memref<128x128xf32, #tpu.memory_space<vmem>>) dst(%dma_wait3A_37 : memref<128x128xf32, #tpu.memory_space<hbm>>)
    %add3A_38 = arith.constant 9984 : i32
    %add3A_39 = arith.addi %mul3A_2, %add3A_38 : i32
    "tpu.region"() ({
      %run_scoped3A = tpu.sem_alloc : memref<!tpu.dma_semaphore, #tpu.memory_space<semaphore_mem>>
      %dma_start3A_40 = tpu.memref_slice %arg2[%add3A_39] : memref<320000xi32, #tpu.memory_space<hbm>> -> memref<16xi32, #tpu.memory_space<hbm>>
      %dma_start3A_41 = tpu.memref_slice %arg2[%add3A_39] : memref<320000xi32, #tpu.memory_space<hbm>> -> memref<16xi32, #tpu.memory_space<hbm>>
      tpu.enqueue_dma source(%dma_start3A_41 : memref<16xi32, #tpu.memory_space<hbm>>) target(%arg7 : memref<16xi32, #tpu.memory_space<vmem>>) target_semaphore(%run_scoped3A : memref<!tpu.dma_semaphore, #tpu.memory_space<semaphore_mem>>)
      %dma_wait3A_42 = tpu.memref_slice %arg2[%add3A_39] : memref<320000xi32, #tpu.memory_space<hbm>> -> memref<16xi32, #tpu.memory_space<hbm>>
      %dma_wait3A_43 = tpu.memref_slice %arg2[%add3A_39] : memref<320000xi32, #tpu.memory_space<hbm>> -> memref<16xi32, #tpu.memory_space<hbm>>
      tpu.wait_dma2 semaphore(%run_scoped3A : memref<!tpu.dma_semaphore, #tpu.memory_space<semaphore_mem>>) src(%dma_wait3A_43 : memref<16xi32, #tpu.memory_space<hbm>>) dst(%arg7 : memref<16xi32, #tpu.memory_space<vmem>>)
      tpu.yield
    }) : () -> ()
    "tpu.region"() ({
      %run_scoped3A = tpu.sem_alloc : memref<!tpu.dma_semaphore, #tpu.memory_space<semaphore_mem>>
      %dma_start3A_40 = arith.constant 0 : i32
      %dma_start3A_41 = arith.constant 0 : i32
      %dma_start3A_42 = tpu.memref_slice %arg3[%dma_start3A_40, %dma_start3A_41] : memref<10000x128xf32, #tpu.memory_space<hbm>> -> memref<10000x128xf32, #tpu.memory_space<hbm>>
      tpu.enqueue_indirect_dma source(%dma_start3A_42 : memref<10000x128xf32, #tpu.memory_space<hbm>>) target(%arg10 : memref<16x128xf32, #tpu.memory_space<vmem>>) offsets(%arg7 : memref<16xi32, #tpu.memory_space<vmem>>) semaphore(%run_scoped3A : memref<!tpu.dma_semaphore, #tpu.memory_space<semaphore_mem>>)
      %dma_wait3A_43 = arith.constant 0 : i32
      %dma_wait3A_44 = arith.constant 0 : i32
      %dma_wait3A_45 = tpu.memref_slice %arg3[%dma_wait3A_43, %dma_wait3A_44] : memref<10000x128xf32, #tpu.memory_space<hbm>> -> memref<10000x128xf32, #tpu.memory_space<hbm>>
      tpu.wait_indirect_dma semaphore(%run_scoped3A : memref<!tpu.dma_semaphore, #tpu.memory_space<semaphore_mem>>) src(%dma_wait3A_45 : memref<10000x128xf32, #tpu.memory_space<hbm>>) dst(%arg10 : memref<16x128xf32, #tpu.memory_space<vmem>>)
      tpu.yield
    }) : () -> ()
    "tpu.region"() ({
      %run_scoped3A = tpu.sem_alloc : memref<!tpu.dma_semaphore, #tpu.memory_space<semaphore_mem>>
      %dma_start3A_40 = arith.constant 0 : i32
      %dma_start3A_41 = tpu.memref_slice %arg4[%add3A_39, %dma_start3A_40] : memref<320000x128xf32, #tpu.memory_space<hbm>> -> memref<16x128xf32, #tpu.memory_space<hbm>>
      %dma_start3A_42 = arith.constant 0 : i32
      %dma_start3A_43 = tpu.memref_slice %arg4[%add3A_39, %dma_start3A_42] : memref<320000x128xf32, #tpu.memory_space<hbm>> -> memref<16x128xf32, #tpu.memory_space<hbm>>
      tpu.enqueue_dma source(%arg10 : memref<16x128xf32, #tpu.memory_space<vmem>>) target(%dma_start3A_43 : memref<16x128xf32, #tpu.memory_space<hbm>>) target_semaphore(%run_scoped3A : memref<!tpu.dma_semaphore, #tpu.memory_space<semaphore_mem>>)
      %dma_wait3A_44 = arith.constant 0 : i32
      %dma_wait3A_45 = tpu.memref_slice %arg4[%add3A_39, %dma_wait3A_44] : memref<320000x128xf32, #tpu.memory_space<hbm>> -> memref<16x128xf32, #tpu.memory_space<hbm>>
      %dma_wait3A_46 = arith.constant 0 : i32
      %dma_wait3A_47 = tpu.memref_slice %arg4[%add3A_39, %dma_wait3A_46] : memref<320000x128xf32, #tpu.memory_space<hbm>> -> memref<16x128xf32, #tpu.memory_space<hbm>>
      tpu.wait_dma2 semaphore(%run_scoped3A : memref<!tpu.dma_semaphore, #tpu.memory_space<semaphore_mem>>) src(%arg10 : memref<16x128xf32, #tpu.memory_space<vmem>>) dst(%dma_wait3A_47 : memref<16x128xf32, #tpu.memory_space<hbm>>)
      tpu.yield
    }) : () -> ()
    return
  }
}

module attributes {stable_mosaic.version = 14 : i64} {
  func.func @_tc_body(%arg0: i32, %arg1: memref<4000x3xf32, #tpu.memory_space<vmem>>, %arg2: memref<4000x128xf32, #tpu.memory_space<vmem>>, %arg3: memref<128x128xf32, #tpu.memory_space<vmem>>, %arg4: memref<1x128xf32, #tpu.memory_space<vmem>>, %arg5: memref<128x128xf32, #tpu.memory_space<vmem>>, %arg6: memref<1x128xf32, #tpu.memory_space<vmem>>, %arg7: memref<128x128xf32, #tpu.memory_space<vmem>>, %arg8: memref<128x64xf32, #tpu.memory_space<vmem>>, %arg9: memref<4000x128xf32, #tpu.memory_space<vmem>>, %arg10: memref<4000x128xf32, #tpu.memory_space<vmem>>, %arg11: memref<4000x128xf32, #tpu.memory_space<vmem>>) attributes {dimension_semantics = [#tpu.dimension_semantics<arbitrary>], iteration_bounds = array<i64: 80>, scalar_prefetch = 0 : i64, scratch_operands = 0 : i64, tpu.core_type = #tpu.core_type<tc>, window_params = [{transform_indices = @transform_0, window_bounds = array<i64: 4000, 3>}, {transform_indices = @transform_1, window_bounds = array<i64: 4000, 128>}, {pipeline_mode = #tpu.pipeline_mode<synchronous>, transform_indices = @transform_2, window_bounds = array<i64: 128, 128>}, {pipeline_mode = #tpu.pipeline_mode<synchronous>, transform_indices = @transform_3, window_bounds = array<i64: 1, 128>}, {pipeline_mode = #tpu.pipeline_mode<synchronous>, transform_indices = @transform_4, window_bounds = array<i64: 128, 128>}, {pipeline_mode = #tpu.pipeline_mode<synchronous>, transform_indices = @transform_5, window_bounds = array<i64: 1, 128>}, {pipeline_mode = #tpu.pipeline_mode<synchronous>, transform_indices = @transform_6, window_bounds = array<i64: 128, 128>}, {pipeline_mode = #tpu.pipeline_mode<synchronous>, transform_indices = @transform_7, window_bounds = array<i64: 128, 64>}, {transform_indices = @transform_8, window_bounds = array<i64: 4000, 128>}, {transform_indices = @transform_9, window_bounds = array<i64: 4000, 128>}, {transform_indices = @transform_10, window_bounds = array<i64: 4000, 128>}]} {
    %get3A = arith.constant 0 : index
    %get3A_0 = arith.constant 0 : index
    %get3A_1 = vector.load %arg1[%get3A, %get3A_0] : memref<4000x3xf32, #tpu.memory_space<vmem>>, vector<4000x3xf32>
    %get3A_2 = arith.constant 0 : index
    %get3A_3 = arith.constant 0 : index
    %get3A_4 = vector.load %arg2[%get3A_2, %get3A_3] : memref<4000x128xf32, #tpu.memory_space<vmem>>, vector<4000x128xf32>
    %slice3A = vector.extract_strided_slice %get3A_1 {offsets = [0, 0], sizes = [4000, 1], strides = [1, 1]} : vector<4000x3xf32> to vector<4000x1xf32>
    %slice3A_5 = vector.extract_strided_slice %get3A_1 {offsets = [0, 1], sizes = [4000, 1], strides = [1, 1]} : vector<4000x3xf32> to vector<4000x1xf32>
    %slice3A_6 = vector.extract_strided_slice %get3A_1 {offsets = [0, 2], sizes = [4000, 1], strides = [1, 1]} : vector<4000x3xf32> to vector<4000x1xf32>
    %mul3A = arith.mulf %slice3A, %slice3A : vector<4000x1xf32>
    %mul3A_7 = arith.mulf %slice3A_5, %slice3A_5 : vector<4000x1xf32>
    %add3A = arith.addf %mul3A, %mul3A_7 : vector<4000x1xf32>
    %mul3A_8 = arith.mulf %slice3A_6, %slice3A_6 : vector<4000x1xf32>
    %add3A_9 = arith.addf %add3A, %mul3A_8 : vector<4000x1xf32>
    %max3A = arith.constant 1.000000e-30 : f32
    %max3A_10 = vector.broadcast %max3A : f32 to vector<4000x1xf32>
    %max3A_11 = arith.maximumf %add3A_9, %max3A_10 : vector<4000x1xf32>
    %mul3A_12 = arith.constant 1.960000e+00 : f32
    %mul3A_13 = vector.broadcast %mul3A_12 : f32 to vector<4000x1xf32>
    %mul3A_14 = arith.mulf %mul3A_13, %add3A_9 : vector<4000x1xf32>
    %add3A_15 = arith.constant 1.000000e+00 : f32
    %add3A_16 = vector.broadcast %add3A_15 : f32 to vector<4000x1xf32>
    %add3A_17 = arith.addf %add3A_16, %mul3A_14 : vector<4000x1xf32>
    %concatenate3A = tpu.concatenate %max3A_11, %add3A_17 in 1 : vector<4000x1xf32>, vector<4000x1xf32> -> vector<4000x2xf32>
    %rsqrt3A = math.rsqrt %concatenate3A : vector<4000x2xf32>
    %slice3A_18 = vector.extract_strided_slice %rsqrt3A {offsets = [0, 0], sizes = [4000, 1], strides = [1, 1]} : vector<4000x2xf32> to vector<4000x1xf32>
    %mul3A_19 = arith.mulf %add3A_9, %slice3A_18 : vector<4000x1xf32>
    %slice3A_20 = vector.extract_strided_slice %rsqrt3A {offsets = [0, 1], sizes = [4000, 1], strides = [1, 1]} : vector<4000x2xf32> to vector<4000x1xf32>
    %mul3A_21 = arith.constant 1.400000e+00 : f32
    %mul3A_22 = vector.broadcast %mul3A_21 : f32 to vector<4000x1xf32>
    %mul3A_23 = arith.mulf %mul3A_22, %slice3A_20 : vector<4000x1xf32>
    %iota3A = tpu.iota {dimensions = array<i32: 1>} : vector<1x128xi32>
    %jit3A = arith.constant 64 : i32
    %eq3A = arith.constant 0 : i32
    %eq3A_24 = arith.cmpi eq, %jit3A, %eq3A : i32
    %jit3A_25 = arith.constant 1 : i32
    %select_n3A = arith.select %eq3A_24, %jit3A_25, %jit3A : i32
    %rem3A = vector.broadcast %select_n3A : i32 to vector<1x128xi32>
    %rem3A_26 = arith.remsi %iota3A, %rem3A : vector<1x128xi32>
    %ne3A = arith.constant 0 : i32
    %ne3A_27 = vector.broadcast %ne3A : i32 to vector<1x128xi32>
    %ne3A_28 = arith.cmpi ne, %rem3A_26, %ne3A_27 : vector<1x128xi32>
    %lt3A = arith.constant 0 : i32
    %lt3A_29 = vector.broadcast %lt3A : i32 to vector<1x128xi32>
    %lt3A_30 = arith.cmpi slt, %rem3A_26, %lt3A_29 : vector<1x128xi32>
    %lt3A_31 = arith.constant 0 : i32
    %lt3A_32 = arith.cmpi slt, %select_n3A, %lt3A_31 : i32
    %ne3A_33 = vector.broadcast %lt3A_32 : i1 to vector<1x128xi1>
    %ne3A_34 = vector.broadcast %ne3A_33 : vector<1x128xi1> to vector<1x128xi1>
    %ne3A_35 = arith.xori %lt3A_30, %ne3A_34 : vector<1x128xi1>
    %and3A = arith.andi %ne3A_35, %ne3A_28 : vector<1x128xi1>
    %add3A_36 = vector.broadcast %select_n3A : i32 to vector<1x128xi32>
    %add3A_37 = arith.addi %rem3A_26, %add3A_36 : vector<1x128xi32>
    %select_n3A_38 = arith.select %and3A, %add3A_37, %rem3A_26 : vector<1x128xi1>, vector<1x128xi32>
    %jit3A_39 = arith.constant 2 : i32
    %div3A = vector.broadcast %jit3A_39 : i32 to vector<1x128xi32>
    %div3A_40 = arith.divsi %select_n3A_38, %div3A : vector<1x128xi32>
    %sign3A = arith.constant 0 : i32
    %sign3A_41 = vector.broadcast %sign3A : i32 to vector<1x128xi32>
    %sign3A_42 = arith.cmpi sgt, %select_n3A_38, %sign3A_41 : vector<1x128xi32>
    %sign3A_43 = arith.extui %sign3A_42 : vector<1x128xi1> to vector<1x128xi32>
    %sign3A_44 = arith.constant 0 : i32
    %sign3A_45 = vector.broadcast %sign3A_44 : i32 to vector<1x128xi32>
    %sign3A_46 = arith.cmpi slt, %select_n3A_38, %sign3A_45 : vector<1x128xi32>
    %sign3A_47 = arith.extui %sign3A_46 : vector<1x128xi1> to vector<1x128xi32>
    %sign3A_48 = arith.subi %sign3A_43, %sign3A_47 : vector<1x128xi32>
    %sign3A_49 = arith.constant 0 : i32
    %sign3A_50 = arith.cmpi sgt, %jit3A_39, %sign3A_49 : i32
    %sign3A_51 = arith.extui %sign3A_50 : i1 to i32
    %sign3A_52 = arith.constant 0 : i32
    %sign3A_53 = arith.cmpi slt, %jit3A_39, %sign3A_52 : i32
    %sign3A_54 = arith.extui %sign3A_53 : i1 to i32
    %sign3A_55 = arith.subi %sign3A_51, %sign3A_54 : i32
    %ne3A_56 = vector.broadcast %sign3A_55 : i32 to vector<1x128xi32>
    %ne3A_57 = arith.cmpi ne, %sign3A_48, %ne3A_56 : vector<1x128xi32>
    %rem3A_58 = vector.broadcast %jit3A_39 : i32 to vector<1x128xi32>
    %rem3A_59 = arith.remsi %select_n3A_38, %rem3A_58 : vector<1x128xi32>
    %ne3A_60 = arith.constant 0 : i32
    %ne3A_61 = vector.broadcast %ne3A_60 : i32 to vector<1x128xi32>
    %ne3A_62 = arith.cmpi ne, %rem3A_59, %ne3A_61 : vector<1x128xi32>
    %and3A_63 = arith.andi %ne3A_57, %ne3A_62 : vector<1x128xi1>
    %sub3A = arith.constant 1 : i32
    %sub3A_64 = vector.broadcast %sub3A : i32 to vector<1x128xi32>
    %sub3A_65 = arith.subi %div3A_40, %sub3A_64 : vector<1x128xi32>
    %select_n3A_66 = arith.select %and3A_63, %sub3A_65, %div3A_40 : vector<1x128xi1>, vector<1x128xi32>
    %add3A_67 = arith.constant 1 : i32
    %add3A_68 = vector.broadcast %add3A_67 : i32 to vector<1x128xi32>
    %add3A_69 = arith.addi %add3A_68, %select_n3A_66 : vector<1x128xi32>
    %convert_element_type3A = arith.sitofp %add3A_69 : vector<1x128xi32> to vector<1x128xf32>
    %mul3A_70 = arith.constant 1.000000e-01 : f32
    %mul3A_71 = vector.broadcast %mul3A_70 : f32 to vector<1x128xf32>
    %mul3A_72 = arith.mulf %convert_element_type3A, %mul3A_71 : vector<1x128xf32>
    %lt3A_73 = arith.constant 64 : i32
    %lt3A_74 = vector.broadcast %lt3A_73 : i32 to vector<1x128xi32>
    %lt3A_75 = arith.cmpi slt, %iota3A, %lt3A_74 : vector<1x128xi32>
    %jit3A_76 = arith.constant 0.000000e+00 : f32
    %jit3A_77 = arith.constant 2.500000e-01 : f32
    %broadcast_in_dim3A = vector.broadcast %jit3A_76 : f32 to vector<1x128xf32>
    %broadcast_in_dim3A_78 = vector.broadcast %jit3A_77 : f32 to vector<1x128xf32>
    %select_n3A_79 = arith.select %lt3A_75, %broadcast_in_dim3A, %broadcast_in_dim3A_78 : vector<1x128xi1>, vector<1x128xf32>
    %mul3A_80 = vector.broadcast %mul3A_19 : vector<4000x1xf32> to vector<4000x128xf32>
    %mul3A_81 = vector.broadcast %mul3A_72 : vector<1x128xf32> to vector<4000x128xf32>
    %mul3A_82 = arith.mulf %mul3A_80, %mul3A_81 : vector<4000x128xf32>
    %sub3A_83 = vector.broadcast %select_n3A_79 : vector<1x128xf32> to vector<4000x128xf32>
    %sub3A_84 = arith.subf %mul3A_82, %sub3A_83 : vector<4000x128xf32>
    %add3A_85 = arith.constant 5.000000e-01 : f32
    %add3A_86 = vector.broadcast %add3A_85 : f32 to vector<4000x128xf32>
    %add3A_87 = arith.addf %sub3A_84, %add3A_86 : vector<4000x128xf32>
    %floor3A = math.floor %add3A_87 : vector<4000x128xf32>
    %sub3A_88 = arith.subf %sub3A_84, %floor3A : vector<4000x128xf32>
    %mul3A_89 = arith.mulf %sub3A_88, %sub3A_88 : vector<4000x128xf32>
    %mul3A_90 = arith.constant -21.2832184 : f32
    %mul3A_91 = vector.broadcast %mul3A_90 : f32 to vector<4000x128xf32>
    %mul3A_92 = arith.mulf %mul3A_91, %mul3A_89 : vector<4000x128xf32>
    %add3A_93 = arith.constant 58.9126587 : f32
    %add3A_94 = vector.broadcast %add3A_93 : f32 to vector<4000x128xf32>
    %add3A_95 = arith.addf %mul3A_92, %add3A_94 : vector<4000x128xf32>
    %mul3A_96 = arith.mulf %add3A_95, %mul3A_89 : vector<4000x128xf32>
    %add3A_97 = arith.constant -85.2959899 : f32
    %add3A_98 = vector.broadcast %add3A_97 : f32 to vector<4000x128xf32>
    %add3A_99 = arith.addf %mul3A_96, %add3A_98 : vector<4000x128xf32>
    %mul3A_100 = arith.mulf %add3A_99, %mul3A_89 : vector<4000x128xf32>
    %add3A_101 = arith.constant 64.9306182 : f32
    %add3A_102 = vector.broadcast %add3A_101 : f32 to vector<4000x128xf32>
    %add3A_103 = arith.addf %mul3A_100, %add3A_102 : vector<4000x128xf32>
    %mul3A_104 = arith.mulf %add3A_103, %mul3A_89 : vector<4000x128xf32>
    %add3A_105 = arith.constant -19.7390347 : f32
    %add3A_106 = vector.broadcast %add3A_105 : f32 to vector<4000x128xf32>
    %add3A_107 = arith.addf %mul3A_104, %add3A_106 : vector<4000x128xf32>
    %mul3A_108 = arith.mulf %add3A_107, %mul3A_89 : vector<4000x128xf32>
    %add3A_109 = arith.constant 0.999999463 : f32
    %add3A_110 = vector.broadcast %add3A_109 : f32 to vector<4000x128xf32>
    %add3A_111 = arith.addf %mul3A_108, %add3A_110 : vector<4000x128xf32>
    %add3A_112 = arith.addf %add3A_111, %get3A_4 : vector<4000x128xf32>
    %get3A_113 = arith.constant 0 : index
    %get3A_114 = arith.constant 0 : index
    %get3A_115 = vector.load %arg3[%get3A_113, %get3A_114] : memref<128x128xf32, #tpu.memory_space<vmem>>, vector<128x128xf32>
    %dot_general3A = arith.constant dense<0.000000e+00> : vector<4000x128xf32>
    %dot_general3A_116 = tpu.matmul %add3A_112, %get3A_115, %dot_general3A {dimension_numbers = #tpu.dot_dimension_numbers<[1], [0], [0], [1], [0, 0, 1, 1], [], []>, transpose_lhs_hint = false} : vector<4000x128xf32>, vector<128x128xf32>, vector<4000x128xf32> -> vector<4000x128xf32>
    %get3A_117 = arith.constant 0 : index
    %get3A_118 = arith.constant 0 : index
    %get3A_119 = vector.load %arg4[%get3A_117, %get3A_118] : memref<1x128xf32, #tpu.memory_space<vmem>>, vector<1x128xf32>
    %add3A_120 = vector.broadcast %get3A_119 : vector<1x128xf32> to vector<4000x128xf32>
    %add3A_121 = arith.addf %dot_general3A_116, %add3A_120 : vector<4000x128xf32>
    %ge3A = arith.constant 0.000000e+00 : f32
    %ge3A_122 = vector.broadcast %ge3A : f32 to vector<4000x128xf32>
    %ge3A_123 = arith.cmpf oge, %add3A_121, %ge3A_122 : vector<4000x128xf32>
    %mul3A_124 = arith.constant 1.000000e-01 : f32
    %mul3A_125 = vector.broadcast %mul3A_124 : f32 to vector<4000x128xf32>
    %mul3A_126 = arith.mulf %mul3A_125, %add3A_121 : vector<4000x128xf32>
    %select_n3A_127 = arith.select %ge3A_123, %add3A_121, %mul3A_126 : vector<4000x128xi1>, vector<4000x128xf32>
    %get3A_128 = arith.constant 0 : index
    %get3A_129 = arith.constant 0 : index
    %get3A_130 = vector.load %arg5[%get3A_128, %get3A_129] : memref<128x128xf32, #tpu.memory_space<vmem>>, vector<128x128xf32>
    %dot_general3A_131 = arith.constant dense<0.000000e+00> : vector<4000x128xf32>
    %dot_general3A_132 = tpu.matmul %select_n3A_127, %get3A_130, %dot_general3A_131 {dimension_numbers = #tpu.dot_dimension_numbers<[1], [0], [0], [1], [0, 0, 1, 1], [], []>, transpose_lhs_hint = false} : vector<4000x128xf32>, vector<128x128xf32>, vector<4000x128xf32> -> vector<4000x128xf32>
    %get3A_133 = arith.constant 0 : index
    %get3A_134 = arith.constant 0 : index
    %get3A_135 = vector.load %arg6[%get3A_133, %get3A_134] : memref<1x128xf32, #tpu.memory_space<vmem>>, vector<1x128xf32>
    %add3A_136 = vector.broadcast %get3A_135 : vector<1x128xf32> to vector<4000x128xf32>
    %add3A_137 = arith.addf %dot_general3A_132, %add3A_136 : vector<4000x128xf32>
    %ge3A_138 = arith.constant 0.000000e+00 : f32
    %ge3A_139 = vector.broadcast %ge3A_138 : f32 to vector<4000x128xf32>
    %ge3A_140 = arith.cmpf oge, %add3A_137, %ge3A_139 : vector<4000x128xf32>
    %mul3A_141 = arith.constant 1.000000e-01 : f32
    %mul3A_142 = vector.broadcast %mul3A_141 : f32 to vector<4000x128xf32>
    %mul3A_143 = arith.mulf %mul3A_142, %add3A_137 : vector<4000x128xf32>
    %select_n3A_144 = arith.select %ge3A_140, %add3A_137, %mul3A_143 : vector<4000x128xi1>, vector<4000x128xf32>
    %get3A_145 = arith.constant 0 : index
    %get3A_146 = arith.constant 0 : index
    %get3A_147 = vector.load %arg7[%get3A_145, %get3A_146] : memref<128x128xf32, #tpu.memory_space<vmem>>, vector<128x128xf32>
    %dot_general3A_148 = arith.constant dense<0.000000e+00> : vector<4000x128xf32>
    %dot_general3A_149 = tpu.matmul %select_n3A_144, %get3A_147, %dot_general3A_148 {dimension_numbers = #tpu.dot_dimension_numbers<[1], [0], [0], [1], [0, 0, 1, 1], [], []>, transpose_lhs_hint = false} : vector<4000x128xf32>, vector<128x128xf32>, vector<4000x128xf32> -> vector<4000x128xf32>
    %get3A_150 = arith.constant 0 : index
    %get3A_151 = arith.constant 0 : index
    %get3A_152 = vector.load %arg8[%get3A_150, %get3A_151] : memref<128x64xf32, #tpu.memory_space<vmem>>, vector<128x64xf32>
    %dot_general3A_153 = arith.constant dense<0.000000e+00> : vector<4000x64xf32>
    %dot_general3A_154 = tpu.matmul %dot_general3A_149, %get3A_152, %dot_general3A_153 {dimension_numbers = #tpu.dot_dimension_numbers<[1], [0], [0], [1], [0, 0, 1, 1], [], []>, transpose_lhs_hint = false} : vector<4000x128xf32>, vector<128x64xf32>, vector<4000x64xf32> -> vector<4000x64xf32>
    %swap3A = arith.constant 0 : index
    %swap3A_155 = arith.constant 0 : index
    %swap3A_156 = vector.load %arg9[%swap3A, %swap3A_155] : memref<4000x128xf32, #tpu.memory_space<vmem>>, vector<4000x128xf32>
    tpu.vector_store %arg9[%swap3A, %swap3A_155], %dot_general3A_149 {strides = array<i32>} : memref<4000x128xf32, #tpu.memory_space<vmem>>, vector<4000x128xf32>,
    %mul3A_157 = arith.mulf %slice3A, %mul3A_23 : vector<4000x1xf32>
    %mul3A_158 = vector.broadcast %mul3A_157 : vector<4000x1xf32> to vector<4000x64xf32>
    %mul3A_159 = arith.mulf %dot_general3A_154, %mul3A_158 : vector<4000x64xf32>
    %mul3A_160 = arith.mulf %slice3A_5, %mul3A_23 : vector<4000x1xf32>
    %mul3A_161 = vector.broadcast %mul3A_160 : vector<4000x1xf32> to vector<4000x64xf32>
    %mul3A_162 = arith.mulf %dot_general3A_154, %mul3A_161 : vector<4000x64xf32>
    %concatenate3A_163 = tpu.concatenate %mul3A_159, %mul3A_162 in 1 : vector<4000x64xf32>, vector<4000x64xf32> -> vector<4000x128xf32>
    %swap3A_164 = arith.constant 0 : index
    %swap3A_165 = arith.constant 0 : index
    %swap3A_166 = vector.load %arg10[%swap3A_164, %swap3A_165] : memref<4000x128xf32, #tpu.memory_space<vmem>>, vector<4000x128xf32>
    tpu.vector_store %arg10[%swap3A_164, %swap3A_165], %concatenate3A_163 {strides = array<i32>} : memref<4000x128xf32, #tpu.memory_space<vmem>>, vector<4000x128xf32>,
    %mul3A_167 = arith.mulf %slice3A_6, %mul3A_23 : vector<4000x1xf32>
    %mul3A_168 = vector.broadcast %mul3A_167 : vector<4000x1xf32> to vector<4000x64xf32>
    %mul3A_169 = arith.mulf %dot_general3A_154, %mul3A_168 : vector<4000x64xf32>
    %broadcast_in_dim3A_170 = arith.constant 0.000000e+00 : f32
    %broadcast_in_dim3A_171 = vector.broadcast %broadcast_in_dim3A_170 : f32 to vector<4000x64xf32>
    %concatenate3A_172 = tpu.concatenate %mul3A_169, %broadcast_in_dim3A_171 in 1 : vector<4000x64xf32>, vector<4000x64xf32> -> vector<4000x128xf32>
    %swap3A_173 = arith.constant 0 : index
    %swap3A_174 = arith.constant 0 : index
    %swap3A_175 = vector.load %arg11[%swap3A_173, %swap3A_174] : memref<4000x128xf32, #tpu.memory_space<vmem>>, vector<4000x128xf32>
    tpu.vector_store %arg11[%swap3A_173, %swap3A_174], %concatenate3A_172 {strides = array<i32>} : memref<4000x128xf32, #tpu.memory_space<vmem>>, vector<4000x128xf32>,
    return
  }
  func.func @transform_0(%arg0: i32) -> (i32, i32) {
    %c0_i32 = arith.constant 0 : i32
    %c0_i32_0 = arith.constant 0 : i32
    return %arg0, %c0_i32 : i32, i32
  }
  func.func @transform_1(%arg0: i32) -> (i32, i32) {
    %c0_i32 = arith.constant 0 : i32
    %c0_i32_0 = arith.constant 0 : i32
    return %arg0, %c0_i32 : i32, i32
  }
  func.func @transform_2(%arg0: i32) -> (i32, i32) {
    %c0_i32 = arith.constant 0 : i32
    %c0_i32_0 = arith.constant 0 : i32
    %c0_i32_1 = arith.constant 0 : i32
    return %c0_i32, %c0_i32_0 : i32, i32
  }
  func.func @transform_3(%arg0: i32) -> (i32, i32) {
    %c0_i32 = arith.constant 0 : i32
    %c0_i32_0 = arith.constant 0 : i32
    %c0_i32_1 = arith.constant 0 : i32
    return %c0_i32, %c0_i32_0 : i32, i32
  }
  func.func @transform_4(%arg0: i32) -> (i32, i32) {
    %c0_i32 = arith.constant 0 : i32
    %c0_i32_0 = arith.constant 0 : i32
    %c0_i32_1 = arith.constant 0 : i32
    return %c0_i32, %c0_i32_0 : i32, i32
  }
  func.func @transform_5(%arg0: i32) -> (i32, i32) {
    %c0_i32 = arith.constant 0 : i32
    %c0_i32_0 = arith.constant 0 : i32
    %c0_i32_1 = arith.constant 0 : i32
    return %c0_i32, %c0_i32_0 : i32, i32
  }
  func.func @transform_6(%arg0: i32) -> (i32, i32) {
    %c0_i32 = arith.constant 0 : i32
    %c0_i32_0 = arith.constant 0 : i32
    %c0_i32_1 = arith.constant 0 : i32
    return %c0_i32, %c0_i32_0 : i32, i32
  }
  func.func @transform_7(%arg0: i32) -> (i32, i32) {
    %c0_i32 = arith.constant 0 : i32
    %c0_i32_0 = arith.constant 0 : i32
    %c0_i32_1 = arith.constant 0 : i32
    return %c0_i32, %c0_i32_0 : i32, i32
  }
  func.func @transform_8(%arg0: i32) -> (i32, i32) {
    %c0_i32 = arith.constant 0 : i32
    %c0_i32_0 = arith.constant 0 : i32
    return %arg0, %c0_i32 : i32, i32
  }
  func.func @transform_9(%arg0: i32) -> (i32, i32) {
    %c0_i32 = arith.constant 0 : i32
    %c0_i32_0 = arith.constant 0 : i32
    return %arg0, %c0_i32 : i32, i32
  }
  func.func @transform_10(%arg0: i32) -> (i32, i32) {
    %c0_i32 = arith.constant 0 : i32
    %c0_i32_0 = arith.constant 0 : i32
    return %arg0, %c0_i32 : i32, i32
  }
}

</mosaic_0001>

<sc_bundles>
// kernel: kernel.5.cloned.1.call-start
scs
__scs_entry_jumppad:
0x0: {  	(pc) =	sbr.rel $0x88, $3  }
0x1: {  	(tag) =	ssettag $0x0;
	lr =	simm.s32 $0x1  }
0x2: {  	[smem:$0x3F98] =	sst lr;
	_ =	strace $0xD0000000  }
0x3: {  	_ = 	snop  }
0x4: {  	_ = 	snop  }
0x5: {  	_ = 	snop  }
0x6: {  	_ = 	snop  }
0x7: {  	_ = 	snop  }
__scs_overlays_trampoline_lowered:
0x8: {  	[smem:$0x3FA7] =	sst s0  }
0x9: {  	[smem:$0x3FA8] =	sst s1  }
0xa: {  	[smem:$0x3FA9] =	sst s2  }
0xb: {  	[smem:$0x3FAA] =	sst s3  }
0xc: {  	[smem:$0x3FAB] =	sst s4  }
0xd: {  	[smem:$0x3FAC] =	sst s5  }
0xe: {  	[smem:$0x3FAD] =	sst s6  }
0xf: {  	[smem:$0x3FAE] =	sst s7  }
0x10: {  	[smem:$0x3FAF] =	sst s8  }
0x11: {  	[smem:$0x3FB0] =	sst s9;
	s0 =	simm.s32 @!p0 $0x0  }
0x12: {  	s1 =	sld [smem:$0x3F96];
	s0 =	simm.s32 @p0 $0x1  }
0x13: {  	[smem:$0x3FB1] =	sst s0;
	s0 =	simm.s32 @!p1 $0x0  }
0x14: {  	s2 =	sld [smem:$0x3F95];
	s0 =	simm.s32 @p1 $0x1  }
0x15: {  	[smem:$0x3FB2] =	sst s0;
	s0 =	simm.s32 @!p2 $0x0  }
0x16: {  	s3 =	sld [smem:$0x3FDB];
	s0 =	simm.s32 @p2 $0x1  }
0x17: {  	s4 =	simm.s32 $0x1BF5;
	[smem:$0x3FB4] =	sst s0  }
0x18: {  	s0 =	sld [smem:$0x3F97];
	_ =	swait.ge [sflag:s4], $0x0  }
0x19: {  	s7 =	sld [smem:$0x3F98]  }
0x1a: {  	s8 =	sadd.s32 $0xFFFFE003, lr  }
0x1b: {  	s9 =	sadd.s32 $0xFFFFFEF7, lr;
	s5 =	simm.s32 $0xFFFFFFFF;
	p2 =	slt.u32 s8, $0xFFFFF086  }
0x1c: {  	p1 =	slt.u32 s9, $0xF7A;
	s5 =	simm.s32 @!p2 $0x0  }
0x1d: {  	s5 =	simm.s32 @p1 $0x1;
	p0 =	seq.s32 s7, s2  }
0x1e: {  	s7 =	smul.u32 @!p0 $0xF7A, s2;
	p2 =	seq.s32 @!p0 s5, $0x0  }
0x1f: {  	s9 =	smul.u32 $0xF7A, s1;
	s8 =	simm.s32 @!p0 $0x1BF5;
	p2 =	por !p2, p0  }
0x20: {  	[sflag:s8] =	ssyncset.s32 @!p0 $0xFFFFF086;
	s6 =	sadd.s32 @!p0 s3, s7;
	s7 =	simm.s32 @!p0 $0x108  }
0x21: {  	s3 =	sadd.s32 s3, s9;
	s6 =	sadd.s32 @!p0 $0x88, s6;
	s7 =	simm.s32 @p2 $0x1082  }
0x22: {  	[simem:s7], [sflag:s8] =	dma.local @!p0 [hbm:s6], $0xF7A  }
0x23: {  	s9 =	sor.u32 $0xD0000000, s2;
	s6 =	simm.s32 $0x108;
	_ =	swait.ge @!p0 [sflag:s8], $0x0  }
0x24: {  	s3 =	sadd.s32 $0x88, s3;
	s6 =	simm.s32 @!p1 $0x1082;
	[sflag:s4] =	ssyncset.s32 $0xFFFFF086  }
0x25: {  	[simem:s6], [sflag:s4] =	dma.local [hbm:s3], $0xF7A  }
0x26: {  	[smem:$0x3F98] =	sst s1;
	(tag) =	ssettag s2;
	_ =	strace s9  }
0x27: {  	s1 =	sld [smem:$0x3FA8]  }
0x28: {  	s2 =	sld [smem:$0x3FA9]  }
0x29: {  	s4 =	sld [smem:$0x3FAB]  }
0x2a: {  	p0 =	seq.s32 s5, $0x0;
	s5 =	sld [smem:$0x3FAC]  }
0x2b: {  	s6 =	sld [smem:$0x3FAD]  }
0x2c: {  	s7 =	sld [smem:$0x3FAE]  }
0x2d: {  	s3 =	simm.s32 $0x108;
	s8 =	sld [smem:$0x3FAF]  }
0x2e: {  	s3 =	simm.s32 @!p0 $0x1082;
	s9 =	sld [smem:$0x3FB0]  }
0x2f: {  	lr =	sadd.s32 s0, s3;
	s0 =	sld [smem:$0x3FA7]  }
0x30: {  	s3 =	sld [smem:$0x3FAA]  }
0x31: {  	[smem:$0x3FB3] =	sst s10  }
0x32: {  	s10 =	sld [smem:$0x3FB1];
	_ =	sdelay $0x3  }
0x33: {  	p0 =	seq.s32 s10, $0x1;
	s10 =	sld [smem:$0x3FB3];
	_ =	sdelay $0x3  }
0x34: {  	[smem:$0x3FB3] =	sst s10  }
0x35: {  	s10 =	sld [smem:$0x3FB2];
	_ =	sdelay $0x3  }
0x36: {  	p1 =	seq.s32 s10, $0x1;
	s10 =	sld [smem:$0x3FB3];
	_ =	sdelay $0x3  }
0x37: {  	[smem:$0x3FB3] =	sst s10  }
0x38: {  	s10 =	sld [smem:$0x3FB4]  }
0x39: {  	_ = 	snop;
	(pc) =	sbr.ind lr, $3  }
0x3a: {  	_ = 	snop  }
0x3b: {  	_ = 	snop  }
0x3c: {  	p2 =	seq.s32 s10, $0x1;
	s10 =	sld [smem:$0x3FB3]  }
0x3d: {  	_ =	shalt  }
0x3e: {  	_ =	shalt  }
0x3f: {  	_ =	shalt  }
0x40: {  	_ =	shalt  }
0x41: {  	_ =	shalt  }
0x42: {  	_ =	shalt  }
0x43: {  	_ =	shalt  }
0x44: {  	_ =	shalt  }
0x45: {  	_ =	shalt  }
0x46: {  	_ =	shalt  }
0x47: {  	_ =	shalt  }
0x48: {  	_ =	shalt  }
0x49: {  	_ =	shalt  }
0x4a: {  	_ =	shalt  }
0x4b: {  	_ =	shalt  }
0x4c: {  	_ =	shalt  }
0x4d: {  	_ =	shalt  }
0x4e: {  	_ =	shalt  }
0x4f: {  	_ =	shalt  }
0x50: {  	_ =	shalt  }
0x51: {  	_ =	shalt  }
0x52: {  	_ =	shalt  }
0x53: {  	_ =	shalt  }
0x54: {  	_ =	shalt  }
0x55: {  	_ =	shalt  }
0x56: {  	_ =	shalt  }
0x57: {  	_ =	shalt  }
0x58: {  	_ =	shalt  }
0x59: {  	_ =	shalt  }
0x5a: {  	_ =	shalt  }
0x5b: {  	_ =	shalt  }
0x5c: {  	_ =	shalt  }
0x5d: {  	_ =	shalt  }
0x5e: {  	_ =	shalt  }
0x5f: {  	_ =	shalt  }
0x60: {  	_ =	shalt  }
0x61: {  	_ =	shalt  }
0x62: {  	_ =	shalt  }
0x63: {  	_ =	shalt  }
0x64: {  	_ =	shalt  }
0x65: {  	_ =	shalt  }
0x66: {  	_ =	shalt  }
0x67: {  	_ =	shalt  }
0x68: {  	_ =	shalt  }
0x69: {  	_ =	shalt  }
0x6a: {  	_ =	shalt  }
0x6b: {  	_ =	shalt  }
0x6c: {  	_ =	shalt  }
0x6d: {  	_ =	shalt  }
0x6e: {  	_ =	shalt  }
0x6f: {  	_ =	shalt  }
0x70: {  	_ =	shalt  }
0x71: {  	_ =	shalt  }
0x72: {  	_ =	shalt  }
0x73: {  	_ =	shalt  }
0x74: {  	_ =	shalt  }
0x75: {  	_ =	shalt  }
0x76: {  	_ =	shalt  }
0x77: {  	_ =	shalt  }
0x78: {  	_ =	shalt  }
0x79: {  	_ =	shalt  }
0x7a: {  	_ =	shalt  }
0x7b: {  	_ =	shalt  }
0x7c: {  	_ =	shalt  }
0x7d: {  	_ =	shalt  }
0x7e: {  	_ =	shalt  }
0x7f: {  	_ =	shalt  }
0x80: {  	_ =	shalt  }
0x81: {  	_ =	shalt  }
0x82: {  	_ =	shalt  }
0x83: {  	_ =	shalt  }
0x84: {  	_ =	shalt  }
0x85: {  	_ =	shalt  }
0x86: {  	_ =	shalt  }
0x87: {  	_ =	shalt  }
.Lfunc_end0:
.L_simem_size_0:
called_computation_lowered:
.L_overlay_start_0:
0x88: {  	s2 =	sld [smem:$0x3FD9]  }
0x89: {  	s3 =	sld [smem:$0x3FFE];
	_ =	sdelay $0x1  }
0x8a: {  	s1 =	srdreg.scid  }
0x8b: {  	s0 =	sand.u32 $0x1, s1  }
0x8c: {  	s14 =	sshll.u32 s0, $0xA;
	s2 =	sadd.s32 s3, s2  }
0x8d: {  	s2 =	sadd.s32 s2, s14  }
0x8e: {  	[smem:$0x3FBF] =	sst s2  }
0x8f: {  	_ = 	snop  }
0x90: {  	s2 =	sld [smem:$0x3FD0];
	_ =	sdelay $0x2  }
0x91: {  	s4 =	simm.s32 $0xA;
	s5 =	simm.s32 $0x10;
	s15 =	sld [smem:$0x3FC7]  }
0x92: {  	[smem:s5], [sflag:s4] =	dma.local [hbm:s2], $0x1  }
0x93: {  	_ =	swait.eq [sflag:s4], $0x1  }
0x94: {  	[sflag:s4] =	ssyncset.done $0x0  }
0x95: {  	[sflag:s4] =	ssyncadd.s32 $0xFFFFFFFF  }
0x96: {  	s16 =	sld [smem:$0x10];
	(tm) =	ssettm $0x1  }
0x97: {  	s17 =	sld [smem:$0x3FFB];
	_ =	sdelay $0x3  }
0x98: {  	_ =	strace s17  }
0x99: {  	s4 =	sld [smem:$0x3FFC];
	_ =	sdelay $0x3  }
0x9a: {  	_ =	strace s4  }
0x9b: {  	s4 =	sld [smem:$0x3FFD];
	_ =	sdelay $0x3  }
0x9c: {  	_ =	strace s4  }
0x9d: {  	_ =	strace $0x8FFFFFFF  }
0x9e: {  	s18 =	sld [smem:$0x3FDB];
	_ =	sdelay $0x1  }
0x9f: {  	s19 =	simm.s32 $_scs_section_size  }
0xa0: {  	s6 =	simm.s32 $_size__tile_overlayer_lowered;
	s7 =	simm.s32 $_tile_overlayer_lowered  }
0xa1: {  	s22 =	simm.s32 $0x1BFF;
	s21 =	sshll.u32 s7, $0x1;
	s4 =	sadd.s32 s19, s18  }
0xa2: {  	s8 =	simm.s32 $0x0;
	s20 =	sshll.u32 s6, $0x1;
	s6 =	sadd.s32 s21, s4  }
0xa3: {  	[timem:s8], [sflag:s22] =	dma.local [hbm:s6], s20  }
0xa4: {  	_ =	swait.ge [sflag:s22], s20  }
0xa5: {  	s5 =	ssub.s32 $0x0, s20;
	[sflag:s22] =	ssyncset.done $0x0  }
0xa6: {  	[sflag:s22] =	ssyncadd.s32 s5;
	_ =	sdelay $0x1  }
0xa7: {  	s23 =	simm.s32 $0x1B8B  }
0xa8: {  	_ =	swait.ge [sflag:s23], $0x1  }
0xa9: {  	[sflag:s23] =	ssyncset.done $0x0  }
0xaa: {  	s25 =	simm.s32 $0x1B8E;
	s24 =	sld [smem:$0x3FFE];
	[sflag:s23] =	ssyncadd.s32 $0xFFFFFFFF  }
0xab: {  	s26 =	simm.s32 $execute0_lowered;
	[smem:$0x3FD2] =	sst s25  }
0xac: {  	s6 =	sshll.u32 s26, $0x1;
	_ =	strace $0x80000046;
	[dreg:$0x1] =	wrdreg $0xFFFFFFFF  }
0xad: {  	s28 =	simm.s32 $_size_execute0_lowered;
	s4 =	sadd.s32 s4, s6;
	[dreg:$0x0] =	wrdreg $0x0  }
0xae: {  	s6 =	sshll.u32 s28, $0x1;
	[dreg:$0x2] =	wrdreg s4  }
0xaf: {  	[dreg:$0x3] =	wrdreg s6  }
0xb0: {  	[dreg:$0x4] =	wrdreg $0xC0  }
0xb1: {  	_ =	task [dreg:s8], $0x5FFFF  }
0xb2: {  	[dreg:$0x1] =	wrdreg $0xFFFFFFFF  }
0xb3: {  	[dreg:$0x0] =	wrdreg $0x60  }
0xb4: {  	[dreg:$0x2] =	wrdreg s16  }
0xb5: {  	[dreg:$0x3] =	wrdreg s15  }
0xb6: {  	[dreg:$0x4] =	wrdreg s24  }
0xb7: {  	[dreg:$0x5] =	wrdreg $0x9  }
0xb8: {  	_ =	task.clear_ibuf [dreg:s8], $0x6FFFF;
	_ =	strace $0x90000046  }
0xb9: {  	s29 =	simm.s32 $0x9;
	_ =	strace $0x80000048  }
0xba: {  	_ =	swait.ge [sflag:s29], $0x1  }
0xbb: {  	[sflag:s29] =	ssyncadd.s32 $0xFFFFFFFF  }
0xbc: {  	_ =	strace $0x90000048  }
0xbd: {  	_ =	sfence  }
0xbe: {  	s30 =	sld [smem:$0x0];
	_ =	sdelay $0x2  }
0xbf: {  	s31 =	sshll.u32 s1, $0xD;
	s1 =	sshrl.u32 s1, $0x2  }
0xc0: {  	s3 =	sand.u32 $0x4000, s31;
	s1 =	sadd.s32 s1, s30  }
0xc1: {  	s0 =	sor.u32 s3, s0;
	s1 =	sshll.u32 s1, $0x11  }
0xc2: {  	s0 =	sor.u32 s1, s0  }
0xc3: {  	s0 =	sadd.s32 $0x8F2B, s0  }
0xc4: {  	[sflag:s0] =	ssyncadd.remote.s32 $0x1  }
0xc5: {  	_ =	sfence.sel $0xFFFF  }
0xc6: {  	[dreg:$0x0] =	wrdreg $0xFFFFFFFF;
	(pc) =	sbr.abs _section_cstart, $3  }
0xc7: {  	[dreg:$0x1] =	wrdreg $0xFFFFFFFF  }
0xc8: {  	_ =	task.clear_ibuf [dreg:s8], $0x2FFFF;
	_ =	strace $0x9FFFFFFF  }
0xc9: {  	(tm) =	ssettm $0x7FFFFFFF  }
tec
execute0_lowered:
.L_overlay_start_1:
0x0: {  	(tag) =	ssettag $0x1  }
0x1: {  	s0 =	rddreg [dreg:$0x0]  }
0x2: {  	s2 =	rddreg [dreg:$0x1]  }
0x3: {  	s1 =	rddreg [dreg:$0x2]  }
0x4: {  	s4 =	srdreg.scid;
	s14 =	stileid.u32;
	s3 =	simm.s32 $0x0  }
0x5: {  	s19 =	simm.s32 $0x80;
	s20 =	simm.s32 $0x180;
	s21 =	simm.s32 $0x4180  }
0x6: {  	s22 =	simm.s32 $0x1;
	s23 =	simm.s32 $0x3;
	s24 =	simm.s32 $0x2  }
0x7: {  	s29 =	simm.s32 $0x8180;
	s30 =	simm.s32 $0x0;
	s16 =	smul.u32 $0x4E20, s14  }
0x8: {  	s15 =	sand.u32 $0x1, s4;
	s25 =	sshll.u32 s14, $0x1;
	s18 =	smul.u32 $0x4E200, s14  }
0x9: {  	[smem:$0x7FF] =	sst s3;
	s1 =	sadd.s32 $0xB200, s1;
	s17 =	smul.u32 $0x2710, s15  }
0xa: {  	s4 =	sor.u32 s15, s25;
	s5 =	ssub.s32 $0x2, s15;
	s15 =	smul.u32 $0x27100, s15  }
0xb: {  	_ =	strace $0x80000047;
	s10 =	smul.u32 $0x2710, s4;
	s6 =	sshrl.u32 s5, $0x1  }
0xc: {  	s25 =	simm.s32 $0x4;
	s7 =	smul.u32 $0x27100, s4;
	s12 =	ssub.s32 s5, s6  }
0xd: {  	s16 =	sadd.s32 s17, s16;
	s26 =	sshrl.u32 s10, $0x3;
	s8 =	sadd.s32 $0x80, s10  }
0xe: {  	s5 =	sadd.s32 s1, s7;
	s10 =	sadd.s32 $0x2700, s10;
	s12 =	smax.u32 s12, $0x1  }
0xf: {  	s17 =	sadd.s32 $0x280, s16;
	s16 =	sadd.s32 $0x200, s16;
	s4 =	sadd.s32 s0, s26  }
0x10: {  	s28 =	sshrl.u32 s8, $0x3;
	s8 =	sshll.u32 s8, $0x4;
	s11 =	sshrl.u32 s10, $0x3  }
0x11: {  	s13 =	sshll.u32 s10, $0x4;
	s14 =	sadd.s32 $0x26800, s5;
	s17 =	sshrl.u32 s17, $0x3  }
0x12: {  	s31 =	sshrl.u32 s16, $0x3;
	s26 =	simm.s32 $0x100;
	s6 =	sadd.s32 $0x20, s4  }
0x13: {  	s7 =	sadd.s32 s0, s28;
	s8 =	sadd.s32 s1, s8;
	s9 =	sadd.s32 $0x30, s4  }
0x14: {  	s10 =	sadd.s32 s0, s11;
	s11 =	sadd.s32 s1, s13;
	s1 =	sadd.s32 s18, s1  }
0x15: {  	s13 =	sadd.s32 $0x26000, s5;
	s16 =	sadd.s32 s17, s0;
	s1 =	sadd.s32 s15, s1  }
0x16: {  	s17 =	sadd.s32 s31, s0;
	s18 =	simm.s32 $0x5;
	s15 =	sadd.s32 $0x1800, s1  }
.LBB2_1:
0x17: {  	[tilespmem:s3], [sflag:$0x5] =	stream.linear.gather [hbm4b:s4+s3], $0x80, $0x38;
	[tilespmem:$0x8980] =	vst v63  }
0x18: {  	_ =	swait.ge [sflag:s18], $0x80  }
0x19: {  	[sflag:s18] =	ssyncset.done $0x0  }
0x1a: {  	[sflag:s18] =	ssyncadd.s32 $0xFFFFFF80  }
0x1b: {  	[tilespmem:s20], [sflag:$0x5] =	stream.indirect.gather [hbm4b:s2+s19], $0x80, s3, s19, $0xb8;
	[tilespmem:$0x8980] =	vst v63  }
0x1c: {  	_ =	swait.ge [sflag:s18], $0x4000  }
0x1d: {  	[sflag:s18] =	ssyncset.done $0x0  }
0x1e: {  	[sflag:s18] =	ssyncadd.s32 $0xFFFFC000  }
0x1f: {  	[hbm4b:s5+s3] =	stream.linear.scatter [tilespmem:s20], [sflag:$0x3], $0x4000, $0x38;
	[tilespmem:$0x8980] =	vst v63  }
0x20: {  	_ = 	snop  }
0x21: {  	[tilespmem:s3], [sflag:$0x1] =	stream.linear.gather [hbm4b:s6+s3], $0x80, $0x38;
	[tilespmem:$0x8980] =	vst v63  }
0x22: {  	_ = 	snop  }
0x23: {  	[tilespmem:s19], [sflag:$0x5] =	stream.linear.gather [hbm4b:s7+s3], $0x80, $0x38;
	[tilespmem:$0x8980] =	vst v63  }
0x24: {  	_ =	swait.ge [sflag:s18], $0x80  }
0x25: {  	[sflag:s18] =	ssyncset.done $0x0  }
0x26: {  	[sflag:s18] =	ssyncadd.s32 $0xFFFFFF80  }
0x27: {  	[tilespmem:s21], [sflag:$0x5] =	stream.indirect.gather [hbm4b:s2+s19], $0x80, s19, s19, $0xb8;
	[tilespmem:$0x8980] =	vst v63  }
0x28: {  	_ =	swait.ge [sflag:s18], $0x4000  }
0x29: {  	[sflag:s18] =	ssyncset.done $0x0  }
0x2a: {  	[sflag:s18] =	ssyncadd.s32 $0xFFFFC000  }
0x2b: {  	[hbm4b:s8+s3] =	stream.linear.scatter [tilespmem:s21], [sflag:$0x4], $0x4000, $0x38;
	[tilespmem:$0x8980] =	vst v63  }
0x2c: {  	_ = 	snop  }
0x2d: {  	[tilespmem:s19], [sflag:$0x2] =	stream.linear.gather [hbm4b:s9+s3], $0x80, $0x38;
	[tilespmem:$0x8980] =	vst v63  }
0x2e: {  	_ =	swait.ge [sflag:s22], $0x80  }
0x2f: {  	[sflag:s22] =	ssyncset.done $0x0  }
0x30: {  	[sflag:s22] =	ssyncadd.s32 $0xFFFFFF80  }
0x31: {  	_ =	swait.ge [sflag:s23], $0x4000  }
0x32: {  	[sflag:s23] =	ssyncset.done $0x0  }
0x33: {  	[sflag:s23] =	ssyncadd.s32 $0xFFFFC000  }
0x34: {  	[tilespmem:s20], [sflag:$0x5] =	stream.indirect.gather [hbm4b:s2+s19], $0x80, s3, s19, $0xb8;
	[tilespmem:$0x8980] =	vst v63  }
0x35: {  	_ =	swait.ge [sflag:s18], $0x4000  }
0x36: {  	[sflag:s18] =	ssyncset.done $0x0  }
0x37: {  	s0 =	sadd.s32 $0xFFFFF800, s15;
	[sflag:s18] =	ssyncadd.s32 $0xFFFFC000  }
0x38: {  	[hbm4b:s0+s3] =	stream.linear.scatter [tilespmem:s20], [sflag:$0x3], $0x4000, $0x38;
	[tilespmem:$0x8980] =	vst v63  }
0x39: {  	s28 =	sadd.s32 $0x0, s17  }
0x3a: {  	[tilespmem:s3], [sflag:$0x1] =	stream.linear.gather [hbm4b:s28+s3], $0x80, $0x38;
	[tilespmem:$0x8980] =	vst v63  }
0x3b: {  	_ =	swait.ge [sflag:s24], $0x80  }
0x3c: {  	[sflag:s24] =	ssyncset.done $0x0  }
0x3d: {  	[sflag:s24] =	ssyncadd.s32 $0xFFFFFF80  }
0x3e: {  	_ =	swait.ge [sflag:s25], $0x4000  }
0x3f: {  	[sflag:s25] =	ssyncset.done $0x0  }
0x40: {  	[sflag:s25] =	ssyncadd.s32 $0xFFFFC000  }
0x41: {  	[tilespmem:s21], [sflag:$0x5] =	stream.indirect.gather [hbm4b:s2+s19], $0x80, s19, s19, $0xb8;
	[tilespmem:$0x8980] =	vst v63  }
0x42: {  	_ =	swait.ge [sflag:s18], $0x4000  }
0x43: {  	s31 =	simm.s32 $0x20;
	[sflag:s18] =	ssyncset.done $0x0  }
0x44: {  	s1 =	sadd.s32 $0x0, s16;
	s0 =	sadd.s32 $0x1000, s15;
	[sflag:s18] =	ssyncadd.s32 $0xFFFFC000  }
0x45: {  	[hbm4b:s15+s3] =	stream.linear.scatter [tilespmem:s21], [sflag:$0x4], $0x4000, $0x38;
	[tilespmem:$0x8980] =	vst v63  }
.LBB2_2:
0x46: {  	[tilespmem:s19], [sflag:$0x2] =	stream.linear.gather [hbm4b:s1+s3], $0x80, $0x38;
	[tilespmem:$0x8980] =	vst v63  }
0x47: {  	s1 =	smov.u32 s31  }
0x48: {  	p0 =	sne.s32 s31, $0x480;
	s31 =	sadd.s32 $0x20, s31;
	_ =	swait.ge [sflag:s22], $0x80  }
0x49: {  	[sflag:s22] =	ssyncset.done $0x0  }
0x4a: {  	[sflag:s22] =	ssyncadd.s32 $0xFFFFFF80  }
0x4b: {  	_ =	swait.ge [sflag:s23], $0x4000  }
0x4c: {  	[sflag:s23] =	ssyncset.done $0x0  }
0x4d: {  	[sflag:s23] =	ssyncadd.s32 $0xFFFFC000  }
0x4e: {  	[tilespmem:s20], [sflag:$0x5] =	stream.indirect.gather [hbm4b:s2+s19], $0x80, s3, s19, $0xb8;
	[tilespmem:$0x8980] =	vst v63  }
0x4f: {  	_ =	swait.ge [sflag:s18], $0x4000  }
0x50: {  	[sflag:s18] =	ssyncset.done $0x0  }
0x51: {  	s28 =	sadd.s32 $0xFFFFF800, s0;
	[sflag:s18] =	ssyncadd.s32 $0xFFFFC000  }
0x52: {  	[hbm4b:s28+s3] =	stream.linear.scatter [tilespmem:s20], [sflag:$0x3], $0x4000, $0x38;
	[tilespmem:$0x8980] =	vst v63  }
0x53: {  	s28 =	sadd.s32 s1, s17  }
0x54: {  	[tilespmem:s3], [sflag:$0x1] =	stream.linear.gather [hbm4b:s28+s3], $0x80, $0x38;
	[tilespmem:$0x8980] =	vst v63  }
0x55: {  	_ =	swait.ge [sflag:s24], $0x80  }
0x56: {  	[sflag:s24] =	ssyncset.done $0x0  }
0x57: {  	[sflag:s24] =	ssyncadd.s32 $0xFFFFFF80  }
0x58: {  	_ =	swait.ge [sflag:s25], $0x4000  }
0x59: {  	[sflag:s25] =	ssyncset.done $0x0  }
0x5a: {  	[sflag:s25] =	ssyncadd.s32 $0xFFFFC000  }
0x5b: {  	[tilespmem:s21], [sflag:$0x5] =	stream.indirect.gather [hbm4b:s2+s19], $0x80, s19, s19, $0xb8;
	[tilespmem:$0x8980] =	vst v63  }
.Ltmp0:
0x5c: {  	_ =	swait.ge [sflag:s18], $0x4000;
	(pc) =	sbr.rel @p0 .LBB2_2-.Ltmp0, $4  }
0x5d: {  	[sflag:s18] =	ssyncset.done $0x0  }
0x5e: {  	[sflag:s18] =	ssyncadd.s32 $0xFFFFC000  }
0x5f: {  	[hbm4b:s0+s3] =	stream.linear.scatter [tilespmem:s21], [sflag:$0x4], $0x4000, $0x38;
	[tilespmem:$0x8980] =	vst v63  }
0x60: {  	s1 =	sadd.s32 s1, s16;
	s0 =	sadd.s32 $0x1000, s0  }
0x61: {  	[tilespmem:s19], [sflag:$0x2] =	stream.linear.gather [hbm4b:s1+s3], $0x80, $0x38;
	[tilespmem:$0x8980] =	vst v63  }
0x62: {  	_ =	swait.ge [sflag:s22], $0x80  }
0x63: {  	[sflag:s22] =	ssyncset.done $0x0  }
0x64: {  	[sflag:s22] =	ssyncadd.s32 $0xFFFFFF80  }
0x65: {  	_ =	swait.ge [sflag:s23], $0x4000  }
0x66: {  	[sflag:s23] =	ssyncset.done $0x0  }
0x67: {  	[sflag:s23] =	ssyncadd.s32 $0xFFFFC000  }
0x68: {  	[tilespmem:s20], [sflag:$0x5] =	stream.indirect.gather [hbm4b:s2+s19], $0x80, s3, s19, $0xb8;
	[tilespmem:$0x8980] =	vst v63  }
0x69: {  	_ =	swait.ge [sflag:s18], $0x4000  }
0x6a: {  	[sflag:s18] =	ssyncset.done $0x0  }
0x6b: {  	[sflag:s18] =	ssyncadd.s32 $0xFFFFC000  }
0x6c: {  	[hbm4b:s13+s3] =	stream.linear.scatter [tilespmem:s20], [sflag:$0x3], $0x4000, $0x38;
	[tilespmem:$0x8980] =	vst v63  }
0x6d: {  	_ =	swait.ge [sflag:s24], $0x80  }
0x6e: {  	[sflag:s24] =	ssyncset.done $0x0  }
0x6f: {  	[sflag:s24] =	ssyncadd.s32 $0xFFFFFF80  }
0x70: {  	_ =	swait.ge [sflag:s25], $0x4000  }
0x71: {  	[sflag:s25] =	ssyncset.done $0x0  }
0x72: {  	[sflag:s25] =	ssyncadd.s32 $0xFFFFC000  }
0x73: {  	[tilespmem:s21], [sflag:$0x5] =	stream.indirect.gather [hbm4b:s2+s19], $0x80, s19, s19, $0xb8;
	[tilespmem:$0x8980] =	vst v63  }
0x74: {  	_ =	swait.ge [sflag:s18], $0x4000  }
0x75: {  	[sflag:s18] =	ssyncset.done $0x0  }
0x76: {  	[sflag:s18] =	ssyncadd.s32 $0xFFFFC000  }
0x77: {  	[hbm4b:s14+s3] =	stream.linear.scatter [tilespmem:s21], [sflag:$0x4], $0x4000, $0x38;
	[tilespmem:$0x8980] =	vst v63  }
0x78: {  	_ =	swait.ge [sflag:s23], $0x4000  }
0x79: {  	[sflag:s23] =	ssyncset.done $0x0  }
0x7a: {  	[sflag:s23] =	ssyncadd.s32 $0xFFFFC000  }
0x7b: {  	_ =	swait.ge [sflag:s25], $0x4000  }
0x7c: {  	[sflag:s25] =	ssyncset.done $0x0  }
0x7d: {  	[sflag:s25] =	ssyncadd.s32 $0xFFFFC000  }
0x7e: {  	[tilespmem:s26], [sflag:$0x5] =	stream.linear.gather [hbm4b:s10+s3], $0x10, $0x38;
	[tilespmem:$0x8980] =	vst v63  }
0x7f: {  	_ =	swait.ge [sflag:s18], $0x10  }
0x80: {  	[sflag:s18] =	ssyncset.done $0x0  }
0x81: {  	s0 =	simm.s32 $0x10;
	[sflag:s18] =	ssyncadd.s32 $0xFFFFFFF0  }
0x82: {  	[tilespmem:s29], [sflag:$0x5] =	stream.indirect.gather [hbm4b:s2+s0], $0x80, s26, s0, $0xb8;
	[tilespmem:$0x8980] =	vst v63  }
0x83: {  	s30 =	sadd.s32 $0x1, s30;
	_ =	swait.ge [sflag:s18], $0x800  }
0x84: {  	p0 =	sne.s32 s30, s12;
	[sflag:s18] =	ssyncset.done $0x0  }
.Ltmp1:
0x85: {  	[sflag:s18] =	ssyncadd.s32 $0xFFFFF800;
	(pc) =	sbr.rel @p0 .LBB2_1-.Ltmp1, $4  }
0x86: {  	[hbm4b:s11+s3] =	stream.linear.scatter [tilespmem:s29], [sflag:$0x5], $0x800, $0x38;
	[tilespmem:$0x8980] =	vst v63  }
0x87: {  	_ =	swait.ge [sflag:s18], $0x800  }
0x88: {  	[sflag:s18] =	ssyncset.done $0x0  }
0x89: {  	[sflag:s18] =	ssyncadd.s32 $0xFFFFF800  }
0x8a: {  	_ =	sfence.sel $0x180000  }
0x8b: {  	[bflag:$0x0] =	sbarrier.arrive $0xFFFF  }
0x8c: {  	_ =	strace $0x90000047  }
0x8d: {  	s0 =	stileid.u32;
	[bflag:$0x2] =	sbarrier.arrive $0xFFFF  }
0x8e: {  	p0 =	sne.s32 s0, $0x0;
	s0 =	rddreg [dreg:$0x3]  }
0x8f: {  	s0 =	sadd.s32 @!p0 $0x100000, s0  }
0x90: {  	[sflag:s0] =	ssyncadd.tile.s32 @!p0 $0x1;
	_ =	shalt  }
.Lfunc_end2:
_tile_overlayer_lowered:
.L_overlay_start_2:
0x91: {  	(tag) =	ssettag $0x2  }
0x92: {  	s0 =	rddreg [dreg:$0x0];
	s2 =	stileid.u32  }
0x93: {  	s1 =	rddreg [dreg:$0x1];
	p0 =	sne.s32 s2, $0x0  }
0x94: {  	s3 =	rddreg [dreg:$0x2];
	[bflag:$0x3] =	sbarrier.arrive $0xFFFF;
	s2 =	simm.s32 @!p0 $0x1C05  }
0x95: {  	[timem:s3], [sflag:s2] =	dma.local @!p0 [hbm:s0], s1  }
0x96: {  	s0 =	simm.s32 @!p0 $0x5  }
0x97: {  	_ =	swait.ge @!p0 [sflag:s0], s1  }
0x98: {  	s1 =	ssub.s32 @!p0 $0x0, s1;
	[sflag:s0] =	ssyncset.done @!p0 $0x0  }
0x99: {  	[sflag:s0] =	ssyncadd.s32 @!p0 s1  }
0x9a: {  	[bflag:$0x3] =	sbarrier.arrive $0xFFFF  }
0x9b: {  	_ =	shalt  }

// kernel: kernel.8.cloned.1.call-start
scs
__scs_entry_jumppad:
0x0: {  	(pc) =	sbr.rel $0x88, $3  }
0x1: {  	(tag) =	ssettag $0x0;
	lr =	simm.s32 $0x1  }
0x2: {  	[smem:$0x3F98] =	sst lr;
	_ =	strace $0xD0000000  }
0x3: {  	_ = 	snop  }
0x4: {  	_ = 	snop  }
0x5: {  	_ = 	snop  }
0x6: {  	_ = 	snop  }
0x7: {  	_ = 	snop  }
__scs_overlays_trampoline_lowered:
0x8: {  	[smem:$0x3FA7] =	sst s0  }
0x9: {  	[smem:$0x3FA8] =	sst s1  }
0xa: {  	[smem:$0x3FA9] =	sst s2  }
0xb: {  	[smem:$0x3FAA] =	sst s3  }
0xc: {  	[smem:$0x3FAB] =	sst s4  }
0xd: {  	[smem:$0x3FAC] =	sst s5  }
0xe: {  	[smem:$0x3FAD] =	sst s6  }
0xf: {  	[smem:$0x3FAE] =	sst s7  }
0x10: {  	[smem:$0x3FAF] =	sst s8  }
0x11: {  	[smem:$0x3FB0] =	sst s9;
	s0 =	simm.s32 @!p0 $0x0  }
0x12: {  	s1 =	sld [smem:$0x3F96];
	s0 =	simm.s32 @p0 $0x1  }
0x13: {  	[smem:$0x3FB1] =	sst s0;
	s0 =	simm.s32 @!p1 $0x0  }
0x14: {  	s2 =	sld [smem:$0x3F95];
	s0 =	simm.s32 @p1 $0x1  }
0x15: {  	[smem:$0x3FB2] =	sst s0;
	s0 =	simm.s32 @!p2 $0x0  }
0x16: {  	s3 =	sld [smem:$0x3FDB];
	s0 =	simm.s32 @p2 $0x1  }
0x17: {  	s4 =	simm.s32 $0x1BF5;
	[smem:$0x3FB4] =	sst s0  }
0x18: {  	s0 =	sld [smem:$0x3F97];
	_ =	swait.ge [sflag:s4], $0x0  }
0x19: {  	s7 =	sld [smem:$0x3F98]  }
0x1a: {  	s8 =	sadd.s32 $0xFFFFE003, lr  }
0x1b: {  	s9 =	sadd.s32 $0xFFFFFEF7, lr;
	s5 =	simm.s32 $0xFFFFFFFF;
	p2 =	slt.u32 s8, $0xFFFFF086  }
0x1c: {  	p1 =	slt.u32 s9, $0xF7A;
	s5 =	simm.s32 @!p2 $0x0  }
0x1d: {  	s5 =	simm.s32 @p1 $0x1;
	p0 =	seq.s32 s7, s2  }
0x1e: {  	s7 =	smul.u32 @!p0 $0xF7A, s2;
	p2 =	seq.s32 @!p0 s5, $0x0  }
0x1f: {  	s9 =	smul.u32 $0xF7A, s1;
	s8 =	simm.s32 @!p0 $0x1BF5;
	p2 =	por !p2, p0  }
0x20: {  	[sflag:s8] =	ssyncset.s32 @!p0 $0xFFFFF086;
	s6 =	sadd.s32 @!p0 s3, s7;
	s7 =	simm.s32 @!p0 $0x108  }
0x21: {  	s3 =	sadd.s32 s3, s9;
	s6 =	sadd.s32 @!p0 $0x88, s6;
	s7 =	simm.s32 @p2 $0x1082  }
0x22: {  	[simem:s7], [sflag:s8] =	dma.local @!p0 [hbm:s6], $0xF7A  }
0x23: {  	s9 =	sor.u32 $0xD0000000, s2;
	s6 =	simm.s32 $0x108;
	_ =	swait.ge @!p0 [sflag:s8], $0x0  }
0x24: {  	s3 =	sadd.s32 $0x88, s3;
	s6 =	simm.s32 @!p1 $0x1082;
	[sflag:s4] =	ssyncset.s32 $0xFFFFF086  }
0x25: {  	[simem:s6], [sflag:s4] =	dma.local [hbm:s3], $0xF7A  }
0x26: {  	[smem:$0x3F98] =	sst s1;
	(tag) =	ssettag s2;
	_ =	strace s9  }
0x27: {  	s1 =	sld [smem:$0x3FA8]  }
0x28: {  	s2 =	sld [smem:$0x3FA9]  }
0x29: {  	s4 =	sld [smem:$0x3FAB]  }
0x2a: {  	p0 =	seq.s32 s5, $0x0;
	s5 =	sld [smem:$0x3FAC]  }
0x2b: {  	s6 =	sld [smem:$0x3FAD]  }
0x2c: {  	s7 =	sld [smem:$0x3FAE]  }
0x2d: {  	s3 =	simm.s32 $0x108;
	s8 =	sld [smem:$0x3FAF]  }
0x2e: {  	s3 =	simm.s32 @!p0 $0x1082;
	s9 =	sld [smem:$0x3FB0]  }
0x2f: {  	lr =	sadd.s32 s0, s3;
	s0 =	sld [smem:$0x3FA7]  }
0x30: {  	s3 =	sld [smem:$0x3FAA]  }
0x31: {  	[smem:$0x3FB3] =	sst s10  }
0x32: {  	s10 =	sld [smem:$0x3FB1];
	_ =	sdelay $0x3  }
0x33: {  	p0 =	seq.s32 s10, $0x1;
	s10 =	sld [smem:$0x3FB3];
	_ =	sdelay $0x3  }
0x34: {  	[smem:$0x3FB3] =	sst s10  }
0x35: {  	s10 =	sld [smem:$0x3FB2];
	_ =	sdelay $0x3  }
0x36: {  	p1 =	seq.s32 s10, $0x1;
	s10 =	sld [smem:$0x3FB3];
	_ =	sdelay $0x3  }
0x37: {  	[smem:$0x3FB3] =	sst s10  }
0x38: {  	s10 =	sld [smem:$0x3FB4]  }
0x39: {  	_ = 	snop;
	(pc) =	sbr.ind lr, $3  }
0x3a: {  	_ = 	snop  }
0x3b: {  	_ = 	snop  }
0x3c: {  	p2 =	seq.s32 s10, $0x1;
	s10 =	sld [smem:$0x3FB3]  }
0x3d: {  	_ =	shalt  }
0x3e: {  	_ =	shalt  }
0x3f: {  	_ =	shalt  }
0x40: {  	_ =	shalt  }
0x41: {  	_ =	shalt  }
0x42: {  	_ =	shalt  }
0x43: {  	_ =	shalt  }
0x44: {  	_ =	shalt  }
0x45: {  	_ =	shalt  }
0x46: {  	_ =	shalt  }
0x47: {  	_ =	shalt  }
0x48: {  	_ =	shalt  }
0x49: {  	_ =	shalt  }
0x4a: {  	_ =	shalt  }
0x4b: {  	_ =	shalt  }
0x4c: {  	_ =	shalt  }
0x4d: {  	_ =	shalt  }
0x4e: {  	_ =	shalt  }
0x4f: {  	_ =	shalt  }
0x50: {  	_ =	shalt  }
0x51: {  	_ =	shalt  }
0x52: {  	_ =	shalt  }
0x53: {  	_ =	shalt  }
0x54: {  	_ =	shalt  }
0x55: {  	_ =	shalt  }
0x56: {  	_ =	shalt  }
0x57: {  	_ =	shalt  }
0x58: {  	_ =	shalt  }
0x59: {  	_ =	shalt  }
0x5a: {  	_ =	shalt  }
0x5b: {  	_ =	shalt  }
0x5c: {  	_ =	shalt  }
0x5d: {  	_ =	shalt  }
0x5e: {  	_ =	shalt  }
0x5f: {  	_ =	shalt  }
0x60: {  	_ =	shalt  }
0x61: {  	_ =	shalt  }
0x62: {  	_ =	shalt  }
0x63: {  	_ =	shalt  }
0x64: {  	_ =	shalt  }
0x65: {  	_ =	shalt  }
0x66: {  	_ =	shalt  }
0x67: {  	_ =	shalt  }
0x68: {  	_ =	shalt  }
0x69: {  	_ =	shalt  }
0x6a: {  	_ =	shalt  }
0x6b: {  	_ =	shalt  }
0x6c: {  	_ =	shalt  }
0x6d: {  	_ =	shalt  }
0x6e: {  	_ =	shalt  }
0x6f: {  	_ =	shalt  }
0x70: {  	_ =	shalt  }
0x71: {  	_ =	shalt  }
0x72: {  	_ =	shalt  }
0x73: {  	_ =	shalt  }
0x74: {  	_ =	shalt  }
0x75: {  	_ =	shalt  }
0x76: {  	_ =	shalt  }
0x77: {  	_ =	shalt  }
0x78: {  	_ =	shalt  }
0x79: {  	_ =	shalt  }
0x7a: {  	_ =	shalt  }
0x7b: {  	_ =	shalt  }
0x7c: {  	_ =	shalt  }
0x7d: {  	_ =	shalt  }
0x7e: {  	_ =	shalt  }
0x7f: {  	_ =	shalt  }
0x80: {  	_ =	shalt  }
0x81: {  	_ =	shalt  }
0x82: {  	_ =	shalt  }
0x83: {  	_ =	shalt  }
0x84: {  	_ =	shalt  }
0x85: {  	_ =	shalt  }
0x86: {  	_ =	shalt  }
0x87: {  	_ =	shalt  }
.Lfunc_end0:
.L_simem_size_0:
called_computation.1_lowered:
.L_overlay_start_0:
0x88: {  	s2 =	sld [smem:$0x3FD9]  }
0x89: {  	s3 =	sld [smem:$0x3FFE];
	_ =	sdelay $0x1  }
0x8a: {  	s1 =	srdreg.scid  }
0x8b: {  	s0 =	sand.u32 $0x1, s1  }
0x8c: {  	s14 =	sshll.u32 s0, $0xA;
	s2 =	sadd.s32 s3, s2  }
0x8d: {  	s2 =	sadd.s32 s2, s14  }
0x8e: {  	[smem:$0x3FBF] =	sst s2  }
0x8f: {  	_ = 	snop  }
0x90: {  	s2 =	sld [smem:$0x3FD0];
	_ =	sdelay $0x2  }
0x91: {  	s15 =	simm.s32 $0xA;
	s4 =	simm.s32 $0x10  }
0x92: {  	[smem:s4], [sflag:s15] =	dma.local [hbm:s2], $0x1  }
0x93: {  	_ =	swait.eq [sflag:s15], $0x1  }
0x94: {  	[sflag:s15] =	ssyncset.done $0x0  }
0x95: {  	s16 =	sld [smem:$0x10];
	[sflag:s15] =	ssyncadd.s32 $0xFFFFFFFF  }
0x96: {  	s17 =	sld [smem:$0x11];
	(tm) =	ssettm $0x1  }
0x97: {  	s18 =	sld [smem:$0x3FFB];
	_ =	sdelay $0x3  }
0x98: {  	_ =	strace s18  }
0x99: {  	s4 =	sld [smem:$0x3FFC];
	_ =	sdelay $0x3  }
0x9a: {  	_ =	strace s4  }
0x9b: {  	s4 =	sld [smem:$0x3FFD];
	_ =	sdelay $0x3  }
0x9c: {  	_ =	strace s4  }
0x9d: {  	_ =	strace $0x8FFFFFFF  }
0x9e: {  	s19 =	sld [smem:$0x3FDB];
	_ =	sdelay $0x1  }
0x9f: {  	s5 =	simm.s32 $_scs_section_size  }
0xa0: {  	s6 =	simm.s32 $_size__tile_overlayer_lowered;
	s7 =	simm.s32 $_tile_overlayer_lowered  }
0xa1: {  	s22 =	simm.s32 $0x1BFF;
	s21 =	sshll.u32 s7, $0x1;
	s4 =	sadd.s32 s5, s19  }
0xa2: {  	s8 =	simm.s32 $0x0;
	s20 =	sshll.u32 s6, $0x1;
	s6 =	sadd.s32 s21, s4  }
0xa3: {  	[timem:s8], [sflag:s22] =	dma.local [hbm:s6], s20  }
0xa4: {  	_ =	swait.ge [sflag:s22], s20  }
0xa5: {  	s5 =	ssub.s32 $0x0, s20;
	[sflag:s22] =	ssyncset.done $0x0  }
0xa6: {  	[sflag:s22] =	ssyncadd.s32 s5;
	_ =	sdelay $0x1  }
0xa7: {  	s23 =	simm.s32 $0x1B8B  }
0xa8: {  	_ =	swait.ge [sflag:s23], $0x1  }
0xa9: {  	[sflag:s23] =	ssyncset.done $0x0  }
0xaa: {  	s25 =	simm.s32 $0x1B8E;
	s24 =	sld [smem:$0x3FFE];
	[sflag:s23] =	ssyncadd.s32 $0xFFFFFFFF  }
0xab: {  	s26 =	simm.s32 $execute0_lowered;
	[smem:$0x3FD2] =	sst s25  }
0xac: {  	s6 =	sshll.u32 s26, $0x1;
	_ =	strace $0x80000049;
	[dreg:$0x1] =	wrdreg $0xFFFFFFFF  }
0xad: {  	s28 =	simm.s32 $_size_execute0_lowered;
	s4 =	sadd.s32 s4, s6;
	[dreg:$0x0] =	wrdreg $0x0  }
0xae: {  	s6 =	sshll.u32 s28, $0x1;
	[dreg:$0x2] =	wrdreg s4  }
0xaf: {  	[dreg:$0x3] =	wrdreg s6  }
0xb0: {  	[dreg:$0x4] =	wrdreg $0xC0  }
0xb1: {  	_ =	task [dreg:s8], $0x5FFFF  }
0xb2: {  	[dreg:$0x1] =	wrdreg $0xFFFFFFFF  }
0xb3: {  	[dreg:$0x0] =	wrdreg $0x60  }
0xb4: {  	[dreg:$0x2] =	wrdreg s24  }
0xb5: {  	[dreg:$0x3] =	wrdreg s16  }
0xb6: {  	[dreg:$0x4] =	wrdreg s17  }
0xb7: {  	[dreg:$0x5] =	wrdreg $0x50800  }
0xb8: {  	[dreg:$0x6] =	wrdreg $0xED400  }
0xb9: {  	[dreg:$0x7] =	wrdreg $0x9  }
0xba: {  	_ =	task.clear_ibuf [dreg:s8], $0x8FFFF;
	_ =	strace $0x90000049  }
0xbb: {  	s29 =	simm.s32 $0x9;
	_ =	strace $0x8000004B  }
0xbc: {  	_ =	swait.ge [sflag:s29], $0x1  }
0xbd: {  	[sflag:s29] =	ssyncadd.s32 $0xFFFFFFFF  }
0xbe: {  	_ =	strace $0x9000004B  }
0xbf: {  	_ =	sfence  }
0xc0: {  	s30 =	sld [smem:$0x0];
	_ =	sdelay $0x2  }
0xc1: {  	s31 =	sshll.u32 s1, $0xD;
	s1 =	sshrl.u32 s1, $0x2  }
0xc2: {  	s3 =	sand.u32 $0x4000, s31;
	s1 =	sadd.s32 s1, s30  }
0xc3: {  	s0 =	sor.u32 s3, s0;
	s1 =	sshll.u32 s1, $0x11  }
0xc4: {  	s0 =	sor.u32 s1, s0  }
0xc5: {  	s0 =	sadd.s32 $0x8F2B, s0  }
0xc6: {  	[sflag:s0] =	ssyncadd.remote.s32 $0x1  }
0xc7: {  	_ =	sfence.sel $0xFFFF  }
0xc8: {  	[dreg:$0x0] =	wrdreg $0xFFFFFFFF;
	(pc) =	sbr.abs _section_cstart, $3  }
0xc9: {  	[dreg:$0x1] =	wrdreg $0xFFFFFFFF  }
0xca: {  	_ =	task.clear_ibuf [dreg:s8], $0x2FFFF;
	_ =	strace $0x9FFFFFFF  }
0xcb: {  	(tm) =	ssettm $0x7FFFFFFF  }
tec
execute0_lowered:
.L_overlay_start_1:
0x0: {  	(tag) =	ssettag $0x1  }
0x1: {  	s0 =	rddreg [dreg:$0x0]  }
0x2: {  	s10 =	rddreg [dreg:$0x1]  }
0x3: {  	s11 =	rddreg [dreg:$0x2]  }
0x4: {  	s16 =	rddreg [dreg:$0x3]  }
0x5: {  	s17 =	rddreg [dreg:$0x4];
	s3 =	simm.s32 $0x0  }
0x6: {  	s1 =	srdreg.scid;
	[smem:$0x7FF] =	sst s3  }
0x7: {  	s18 =	stileid.u32;
	s5 =	sadd.s32 $0x9CF200, s0;
	s7 =	sadd.s32 $0xEB1200, s0  }
0x8: {  	s4 =	sadd.s32 $0x1400, s0;
	s13 =	smul.u32 $0x138, s18;
	s8 =	sadd.s32 $0x1393200, s0  }
0x9: {  	s1 =	sand.u32 $0x1, s1;
	s21 =	smul.u32 $0x27000, s18;
	_ =	strace $0x8000004A  }
0xa: {  	s2 =	ssub.s32 $0x2, s1;
	s9 =	smul.u32 $0x1390, s1;
	s23 =	sshll.u32 s1, $0x4  }
0xb: {  	s1 =	sor.u32 s1, s18;
	s6 =	sshrl.u32 s2, $0x1;
	s14 =	sadd.s32 $0x20, s13  }
0xc: {  	s22 =	sxor.u32 $0x1390, s23;
	s0 =	sshrl.u32 s21, $0x2;
	s20 =	sshll.u32 s13, $0x7  }
0xd: {  	p0 =	sne.s32 s1, $0x0;
	s12 =	ssub.s32 s2, s6;
	s6 =	smul.u32 $0x3A800, s18  }
0xe: {  	s24 =	smul.u32 $0x300, s14;
	s26 =	sadd.s32 s0, s16;
	s14 =	sshll.u32 s14, $0x7  }
0xf: {  	s15 =	sadd.s32 s14, s16;
	[dreg:$0x6] =	wrdreg s26;
	s25 =	sshrl.u32 s6, $0x2  }
0x10: {  	[dreg:$0x8] =	wrdreg s15;
	s19 =	sshrl.u32 s24, $0x2;
	s21 =	sadd.s32 $0xC000, s6  }
0x11: {  	s23 =	sadd.s32 $0x12000, s6;
	s15 =	sadd.s32 $0x1E000, s6;
	s0 =	sadd.s32 s25, s17  }
0x12: {  	s2 =	sshrl.u32 s21, $0x2;
	s24 =	sshrl.u32 s23, $0x2;
	s25 =	sadd.s32 $0x18000, s6  }
0x13: {  	s21 =	sadd.s32 $0x2A000, s6;
	[dreg:$0x7] =	wrdreg s0;
	s0 =	sadd.s32 s19, s17  }
0x14: {  	s23 =	sadd.s32 $0x30000, s6;
	s2 =	sadd.s32 s2, s17;
	[dreg:$0x9] =	wrdreg s0  }
0x15: {  	s14 =	sshrl.u32 s25, $0x2;
	[dreg:$0xa] =	wrdreg s2;
	s2 =	sadd.s32 s24, s17  }
0x16: {  	s0 =	sadd.s32 s16, s20;
	s16 =	sadd.s32 $0x9C000, s16;
	[dreg:$0xb] =	wrdreg s2  }
0x17: {  	s25 =	sshrl.u32 s23, $0x2;
	s2 =	sadd.s32 s14, s17;
	[smem:$0x7FD] =	sst s16  }
0x18: {  	s19 =	sshrl.u32 s15, $0x2;
	s14 =	sadd.s32 s25, s17;
	[dreg:$0xc] =	wrdreg s2  }
0x19: {  	s20 =	sadd.s32 $0x24000, s6;
	s15 =	sadd.s32 $0x2000, s0;
	[dreg:$0x10] =	wrdreg s14  }
0x1a: {  	s1 =	sshrl.u32 s20, $0x2;
	s20 =	sadd.s32 $0x4000, s0;
	[dreg:$0x11] =	wrdreg s15  }
0x1b: {  	s24 =	sshrl.u32 s21, $0x2;
	s21 =	sadd.s32 $0x5000, s0;
	[dreg:$0x13] =	wrdreg s20  }
0x1c: {  	s28 =	simm.s32 $0x20;
	s23 =	sadd.s32 $0x6000, s0;
	[dreg:$0x14] =	wrdreg s21  }
0x1d: {  	s30 =	simm.s32 $0x1;
	s25 =	sadd.s32 $0x8000, s0;
	[dreg:$0x15] =	wrdreg s23  }
0x1e: {  	s31 =	simm.s32 $0x3;
	s2 =	sadd.s32 s19, s17;
	[dreg:$0x17] =	wrdreg s25  }
0x1f: {  	p1 =	sne.s32 s18, $0x0;
	s1 =	sadd.s32 s1, s17;
	[dreg:$0xd] =	wrdreg s2  }
0x20: {  	s29 =	smov.u32 s17;
	s19 =	sadd.s32 $0x3000, s0;
	[dreg:$0xe] =	wrdreg s1  }
0x21: {  	s6 =	sadd.s32 $0x36000, s6;
	s1 =	sadd.s32 s24, s17;
	[dreg:$0x12] =	wrdreg s19  }
0x22: {  	s15 =	smul.u32 $0x4E200, s18;
	s24 =	sadd.s32 $0x7000, s0;
	[dreg:$0xf] =	wrdreg s1  }
0x23: {  	s0 =	sadd.s32 $0x9000, s0;
	[dreg:$0x16] =	wrdreg s24;
	s1 =	smul.u32 $0x4E20, s18  }
0x24: {  	[dreg:$0x18] =	wrdreg s0;
	s0 =	sshrl.u32 s6, $0x2;
	s21 =	sadd.s32 s5, s15  }
0x25: {  	s6 =	sadd.s32 s8, s15;
	s18 =	simm.s32 $0x2;
	s0 =	sadd.s32 s0, s17  }
0x26: {  	[dreg:$0x1b] =	wrdreg s21;
	s21 =	sadd.s32 $0x13800, s10;
	s14 =	sshrl.u32 s1, $0x3  }
0x27: {  	[dreg:$0x19] =	wrdreg s0;
	s20 =	sadd.s32 $0x20, s1;
	s0 =	sadd.s32 s7, s15  }
0x28: {  	s15 =	sadd.s32 s13, s9;
	[smem:$0x7F9] =	sst s21;
	s21 =	simm.s32 $0x6  }
0x29: {  	v0 =	vmov s9;
	s9 =	simm.s32 $0x8;
	s19 =	sadd.s32 s4, s14;
	s23 =	sshrl.u32 s20, $0x3  }
0x2a: {  	s2 =	sshll.u32 s20, $0x4;
	[dreg:$0x1a] =	wrdreg s19;
	s14 =	sadd.s32 s4, s23  }
0x2b: {  	s25 =	sshll.u32 s15, $0x4;
	s24 =	sadd.s32 s5, s2;
	[dreg:$0x1c] =	wrdreg s14  }
0x2c: {  	s15 =	smul.u32 $0x18, s15;
	s19 =	sadd.s32 $0x40, s1;
	[dreg:$0x1d] =	wrdreg s24  }
0x2d: {  	s13 =	sadd.s32 s7, s2;
	s1 =	sadd.s32 $0x60, s1;
	[dreg:$0x1e] =	wrdreg s19  }
0x2e: {  	s23 =	sadd.s32 $0x1D400, s11;
	s14 =	sadd.s32 s8, s2;
	[dreg:$0x1f] =	wrdreg s1  }
0x2f: {  	s19 =	sadd.s32 s10, s25;
	s20 =	sadd.s32 s11, s15;
	[smem:$0x7FA] =	sst s23  }
.Ltmp0:
0x30: {  	s24 =	smax.u32 s12, $0x1;
	[smem:$0x7F7] =	sst s19;
	(pc) =	sbr.rel .LBB2_1-.Ltmp0, $4  }
0x31: {  	s25 =	sadd.s32 $0xEA000, s17;
	s11 =	simm.s32 $0x40;
	[smem:$0x7F8] =	sst s20  }
0x32: {  	s12 =	simm.s32 $0x5;
	s17 =	simm.s32 $0x7;
	[smem:$0x7FB] =	sst s24  }
0x33: {  	s10 =	simm.s32 $0x0;
	[smem:$0x7FC] =	sst s25;
	s24 =	simm.s32 $0x80  }
0x34: {  	v2 =	vimm.f32 $0.0e+00;
	v1 =	vmov s22;
	s25 =	simm.s32 $0x9;
	s19 =	simm.s32 $0x4;
	s20 =	simm.s32 $0x60  }
.LBB2_24:
0x35: {  	_ =	swait.ge [sflag:s30], $0x20  }
0x36: {  	[sflag:s30] =	ssyncset.done $0x0  }
0x37: {  	[sflag:s30] =	ssyncadd.s32 $0xFFFFFFE0  }
0x38: {  	v3 =	vld [tilespmem:$0x0]  }
0x39: {  	v4 =	vld [tilespmem:$0x10];
	_ =	sdelay $0x3  }
0x3a: {  	v3 =	vsub.s32 v3, v0  }
0x3b: {  	v4 =	vsub.s32 v4, v0;
	vm0 =	vgt.s32 v3, $0xFFFFFFFF;
	vm1 =	vlt.s32 v3, v1  }
0x3c: {  	vm14 =	vgt.s32 v4, $0xFFFFFFFF;
	vm2 =	vlt.s32 v4, v1;
	vm0 =	vmand vm0, vm1  }
0x3d: {  	vm15 =	vmand vm14, vm2;
	v3 =	vnsel vm0, $0x1390, v3  }
0x3e: {  	[tilespmem:$0x40] =	vst v3;
	v3 =	vnsel vm15, $0x1390, v4  }
0x3f: {  	[tilespmem:$0x50] =	vst v3  }
0x40: {  	_ =	swait.ge [sflag:s31], $0x1000  }
0x41: {  	[sflag:s31] =	ssyncset.done $0x0  }
0x42: {  	[sflag:s31] =	ssyncadd.s32 $0xFFFFF000  }
0x43: {  	s1 =	rddreg [dreg:$0x3]  }
0x44: {  	[spmem:s1] =	stream.indirect.scatter.add.f32 [tilespmem:s24], [sflag:$0x9], $0x80, s11, s28, $0xb8;
	[tilespmem:$0x1D860] =	vst v63  }
0x45: {  	_ =	swait.ge [sflag:s25], $0x1000  }
0x46: {  	[sflag:s25] =	ssyncset.done $0x0  }
0x47: {  	[sflag:s25] =	ssyncadd.s32 $0xFFFFF000  }
0x48: {  	_ =	swait.ge [sflag:s12], $0x1000  }
0x49: {  	[sflag:s12] =	ssyncset.done $0x0  }
0x4a: {  	[sflag:s12] =	ssyncadd.s32 $0xFFFFF000  }
0x4b: {  	_ =	swait.ge [sflag:s17], $0x800  }
0x4c: {  	[sflag:s17] =	ssyncset.done $0x0  }
0x4d: {  	s2 =	simm.s32 $0x2080;
	[sflag:s17] =	ssyncadd.s32 $0xFFFFF800  }
0x4e: {  	[spmem:s29] =	stream.indirect.scatter.add.f32 [tilespmem:s2], [sflag:$0x9], $0xC0, s11, s28, $0xb8;
	[tilespmem:$0x1D860] =	vst v63  }
0x4f: {  	_ =	swait.ge [sflag:s25], $0x1800  }
0x50: {  	[sflag:s25] =	ssyncset.done $0x0  }
0x51: {  	[sflag:s25] =	ssyncadd.s32 $0xFFFFE800  }
0x52: {  	s10 =	stileid.u32;
	[bflag:$0x0] =	sbarrier.arrive $0xFFFF  }
0x53: {  	s1 =	sshll.u32 s10, $0x6;
	s10 =	sld [smem:$0x7F7]  }
0x54: {  	s26 =	rddreg [dreg:$0x6]  }
0x55: {  	s1 =	sor.u32 $0x1C09, s1;
	s2 =	sshrl.u32 s26, $0x3  }
0x56: {  	[hbm:s10], [sflag:s1] =	dma.local [spmem:s2], $0x1380  }
0x57: {  	_ =	swait.ge [sflag:s25], $0x1380  }
0x58: {  	s16 =	sld [smem:$0x7F8]  }
0x59: {  	[sflag:s25] =	ssyncset.done $0x0;
	s15 =	rddreg [dreg:$0x7]  }
0x5a: {  	[sflag:s25] =	ssyncadd.s32 $0xFFFFEC80;
	s2 =	sshrl.u32 s15, $0x3  }
0x5b: {  	[hbm:s16], [sflag:s1] =	dma.local [spmem:s2], $0x1D40  }
0x5c: {  	_ =	swait.ge [sflag:s25], $0x1D40  }
0x5d: {  	s16 =	sld [smem:$0x7FD]  }
0x5e: {  	s10 =	sld [smem:$0x7F9]  }
0x5f: {  	[sflag:s25] =	ssyncset.done $0x0  }
0x60: {  	[sflag:s25] =	ssyncadd.s32 $0xFFFFE2C0;
	s2 =	sshrl.u32 @!p0 s16, $0x3  }
0x61: {  	[hbm:s10], [sflag:s1] =	dma.local @!p0 [spmem:s2], $0x100  }
0x62: {  	s2 =	simm.s32 @!p0 $0x9  }
0x63: {  	_ =	swait.ge @!p0 [sflag:s2], $0x100  }
0x64: {  	s10 =	sld [smem:$0x7FC]  }
0x65: {  	s15 =	sld [smem:$0x7FA]  }
0x66: {  	[sflag:s2] =	ssyncset.done @!p0 $0x0  }
0x67: {  	[sflag:s2] =	ssyncadd.s32 @!p0 $0xFFFFFF00;
	s10 =	sshrl.u32 @!p0 s10, $0x3  }
0x68: {  	[hbm:s15], [sflag:s1] =	dma.local @!p0 [spmem:s10], $0x180  }
0x69: {  	_ =	swait.ge @!p0 [sflag:s2], $0x180  }
0x6a: {  	s22 =	sld [smem:$0x7F6]  }
0x6b: {  	s23 =	sld [smem:$0x7FB];
	_ =	sdelay $0x1  }
0x6c: {  	s10 =	sadd.s32 $0x1, s22  }
0x6d: {  	p2 =	sne.s32 s10, s23  }
.Ltmp1:
0x6e: {  	_ = 	snop;
	(pc) =	sbr.rel @!p2 .LBB2_25-.Ltmp1, $3  }
0x6f: {  	_ =	sdelay $0x1  }
0x70: {  	[sflag:s2] =	ssyncset.done @!p0 $0x0  }
0x71: {  	[sflag:s2] =	ssyncadd.s32 @!p0 $0xFFFFFE80  }
.LBB2_1:
0x72: {  	[smem:$0x7F6] =	sst s10;
	s22 =	simm.s32 $0x0;
	s10 =	simm.s32 $0x200  }
.LBB2_2:
0x73: {  	p2 =	sne.s32 s10, $0x3E00;
	[tilespmem:s22+$0xF0] =	vst v2  }
0x74: {  	[tilespmem:s22+$0x80] =	vst v2  }
0x75: {  	[tilespmem:s22+$0x90] =	vst v2  }
.Ltmp2:
0x76: {  	[tilespmem:s22+$0xA0] =	vst v2;
	(pc) =	sbr.rel @p2 .LBB2_2-.Ltmp2, $4  }
0x77: {  	[tilespmem:s22+$0xB0] =	vst v2  }
0x78: {  	[tilespmem:s22+$0xC0] =	vst v2  }
0x79: {  	[tilespmem:s22+$0xD0] =	vst v2  }
0x7a: {  	[tilespmem:s22+$0xE0] =	vst v2;
	s22 =	sshra.s32 s10, $0x2;
	s10 =	sadd.s32 $0x200, s10  }
0x7b: {  	[tilespmem:s22+$0xF0] =	vst v2  }
0x7c: {  	[tilespmem:s22+$0x80] =	vst v2  }
0x7d: {  	[tilespmem:s22+$0x90] =	vst v2  }
0x7e: {  	[tilespmem:s22+$0xA0] =	vst v2  }
0x7f: {  	[tilespmem:s22+$0xB0] =	vst v2  }
0x80: {  	[tilespmem:s22+$0xC0] =	vst v2  }
0x81: {  	[tilespmem:s22+$0xD0] =	vst v2  }
0x82: {  	[tilespmem:s22+$0xE0] =	vst v2;
	s23 =	simm.s32 $0x0;
	s22 =	simm.s32 $0x300  }
.LBB2_4:
0x83: {  	p2 =	sne.s32 s22, $0x5D00;
	[tilespmem:s23+$0x2130] =	vst v2  }
0x84: {  	[tilespmem:s23+$0x2080] =	vst v2  }
0x85: {  	[tilespmem:s23+$0x2090] =	vst v2  }
0x86: {  	[tilespmem:s23+$0x20A0] =	vst v2  }
0x87: {  	[tilespmem:s23+$0x20B0] =	vst v2  }
0x88: {  	[tilespmem:s23+$0x20C0] =	vst v2  }
0x89: {  	[tilespmem:s23+$0x20D0] =	vst v2  }
.Ltmp3:
0x8a: {  	[tilespmem:s23+$0x20E0] =	vst v2;
	(pc) =	sbr.rel @p2 .LBB2_4-.Ltmp3, $4  }
0x8b: {  	[tilespmem:s23+$0x20F0] =	vst v2  }
0x8c: {  	[tilespmem:s23+$0x2100] =	vst v2  }
0x8d: {  	[tilespmem:s23+$0x2110] =	vst v2  }
0x8e: {  	[tilespmem:s23+$0x2120] =	vst v2;
	s23 =	sshra.s32 s22, $0x2;
	s22 =	sadd.s32 $0x300, s22  }
0x8f: {  	[tilespmem:s23+$0x2130] =	vst v2  }
0x90: {  	[tilespmem:s23+$0x2080] =	vst v2  }
0x91: {  	[tilespmem:s23+$0x2090] =	vst v2  }
0x92: {  	[tilespmem:s23+$0x20A0] =	vst v2  }
0x93: {  	[tilespmem:s23+$0x20B0] =	vst v2  }
0x94: {  	[tilespmem:s23+$0x20C0] =	vst v2  }
0x95: {  	[tilespmem:s23+$0x20D0] =	vst v2  }
0x96: {  	[tilespmem:s23+$0x20E0] =	vst v2  }
0x97: {  	[tilespmem:s23+$0x20F0] =	vst v2  }
0x98: {  	[tilespmem:s23+$0x2100] =	vst v2  }
0x99: {  	[tilespmem:s23+$0x2110] =	vst v2  }
0x9a: {  	[tilespmem:s23+$0x2120] =	vst v2  }
0x9b: {  	[spmem:s26] =	stream.linear.scatter [tilespmem:s24], [sflag:$0x9], $0x1000, $0x38;
	[tilespmem:$0x1D860] =	vst v63  }
0x9c: {  	_ =	swait.ge [sflag:s25], $0x1000  }
0x9d: {  	[sflag:s25] =	ssyncset.done $0x0  }
0x9e: {  	s2 =	simm.s32 $0x2080;
	s1 =	rddreg [dreg:$0x7];
	[sflag:s25] =	ssyncadd.s32 $0xFFFFF000  }
0x9f: {  	[spmem:s1] =	stream.linear.scatter [tilespmem:s2], [sflag:$0x9], $0x1800, $0x38;
	[tilespmem:$0x1D860] =	vst v63  }
0xa0: {  	_ =	swait.ge [sflag:s25], $0x1800  }
0xa1: {  	[sflag:s25] =	ssyncset.done $0x0  }
0xa2: {  	s26 =	rddreg [dreg:$0x8];
	[sflag:s25] =	ssyncadd.s32 $0xFFFFE800  }
0xa3: {  	[spmem:s26] =	stream.linear.scatter [tilespmem:s24], [sflag:$0x9], $0x1000, $0x38;
	[tilespmem:$0x1D860] =	vst v63  }
0xa4: {  	_ =	swait.ge [sflag:s25], $0x1000  }
0xa5: {  	[sflag:s25] =	ssyncset.done $0x0  }
0xa6: {  	s10 =	rddreg [dreg:$0x9];
	[sflag:s25] =	ssyncadd.s32 $0xFFFFF000  }
0xa7: {  	[spmem:s10] =	stream.linear.scatter [tilespmem:s2], [sflag:$0x9], $0x1800, $0x38;
	[tilespmem:$0x1D860] =	vst v63  }
0xa8: {  	_ =	swait.ge [sflag:s25], $0x1800  }
0xa9: {  	[sflag:s25] =	ssyncset.done $0x0  }
0xaa: {  	s15 =	rddreg [dreg:$0x11];
	[sflag:s25] =	ssyncadd.s32 $0xFFFFE800  }
0xab: {  	[spmem:s15] =	stream.linear.scatter [tilespmem:s24], [sflag:$0x9], $0x1000, $0x38;
	[tilespmem:$0x1D860] =	vst v63  }
0xac: {  	_ =	swait.ge [sflag:s25], $0x1000  }
0xad: {  	[sflag:s25] =	ssyncset.done $0x0  }
0xae: {  	s22 =	rddreg [dreg:$0xa];
	[sflag:s25] =	ssyncadd.s32 $0xFFFFF000  }
0xaf: {  	[spmem:s22] =	stream.linear.scatter [tilespmem:s2], [sflag:$0x9], $0x1800, $0x38;
	[tilespmem:$0x1D860] =	vst v63  }
0xb0: {  	_ =	swait.ge [sflag:s25], $0x1800  }
0xb1: {  	[sflag:s25] =	ssyncset.done $0x0  }
0xb2: {  	s23 =	rddreg [dreg:$0x12];
	[sflag:s25] =	ssyncadd.s32 $0xFFFFE800  }
0xb3: {  	[spmem:s23] =	stream.linear.scatter [tilespmem:s24], [sflag:$0x9], $0x1000, $0x38;
	[tilespmem:$0x1D860] =	vst v63  }
0xb4: {  	_ =	swait.ge [sflag:s25], $0x1000  }
0xb5: {  	[sflag:s25] =	ssyncset.done $0x0  }
0xb6: {  	s26 =	rddreg [dreg:$0xb];
	[sflag:s25] =	ssyncadd.s32 $0xFFFFF000  }
0xb7: {  	[spmem:s26] =	stream.linear.scatter [tilespmem:s2], [sflag:$0x9], $0x1800, $0x38;
	[tilespmem:$0x1D860] =	vst v63  }
0xb8: {  	_ =	swait.ge [sflag:s25], $0x1800  }
0xb9: {  	[sflag:s25] =	ssyncset.done $0x0  }
0xba: {  	s10 =	rddreg [dreg:$0x13];
	[sflag:s25] =	ssyncadd.s32 $0xFFFFE800  }
0xbb: {  	[spmem:s10] =	stream.linear.scatter [tilespmem:s24], [sflag:$0x9], $0x1000, $0x38;
	[tilespmem:$0x1D860] =	vst v63  }
0xbc: {  	_ =	swait.ge [sflag:s25], $0x1000  }
0xbd: {  	[sflag:s25] =	ssyncset.done $0x0  }
0xbe: {  	s15 =	rddreg [dreg:$0xc];
	[sflag:s25] =	ssyncadd.s32 $0xFFFFF000  }
0xbf: {  	[spmem:s15] =	stream.linear.scatter [tilespmem:s2], [sflag:$0x9], $0x1800, $0x38;
	[tilespmem:$0x1D860] =	vst v63  }
0xc0: {  	_ =	swait.ge [sflag:s25], $0x1800  }
0xc1: {  	[sflag:s25] =	ssyncset.done $0x0  }
0xc2: {  	s22 =	rddreg [dreg:$0x14];
	[sflag:s25] =	ssyncadd.s32 $0xFFFFE800  }
0xc3: {  	[spmem:s22] =	stream.linear.scatter [tilespmem:s24], [sflag:$0x9], $0x1000, $0x38;
	[tilespmem:$0x1D860] =	vst v63  }
0xc4: {  	_ =	swait.ge [sflag:s25], $0x1000  }
0xc5: {  	[sflag:s25] =	ssyncset.done $0x0  }
0xc6: {  	s23 =	rddreg [dreg:$0xd];
	[sflag:s25] =	ssyncadd.s32 $0xFFFFF000  }
0xc7: {  	[spmem:s23] =	stream.linear.scatter [tilespmem:s2], [sflag:$0x9], $0x1800, $0x38;
	[tilespmem:$0x1D860] =	vst v63  }
0xc8: {  	_ =	swait.ge [sflag:s25], $0x1800  }
0xc9: {  	[sflag:s25] =	ssyncset.done $0x0  }
0xca: {  	s26 =	rddreg [dreg:$0x15];
	[sflag:s25] =	ssyncadd.s32 $0xFFFFE800  }
0xcb: {  	[spmem:s26] =	stream.linear.scatter [tilespmem:s24], [sflag:$0x9], $0x1000, $0x38;
	[tilespmem:$0x1D860] =	vst v63  }
0xcc: {  	_ =	swait.ge [sflag:s25], $0x1000  }
0xcd: {  	[sflag:s25] =	ssyncset.done $0x0  }
0xce: {  	s10 =	rddreg [dreg:$0xe];
	[sflag:s25] =	ssyncadd.s32 $0xFFFFF000  }
0xcf: {  	[spmem:s10] =	stream.linear.scatter [tilespmem:s2], [sflag:$0x9], $0x1800, $0x38;
	[tilespmem:$0x1D860] =	vst v63  }
0xd0: {  	_ =	swait.ge [sflag:s25], $0x1800  }
0xd1: {  	[sflag:s25] =	ssyncset.done $0x0  }
0xd2: {  	s15 =	rddreg [dreg:$0x16];
	[sflag:s25] =	ssyncadd.s32 $0xFFFFE800  }
0xd3: {  	[spmem:s15] =	stream.linear.scatter [tilespmem:s24], [sflag:$0x9], $0x1000, $0x38;
	[tilespmem:$0x1D860] =	vst v63  }
0xd4: {  	_ =	swait.ge [sflag:s25], $0x1000  }
0xd5: {  	[sflag:s25] =	ssyncset.done $0x0  }
0xd6: {  	s22 =	rddreg [dreg:$0xf];
	[sflag:s25] =	ssyncadd.s32 $0xFFFFF000  }
0xd7: {  	[spmem:s22] =	stream.linear.scatter [tilespmem:s2], [sflag:$0x9], $0x1800, $0x38;
	[tilespmem:$0x1D860] =	vst v63  }
0xd8: {  	_ =	swait.ge [sflag:s25], $0x1800  }
0xd9: {  	[sflag:s25] =	ssyncset.done $0x0  }
0xda: {  	s23 =	rddreg [dreg:$0x17];
	[sflag:s25] =	ssyncadd.s32 $0xFFFFE800  }
0xdb: {  	[spmem:s23] =	stream.linear.scatter [tilespmem:s24], [sflag:$0x9], $0x1000, $0x38;
	[tilespmem:$0x1D860] =	vst v63  }
0xdc: {  	_ =	swait.ge [sflag:s25], $0x1000  }
0xdd: {  	[sflag:s25] =	ssyncset.done $0x0  }
0xde: {  	s26 =	rddreg [dreg:$0x10];
	[sflag:s25] =	ssyncadd.s32 $0xFFFFF000  }
0xdf: {  	[spmem:s26] =	stream.linear.scatter [tilespmem:s2], [sflag:$0x9], $0x1800, $0x38;
	[tilespmem:$0x1D860] =	vst v63  }
0xe0: {  	_ =	swait.ge [sflag:s25], $0x1800  }
0xe1: {  	[sflag:s25] =	ssyncset.done $0x0  }
0xe2: {  	s10 =	rddreg [dreg:$0x18];
	[sflag:s25] =	ssyncadd.s32 $0xFFFFE800  }
0xe3: {  	[spmem:s10] =	stream.linear.scatter [tilespmem:s24], [sflag:$0x9], $0xC00, $0x38;
	[tilespmem:$0x1D860] =	vst v63  }
0xe4: {  	_ =	swait.ge [sflag:s25], $0xC00  }
0xe5: {  	[sflag:s25] =	ssyncset.done $0x0  }
0xe6: {  	s15 =	rddreg [dreg:$0x19];
	[sflag:s25] =	ssyncadd.s32 $0xFFFFF400  }
0xe7: {  	[spmem:s15] =	stream.linear.scatter [tilespmem:s2], [sflag:$0x9], $0x1200, $0x38;
	[tilespmem:$0x1D860] =	vst v63  }
0xe8: {  	_ =	swait.ge [sflag:s25], $0x1200  }
0xe9: {  	[sflag:s25] =	ssyncset.done $0x0  }
0xea: {  	s1 =	simm.s32 @!p1 $0x80;
	[sflag:s25] =	ssyncadd.s32 $0xFFFFEE00  }
0xeb: {  	[spmem:s16] =	stream.linear.scatter @!p1 [tilespmem:s1], [sflag:$0x9], $0xC00, $0x38;
	[tilespmem:$0x1D860] =	vst v63  }
0xec: {  	s1 =	simm.s32 @!p1 $0x9  }
0xed: {  	_ =	swait.ge @!p1 [sflag:s1], $0xC00  }
0xee: {  	s10 =	sld [smem:$0x7FC]  }
0xef: {  	[sflag:s1] =	ssyncset.done @!p1 $0x0  }
0xf0: {  	s2 =	simm.s32 @!p1 $0x2080;
	[sflag:s1] =	ssyncadd.s32 @!p1 $0xFFFFF400  }
0xf1: {  	[spmem:s10] =	stream.linear.scatter @!p1 [tilespmem:s2], [sflag:$0x9], $0x1200, $0x38;
	[tilespmem:$0x1D860] =	vst v63  }
0xf2: {  	_ =	swait.ge @!p1 [sflag:s1], $0x1200  }
0xf3: {  	[sflag:s1] =	ssyncset.done @!p1 $0x0  }
0xf4: {  	[sflag:s1] =	ssyncadd.s32 @!p1 $0xFFFFEE00  }
0xf5: {  	s22 =	simm.s32 $0x0;
	[bflag:$0x0] =	sbarrier.arrive $0xFFFF  }
0xf6: {  	s16 =	sadd.s32 $0x0, s0;
	s10 =	simm.s32 $0x10;
	s23 =	rddreg [dreg:$0x1a]  }
0xf7: {  	[tilespmem:s22], [sflag:$0x1] =	stream.linear.gather [hbm4b:s23+s22], $0x20, $0x38;
	[tilespmem:$0x1D860] =	vst v63  }
0xf8: {  	s2 =	simm.s32 $0x2140;
	s1 =	simm.s32 $0x2080;
	s26 =	rddreg [dreg:$0x1b]  }
0xf9: {  	[tilespmem:s24], [sflag:$0x3] =	stream.linear.gather [hbm4b:s26+s22], $0x1000, $0x38;
	[tilespmem:$0x1D860] =	vst v63  }
.LBB2_6:
0xfa: {  	[tilespmem:s1], [sflag:$0x5] =	stream.linear.gather [hbm4b:s16+s3], $0x80, $0x38;
	[tilespmem:$0x1D860] =	vst v63  }
0xfb: {  	s15 =	smov.u32 s10;
	s1 =	smov.u32 s2;
	p2 =	sne.s32 s10, $0x1F0  }
.Ltmp4:
0xfc: {  	s10 =	sadd.s32 $0x10, s10;
	(pc) =	sbr.rel @p2 .LBB2_6-.Ltmp4, $2  }
0xfd: {  	_ =	sdelay $0x2  }
0xfe: {  	s2 =	sadd.s32 $0xC0, s2;
	s16 =	sadd.s32 s15, s0  }
0xff: {  	[tilespmem:s1], [sflag:$0x5] =	stream.linear.gather [hbm4b:s16+s3], $0x80, $0x38;
	[tilespmem:$0x1D860] =	vst v63  }
0x100: {  	s1 =	simm.s32 $0x2100  }
0x101: {  	s10 =	simm.s32 $0x10;
	s16 =	sadd.s32 $0x0, s6;
	s2 =	simm.s32 $0x21C0  }
.LBB2_8:
0x102: {  	[tilespmem:s1], [sflag:$0x7] =	stream.linear.gather [hbm4b:s16+s3], $0x40, $0x38;
	[tilespmem:$0x1D860] =	vst v63  }
0x103: {  	s15 =	smov.u32 s10;
	s1 =	smov.u32 s2;
	p2 =	sne.s32 s10, $0x1F0  }
.Ltmp5:
0x104: {  	s10 =	sadd.s32 $0x10, s10;
	(pc) =	sbr.rel @p2 .LBB2_8-.Ltmp5, $2  }
0x105: {  	_ =	sdelay $0x2  }
0x106: {  	s2 =	sadd.s32 $0xC0, s2;
	s16 =	sadd.s32 s15, s6  }
0x107: {  	[tilespmem:s1], [sflag:$0x7] =	stream.linear.gather [hbm4b:s16+s3], $0x40, $0x38;
	[tilespmem:$0x1D860] =	vst v63  }
0x108: {  	s23 =	simm.s32 $0x0;
	s2 =	rddreg [dreg:$0x1c]  }
0x109: {  	[tilespmem:s28], [sflag:$0x2] =	stream.linear.gather [hbm4b:s2+s23], $0x20, $0x38;
	[tilespmem:$0x1D860] =	vst v63  }
0x10a: {  	s26 =	rddreg [dreg:$0x1d];
	s10 =	simm.s32 $0x1080;
	s1 =	simm.s32 $0x3880  }
0x10b: {  	[tilespmem:s10], [sflag:$0x4] =	stream.linear.gather [hbm4b:s26+s23], $0x1000, $0x38;
	[tilespmem:$0x1D860] =	vst v63  }
0x10c: {  	s16 =	sadd.s32 $0x0, s13;
	s2 =	simm.s32 $0x3940;
	s10 =	simm.s32 $0x10  }
.LBB2_10:
0x10d: {  	[tilespmem:s1], [sflag:$0x6] =	stream.linear.gather [hbm4b:s16+s3], $0x80, $0x38;
	[tilespmem:$0x1D860] =	vst v63  }
0x10e: {  	s15 =	smov.u32 s10;
	s1 =	smov.u32 s2;
	p2 =	sne.s32 s10, $0x1F0  }
.Ltmp6:
0x10f: {  	s10 =	sadd.s32 $0x10, s10;
	(pc) =	sbr.rel @p2 .LBB2_10-.Ltmp6, $2  }
0x110: {  	_ =	sdelay $0x2  }
0x111: {  	s2 =	sadd.s32 $0xC0, s2;
	s16 =	sadd.s32 s15, s13  }
0x112: {  	[tilespmem:s1], [sflag:$0x6] =	stream.linear.gather [hbm4b:s16+s3], $0x80, $0x38;
	[tilespmem:$0x1D860] =	vst v63  }
0x113: {  	s23 =	simm.s32 $0x0;
	s1 =	simm.s32 $0x3900  }
0x114: {  	s10 =	simm.s32 $0x10;
	s16 =	sadd.s32 $0x0, s14;
	s2 =	simm.s32 $0x39C0  }
.LBB2_12:
0x115: {  	[tilespmem:s1], [sflag:$0x8] =	stream.linear.gather [hbm4b:s16+s23], $0x40, $0x38;
	[tilespmem:$0x1D860] =	vst v63  }
0x116: {  	s15 =	smov.u32 s10;
	s1 =	smov.u32 s2;
	p2 =	sne.s32 s10, $0x1F0  }
.Ltmp7:
0x117: {  	s10 =	sadd.s32 $0x10, s10;
	(pc) =	sbr.rel @p2 .LBB2_12-.Ltmp7, $2  }
0x118: {  	_ =	sdelay $0x2  }
0x119: {  	s2 =	sadd.s32 $0xC0, s2;
	s16 =	sadd.s32 s15, s14  }
0x11a: {  	[tilespmem:s1], [sflag:$0x8] =	stream.linear.gather [hbm4b:s16+s23], $0x40, $0x38;
	[tilespmem:$0x1D860] =	vst v63  }
.LBB2_14:
0x11b: {  	_ =	swait.ge [sflag:s30], $0x20  }
0x11c: {  	[sflag:s30] =	ssyncset.done $0x0  }
0x11d: {  	[sflag:s30] =	ssyncadd.s32 $0xFFFFFFE0  }
0x11e: {  	v3 =	vld [tilespmem:$0x0]  }
0x11f: {  	v4 =	vld [tilespmem:$0x10];
	_ =	sdelay $0x3  }
0x120: {  	v3 =	vsub.s32 v3, v0  }
0x121: {  	v4 =	vsub.s32 v4, v0;
	vm0 =	vgt.s32 v3, $0xFFFFFFFF;
	vm1 =	vlt.s32 v3, v1  }
0x122: {  	vm14 =	vgt.s32 v4, $0xFFFFFFFF;
	vm2 =	vlt.s32 v4, v1;
	vm0 =	vmand vm0, vm1  }
0x123: {  	vm15 =	vmand vm14, vm2;
	v3 =	vnsel vm0, $0x1390, v3  }
0x124: {  	[tilespmem:$0x40] =	vst v3;
	v3 =	vnsel vm15, $0x1390, v4  }
0x125: {  	[tilespmem:$0x50] =	vst v3  }
0x126: {  	_ =	swait.ge [sflag:s31], $0x1000  }
0x127: {  	[sflag:s31] =	ssyncset.done $0x0  }
0x128: {  	[sflag:s31] =	ssyncadd.s32 $0xFFFFF000  }
0x129: {  	s1 =	rddreg [dreg:$0x3]  }
0x12a: {  	[spmem:s1] =	stream.indirect.scatter.add.f32 [tilespmem:s24], [sflag:$0x9], $0x80, s11, s28, $0xb8;
	[tilespmem:$0x1D860] =	vst v63  }
0x12b: {  	_ =	swait.ge [sflag:s25], $0x1000  }
0x12c: {  	[sflag:s25] =	ssyncset.done $0x0  }
0x12d: {  	[sflag:s25] =	ssyncadd.s32 $0xFFFFF000  }
0x12e: {  	_ =	swait.ge [sflag:s12], $0x1000  }
0x12f: {  	[sflag:s12] =	ssyncset.done $0x0  }
0x130: {  	[sflag:s12] =	ssyncadd.s32 $0xFFFFF000  }
0x131: {  	_ =	swait.ge [sflag:s17], $0x800  }
0x132: {  	[sflag:s17] =	ssyncset.done $0x0  }
0x133: {  	s22 =	simm.s32 $0x2080;
	[sflag:s17] =	ssyncadd.s32 $0xFFFFF800  }
0x134: {  	[spmem:s29] =	stream.indirect.scatter.add.f32 [tilespmem:s22], [sflag:$0x9], $0xC0, s11, s28, $0xb8;
	[tilespmem:$0x1D860] =	vst v63  }
0x135: {  	_ =	swait.ge [sflag:s25], $0x1800  }
0x136: {  	s26 =	sshll.u32 s23, $0x6;
	s16 =	rddreg [dreg:$0x1e]  }
0x137: {  	s1 =	sadd.s32 s26, s16  }
0x138: {  	s15 =	simm.s32 $0x0;
	[sflag:s25] =	ssyncset.done $0x0;
	s2 =	sshrl.u32 s1, $0x3  }
0x139: {  	[sflag:s25] =	ssyncadd.s32 $0xFFFFE800;
	s10 =	sshll.u32 s1, $0x4;
	s2 =	sadd.s32 s4, s2  }
0x13a: {  	[tilespmem:s15], [sflag:$0x1] =	stream.linear.gather [hbm4b:s2+s15], $0x20, $0x38;
	[tilespmem:$0x1D860] =	vst v63  }
0x13b: {  	s1 =	sadd.s32 s5, s10  }
0x13c: {  	[tilespmem:s24], [sflag:$0x3] =	stream.linear.gather [hbm4b:s1+s15], $0x1000, $0x38;
	[tilespmem:$0x1D860] =	vst v63  }
0x13d: {  	s1 =	sadd.s32 s7, s10  }
0x13e: {  	s16 =	simm.s32 $0x2140;
	s2 =	simm.s32 $0x10;
	s15 =	sadd.s32 $0x0, s1  }
.LBB2_15:
0x13f: {  	[tilespmem:s22], [sflag:$0x5] =	stream.linear.gather [hbm4b:s15+s3], $0x80, $0x38;
	[tilespmem:$0x1D860] =	vst v63  }
0x140: {  	s15 =	smov.u32 s2;
	s22 =	smov.u32 s16;
	p2 =	sne.s32 s2, $0x1F0  }
.Ltmp8:
0x141: {  	s2 =	sadd.s32 $0x10, s2;
	(pc) =	sbr.rel @p2 .LBB2_15-.Ltmp8, $2  }
0x142: {  	_ =	sdelay $0x2  }
0x143: {  	s16 =	sadd.s32 $0xC0, s16;
	s15 =	sadd.s32 s15, s1  }
0x144: {  	[tilespmem:s22], [sflag:$0x5] =	stream.linear.gather [hbm4b:s15+s3], $0x80, $0x38;
	[tilespmem:$0x1D860] =	vst v63  }
0x145: {  	s10 =	sadd.s32 s8, s10;
	s1 =	simm.s32 $0x2100  }
0x146: {  	s2 =	simm.s32 $0x10;
	s16 =	simm.s32 $0x21C0;
	s15 =	sadd.s32 $0x0, s10  }
.LBB2_17:
0x147: {  	[tilespmem:s1], [sflag:$0x7] =	stream.linear.gather [hbm4b:s15+s3], $0x40, $0x38;
	[tilespmem:$0x1D860] =	vst v63  }
0x148: {  	s15 =	smov.u32 s2;
	s1 =	smov.u32 s16;
	p2 =	sne.s32 s2, $0x1F0  }
.Ltmp9:
0x149: {  	s2 =	sadd.s32 $0x10, s2;
	(pc) =	sbr.rel @p2 .LBB2_17-.Ltmp9, $2  }
0x14a: {  	_ =	sdelay $0x2  }
0x14b: {  	s16 =	sadd.s32 $0xC0, s16;
	s15 =	sadd.s32 s15, s10  }
0x14c: {  	[tilespmem:s1], [sflag:$0x7] =	stream.linear.gather [hbm4b:s15+s3], $0x40, $0x38;
	[tilespmem:$0x1D860] =	vst v63  }
0x14d: {  	_ =	swait.ge [sflag:s18], $0x20  }
0x14e: {  	[sflag:s18] =	ssyncset.done $0x0  }
0x14f: {  	[sflag:s18] =	ssyncadd.s32 $0xFFFFFFE0  }
0x150: {  	v3 =	vld [tilespmem:$0x20]  }
0x151: {  	v4 =	vld [tilespmem:$0x30];
	_ =	sdelay $0x3  }
0x152: {  	v3 =	vsub.s32 v3, v0  }
0x153: {  	v4 =	vsub.s32 v4, v0;
	vm0 =	vgt.s32 v3, $0xFFFFFFFF;
	vm1 =	vlt.s32 v3, v1  }
0x154: {  	vm14 =	vgt.s32 v4, $0xFFFFFFFF;
	vm2 =	vlt.s32 v4, v1;
	vm0 =	vmand vm0, vm1  }
0x155: {  	vm15 =	vmand vm14, vm2;
	v3 =	vnsel vm0, $0x1390, v3  }
0x156: {  	[tilespmem:$0x60] =	vst v3;
	v3 =	vnsel vm15, $0x1390, v4  }
0x157: {  	[tilespmem:$0x70] =	vst v3  }
0x158: {  	_ =	swait.ge [sflag:s19], $0x1000  }
0x159: {  	[sflag:s19] =	ssyncset.done $0x0  }
0x15a: {  	[sflag:s19] =	ssyncadd.s32 $0xFFFFF000  }
0x15b: {  	s15 =	simm.s32 $0x1080;
	s16 =	rddreg [dreg:$0x3]  }
0x15c: {  	[spmem:s16] =	stream.indirect.scatter.add.f32 [tilespmem:s15], [sflag:$0x9], $0x80, s20, s28, $0xb8;
	[tilespmem:$0x1D860] =	vst v63  }
0x15d: {  	_ =	swait.ge [sflag:s25], $0x1000  }
0x15e: {  	[sflag:s25] =	ssyncset.done $0x0  }
0x15f: {  	[sflag:s25] =	ssyncadd.s32 $0xFFFFF000  }
0x160: {  	_ =	swait.ge [sflag:s21], $0x1000  }
0x161: {  	[sflag:s21] =	ssyncset.done $0x0  }
0x162: {  	[sflag:s21] =	ssyncadd.s32 $0xFFFFF000  }
0x163: {  	_ =	swait.ge [sflag:s9], $0x800  }
0x164: {  	p2 =	seq.s32 s23, $0x137;
	[sflag:s9] =	ssyncset.done $0x0  }
.Ltmp10:
0x165: {  	s22 =	simm.s32 $0x3880;
	[sflag:s9] =	ssyncadd.s32 $0xFFFFF800;
	(pc) =	sbr.rel @p2 .LBB2_24-.Ltmp10, $4  }
0x166: {  	[spmem:s29] =	stream.indirect.scatter.add.f32 [tilespmem:s22], [sflag:$0x9], $0xC0, s20, s28, $0xb8;
	[tilespmem:$0x1D860] =	vst v63  }
0x167: {  	_ =	swait.ge [sflag:s25], $0x1800  }
0x168: {  	[sflag:s25] =	ssyncset.done $0x0  }
0x169: {  	[sflag:s25] =	ssyncadd.s32 $0xFFFFE800  }
0x16a: {  	s1 =	rddreg [dreg:$0x1f]  }
0x16b: {  	s1 =	sadd.s32 s26, s1  }
0x16c: {  	s2 =	sshrl.u32 s1, $0x3  }
0x16d: {  	s10 =	simm.s32 $0x0;
	s22 =	sshll.u32 s1, $0x4;
	s2 =	sadd.s32 s4, s2  }
0x16e: {  	[tilespmem:s28], [sflag:$0x2] =	stream.linear.gather [hbm4b:s2+s10], $0x20, $0x38;
	[tilespmem:$0x1D860] =	vst v63  }
0x16f: {  	s1 =	sadd.s32 s5, s22  }
0x170: {  	[tilespmem:s15], [sflag:$0x4] =	stream.linear.gather [hbm4b:s1+s10], $0x1000, $0x38;
	[tilespmem:$0x1D860] =	vst v63  }
0x171: {  	s16 =	simm.s32 $0x3940;
	s10 =	sadd.s32 s7, s22  }
0x172: {  	s2 =	simm.s32 $0x10;
	s1 =	simm.s32 $0x3880;
	s15 =	sadd.s32 $0x0, s10  }
.LBB2_20:
0x173: {  	[tilespmem:s1], [sflag:$0x6] =	stream.linear.gather [hbm4b:s15+s3], $0x80, $0x38;
	[tilespmem:$0x1D860] =	vst v63  }
0x174: {  	s15 =	smov.u32 s2;
	s1 =	smov.u32 s16;
	p2 =	sne.s32 s2, $0x1F0  }
.Ltmp11:
0x175: {  	s2 =	sadd.s32 $0x10, s2;
	(pc) =	sbr.rel @p2 .LBB2_20-.Ltmp11, $2  }
0x176: {  	_ =	sdelay $0x2  }
0x177: {  	s16 =	sadd.s32 $0xC0, s16;
	s15 =	sadd.s32 s15, s10  }
0x178: {  	[tilespmem:s1], [sflag:$0x6] =	stream.linear.gather [hbm4b:s15+s3], $0x80, $0x38;
	[tilespmem:$0x1D860] =	vst v63  }
0x179: {  	s10 =	sadd.s32 s8, s22;
	s1 =	simm.s32 $0x3900  }
0x17a: {  	s2 =	simm.s32 $0x10;
	s16 =	simm.s32 $0x39C0;
	s15 =	sadd.s32 $0x0, s10  }
.LBB2_22:
0x17b: {  	[tilespmem:s1], [sflag:$0x8] =	stream.linear.gather [hbm4b:s15+s3], $0x40, $0x38;
	[tilespmem:$0x1D860] =	vst v63  }
0x17c: {  	s15 =	smov.u32 s2;
	s1 =	smov.u32 s16;
	p2 =	sne.s32 s2, $0x1F0  }
.Ltmp12:
0x17d: {  	s2 =	sadd.s32 $0x10, s2;
	(pc) =	sbr.rel @p2 .LBB2_22-.Ltmp12, $2  }
0x17e: {  	_ =	sdelay $0x2  }
0x17f: {  	s16 =	sadd.s32 $0xC0, s16;
	s15 =	sadd.s32 s15, s10  }
.Ltmp13:
0x180: {  	(pc) =	sbr.rel .LBB2_14-.Ltmp13, $3  }
0x181: {  	_ =	sdelay $0x1  }
0x182: {  	[tilespmem:s1], [sflag:$0x8] =	stream.linear.gather [hbm4b:s15+s3], $0x40, $0x38;
	[tilespmem:$0x1D860] =	vst v63  }
0x183: {  	s23 =	sadd.s32 $0x1, s23  }
.LBB2_25:
0x184: {  	_ =	sfence.sel $0x180000  }
0x185: {  	[bflag:$0x0] =	sbarrier.arrive $0xFFFF  }
0x186: {  	_ =	strace $0x9000004A  }
0x187: {  	[bflag:$0x2] =	sbarrier.arrive $0xFFFF  }
0x188: {  	s0 =	rddreg [dreg:$0x5]  }
0x189: {  	s0 =	sadd.s32 @!p1 $0x100000, s0  }
0x18a: {  	[sflag:s0] =	ssyncadd.tile.s32 @!p1 $0x1;
	_ =	shalt  }
.Lfunc_end2:
_tile_overlayer_lowered:
.L_overlay_start_2:
0x18b: {  	(tag) =	ssettag $0x2  }
0x18c: {  	s0 =	rddreg [dreg:$0x0];
	s2 =	stileid.u32  }
0x18d: {  	s1 =	rddreg [dreg:$0x1];
	p0 =	sne.s32 s2, $0x0  }
0x18e: {  	s3 =	rddreg [dreg:$0x2];
	[bflag:$0x3] =	sbarrier.arrive $0xFFFF;
	s2 =	simm.s32 @!p0 $0x1C09  }
0x18f: {  	[timem:s3], [sflag:s2] =	dma.local @!p0 [hbm:s0], s1  }
0x190: {  	s0 =	simm.s32 @!p0 $0x9  }
0x191: {  	_ =	swait.ge @!p0 [sflag:s0], s1  }
0x192: {  	s1 =	ssub.s32 @!p0 $0x0, s1;
	[sflag:s0] =	ssyncset.done @!p0 $0x0  }
0x193: {  	[sflag:s0] =	ssyncadd.s32 @!p0 s1  }
0x194: {  	[bflag:$0x3] =	sbarrier.arrive $0xFFFF  }
0x195: {  	_ =	shalt  }

</sc_bundles>
